<compile_context>
chip_gen: v7x
topology: tpu7x:2x2x1
jax: 0.10.2.dev20260603
libtpu: 0.0.44.dev20260713+nightly
codegen_flags: <defaults>
</compile_context>

<pallas_src>
import functools

import jax
import jax.numpy as jnp
from jax import lax
from jax.experimental import pallas as pl
from jax.experimental.pallas import tpu as pltpu
from jax.experimental.pallas import tpu_sc as plsc

N_EDGES = 160000
N_NODES = 10000
D = 256
LN2 = 0.6931471805599453

N_TILES = 32
NPT = 320
ACC = NPT + 8
N_OUT_PAD = NPT * N_TILES
CH = 128
SEG_ROWS = N_EDGES // 16

BE = 2000


def _ssp(x):
    return jnp.logaddexp(x, 0.0) - LN2


def _mlp_body(seg_ref, x_ref, w1_ref, b1_ref, w2_ref, b2_ref,
              out_ref, splits_ref):
    x = x_ref[...]
    h = _ssp(jnp.dot(x, w1_ref[...], preferred_element_type=jnp.float32)
             + b1_ref[...])
    w = _ssp(jnp.dot(h, w2_ref[...], preferred_element_type=jnp.float32)
             + b2_ref[...])
    out_ref[...] = w

    @pl.when(pl.program_id(0) == 0)
    def _():
        seg = seg_ref[...]
        for k in range(48):
            cnt = jnp.sum((seg < jnp.int32(NPT * k)).astype(jnp.int32))
            splits_ref[k] = cnt


def _mlp_call(seg2d, dijk, W1, b1, W2, b2):
    grid = (N_EDGES // BE,)
    return pl.pallas_call(
        _mlp_body,
        grid=grid,
        in_specs=[
            pl.BlockSpec((SEG_ROWS // 8, 128), lambda i: (0, 0)),
            pl.BlockSpec((BE, D), lambda i: (i, 0)),
            pl.BlockSpec((D, D), lambda i: (0, 0)),
            pl.BlockSpec((1, D), lambda i: (0, 0)),
            pl.BlockSpec((D, D), lambda i: (0, 0)),
            pl.BlockSpec((1, D), lambda i: (0, 0)),
        ],
        out_specs=[
            pl.BlockSpec((BE, D), lambda i: (i, 0)),
            pl.BlockSpec(memory_space=pltpu.SMEM),
        ],
        out_shape=[
            jax.ShapeDtypeStruct((N_EDGES, D), jnp.float32),
            jax.ShapeDtypeStruct((48,), jnp.int32),
        ],
    )(seg2d, dijk, W1, b1, W2, b2)


def _sc_segsum_body(w_hbm, seg_hbm, splits_hbm, zeros_hbm, out_hbm,
                    acc, buf, segb, idxb, spl):
    c = lax.axis_index("c")
    s = lax.axis_index("s")
    wid = s * 2 + c
    base = NPT * wid

    pltpu.sync_copy(zeros_hbm, acc)

    pltpu.sync_copy(splits_hbm, spl)
    iot = lax.iota(jnp.int32, 16)
    sv2 = spl[pl.ds(wid, 16)]
    start = sv2[0]
    end = sv2[1]
    r0 = (start // 128) * 8
    r1 = (end + 15) // 16
    nch = jnp.maximum(0, (r1 - r0 + 7) // 8)

    lane15 = iot == 15

    def chunk(k, wm):
        rs = jnp.minimum(r0 + 8 * k, SEG_ROWS - 8)
        pltpu.sync_copy(w_hbm.at[pl.ds(rs * 16 * D, CH * D)], buf)
        pltpu.sync_copy(seg_hbm.at[pl.ds(rs * 16, 144)], segb)
        for j in range(8):
            sv = segb[pl.ds(16 * j, 16)]
            svn = segb[pl.ds(16 * j + 1, 16)]
            eid = (rs + j) * 16 + iot
            li_raw = sv - base
            ok = (li_raw >= 0) & (li_raw < NPT) & (eid >= wm)
            li = jnp.where(ok, li_raw, NPT)
            lin_raw = svn - base
            okn = (lin_raw >= 0) & (lin_raw < NPT) & (eid + 1 >= wm)
            lin = jnp.where(okn, lin_raw, NPT)
            idxb[pl.ds(16 * j, 16)] = li * D

        @plsc.parallel_loop(0, CH, 1, unroll=4)
        def _edge(e):
            base_off = idxb[pl.ds(e, 16)][0]
            for q in range(D // 16):
                v = buf[pl.ds(e * D + 16 * q, 16)]
                plsc.addupdate(acc.at[pl.ds(base_off + 16 * q, 16)], v)

        return (rs + 8) * 16

    lax.fori_loop(0, nch, chunk, jnp.int32(0))

    pltpu.sync_copy(acc.at[pl.ds(0, NPT * D)],
                    out_hbm.at[pl.ds(base * D, NPT * D)])


def _sc_segsum(w_ijk, seg16, splits, zeros):
    mesh = plsc.VectorSubcoreMesh(core_axis_name="c", subcore_axis_name="s")
    f = functools.partial(
        pl.kernel,
        mesh=mesh,
        compiler_params=pltpu.CompilerParams(needs_layout_passes=False),
        out_type=jax.ShapeDtypeStruct((N_OUT_PAD * D,), jnp.float32),
        scratch_types=[
            pltpu.VMEM((ACC * D,), jnp.float32),
            pltpu.VMEM((CH * D,), jnp.float32),
            pltpu.VMEM((144,), jnp.int32),
            pltpu.VMEM((CH + 16,), jnp.int32),
            pltpu.VMEM((48,), jnp.int32),
        ],
    )(_sc_segsum_body)
    return f(w_ijk.reshape(-1), seg16.reshape(-1), splits, zeros.reshape(-1))


def kernel(dijk, seg_j, W1, b1, W2, b2):
    seg_j = seg_j.astype(jnp.int32)
    seg2d = seg_j.reshape(SEG_ROWS // 8, 128)
    seg16 = jnp.concatenate([seg_j, jnp.full((144,), 2**30, jnp.int32)])
    w_ijk, splits = _mlp_call(seg2d, dijk, W1, b1.reshape(1, D),
                              W2, b2.reshape(1, D))
    zeros = jnp.zeros((ACC, D), jnp.float32)
    w_pad = _sc_segsum(w_ijk, seg16, splits, zeros).reshape(N_OUT_PAD, D)
    return w_pad[:N_NODES]

# --- scband reference (transcript-rebuilt; emitter-appended) ---
"""Pipeline reference for scband-cfnet-filter-83373905150296 (READ-ONLY COPY).

The authoritative reference and input builder live on the scoring server;
editing this copy changes nothing except your own understanding.
"""

import jax, jax.numpy as jnp
import numpy as np

N_EDGES = 160000
N_NODES = 10000
INPUT_SIZE = 256
FILTERS_NUM = 256

def shifted_softplus(x):
    # ln(0.5*e^x + 0.5) = softplus(x) - ln(2)
    return jnp.logaddexp(x, 0.0) - jnp.log(2.0)

def setup_inputs(seed: int = 0) -> dict:
    key = jax.random.key(seed)
    k1, k2, k3, k4, k5, k6 = jax.random.split(key, 6)
    dijk = jax.random.normal(k1, (N_EDGES, INPUT_SIZE), dtype=jnp.float32)
    seg_j = jnp.sort(jax.random.randint(k2, (N_EDGES,), 0, N_NODES))
    s1 = 1.0 / np.sqrt(INPUT_SIZE)
    s2 = 1.0 / np.sqrt(FILTERS_NUM)
    W1 = jax.random.uniform(k3, (INPUT_SIZE, FILTERS_NUM), dtype=jnp.float32, minval=-s1, maxval=s1)
    b1 = jax.random.uniform(k4, (FILTERS_NUM,), dtype=jnp.float32, minval=-s1, maxval=s1)
    W2 = jax.random.uniform(k5, (FILTERS_NUM, FILTERS_NUM), dtype=jnp.float32, minval=-s2, maxval=s2)
    b2 = jax.random.uniform(k6, (FILTERS_NUM,), dtype=jnp.float32, minval=-s2, maxval=s2)
    return {"dijk": dijk, "seg_j": seg_j, "W1": W1, "b1": b1, "W2": W2, "b2": b2}

def reference(dijk, seg_j, W1, b1, W2, b2):
    # dense1: Linear + shifted_softplus
    h = shifted_softplus(dijk @ W1 + b1)
    # dense2: Linear + shifted_softplus
    w_ijk = shifted_softplus(h @ W2 + b2)
    # PoolSegments('sum'): segment sum of per-edge filter values into per-pair/node segments
    w_ij = jax.ops.segment_sum(w_ijk, seg_j, num_segments=N_NODES)
    return w_ij

if __name__ == "__main__":
    import jax
    _d = setup_inputs()
    print(jax.jit(kernel)(*tuple(_d.values())))

</pallas_src>

<mosaic_0001>
#map = affine_map<(d0, d1) -> (0)>
module attributes {stable_mosaic.version = 14 : i64} {
  func.func @_sc_segsum_body(%arg0: i32, %arg1: i32, %arg2: memref<40960000xf32, #tpu.memory_space<hbm>>, %arg3: memref<160144xi32, #tpu.memory_space<hbm>>, %arg4: memref<48xi32, #tpu.memory_space<hbm>>, %arg5: memref<83968xf32, #tpu.memory_space<hbm>>, %arg6: memref<2621440xf32, #tpu.memory_space<hbm>>, %arg7: memref<83968xf32, #tpu.memory_space<vmem>>, %arg8: memref<32768xf32, #tpu.memory_space<vmem>>, %arg9: memref<144xi32, #tpu.memory_space<vmem>>, %arg10: memref<144xi32, #tpu.memory_space<vmem>>, %arg11: memref<48xi32, #tpu.memory_space<vmem>>) attributes {dimension_semantics = [#tpu.dimension_semantics<core_parallel>, #tpu.dimension_semantics<subcore_parallel>], iteration_bounds = array<i64: 2, 16>, scalar_prefetch = 0 : i64, scratch_operands = 5 : i64, tpu.core_type = #tpu.core_type<sc_vector_subcore>, window_params = [{transform_indices = #map}, {transform_indices = #map}, {transform_indices = #map}, {transform_indices = #map}, {transform_indices = #map}]} {
    %mul3A = arith.constant 2 : i32
    %mul3A_0 = arith.muli %arg1, %mul3A : i32
    %add3A = arith.addi %mul3A_0, %arg0 : i32
    %mul3A_1 = arith.constant 320 : i32
    %mul3A_2 = arith.muli %mul3A_1, %add3A : i32
    "tpu.region"() ({
      %run_scoped3A = tpu.sem_alloc : memref<!tpu.dma_semaphore, #tpu.memory_space<semaphore_mem>>
      tpu.enqueue_dma source(%arg5 : memref<83968xf32, #tpu.memory_space<hbm>>) target(%arg7 : memref<83968xf32, #tpu.memory_space<vmem>>) target_semaphore(%run_scoped3A : memref<!tpu.dma_semaphore, #tpu.memory_space<semaphore_mem>>)
      tpu.wait_dma2 semaphore(%run_scoped3A : memref<!tpu.dma_semaphore, #tpu.memory_space<semaphore_mem>>) src(%arg5 : memref<83968xf32, #tpu.memory_space<hbm>>) dst(%arg7 : memref<83968xf32, #tpu.memory_space<vmem>>)
      tpu.yield
    }) : () -> ()
    "tpu.region"() ({
      %run_scoped3A = tpu.sem_alloc : memref<!tpu.dma_semaphore, #tpu.memory_space<semaphore_mem>>
      tpu.enqueue_dma source(%arg4 : memref<48xi32, #tpu.memory_space<hbm>>) target(%arg11 : memref<48xi32, #tpu.memory_space<vmem>>) target_semaphore(%run_scoped3A : memref<!tpu.dma_semaphore, #tpu.memory_space<semaphore_mem>>)
      tpu.wait_dma2 semaphore(%run_scoped3A : memref<!tpu.dma_semaphore, #tpu.memory_space<semaphore_mem>>) src(%arg4 : memref<48xi32, #tpu.memory_space<hbm>>) dst(%arg11 : memref<48xi32, #tpu.memory_space<vmem>>)
      tpu.yield
    }) : () -> ()
    %iota3A = tpu.iota {dimensions = array<i32: 0>} : vector<16xi32>
    %get3A = arith.index_cast %add3A : i32 to index
    %get3A_3 = tpu.vector_load %arg11[%get3A] {strides = array<i32>} : memref<48xi32, #tpu.memory_space<vmem>>, vector<16xi32>,
    %slice3A = vector.extract_strided_slice %get3A_3 {offsets = [0], sizes = [1], strides = [1]} : vector<16xi32> to vector<1xi32>
    %squeeze3A = vector.extract %slice3A[0] : i32 from vector<1xi32>
    %slice3A_4 = vector.extract_strided_slice %get3A_3 {offsets = [1], sizes = [1], strides = [1]} : vector<16xi32> to vector<1xi32>
    %squeeze3A_5 = vector.extract %slice3A_4[0] : i32 from vector<1xi32>
    %jit3A = arith.constant 128 : i32
    %div3A = arith.divsi %squeeze3A, %jit3A : i32
    %sign3A = arith.constant 0 : i32
    %sign3A_6 = arith.cmpi sgt, %squeeze3A, %sign3A : i32
    %sign3A_7 = arith.extui %sign3A_6 : i1 to i32
    %sign3A_8 = arith.constant 0 : i32
    %sign3A_9 = arith.cmpi slt, %squeeze3A, %sign3A_8 : i32
    %sign3A_10 = arith.extui %sign3A_9 : i1 to i32
    %sign3A_11 = arith.subi %sign3A_7, %sign3A_10 : i32
    %sign3A_12 = arith.constant 0 : i32
    %sign3A_13 = arith.cmpi sgt, %jit3A, %sign3A_12 : i32
    %sign3A_14 = arith.extui %sign3A_13 : i1 to i32
    %sign3A_15 = arith.constant 0 : i32
    %sign3A_16 = arith.cmpi slt, %jit3A, %sign3A_15 : i32
    %sign3A_17 = arith.extui %sign3A_16 : i1 to i32
    %sign3A_18 = arith.subi %sign3A_14, %sign3A_17 : i32
    %ne3A = arith.cmpi ne, %sign3A_11, %sign3A_18 : i32
    %rem3A = arith.remsi %squeeze3A, %jit3A : i32
    %ne3A_19 = arith.constant 0 : i32
    %ne3A_20 = arith.cmpi ne, %rem3A, %ne3A_19 : i32
    %and3A = arith.andi %ne3A, %ne3A_20 : i1
    %sub3A = arith.constant 1 : i32
    %sub3A_21 = arith.subi %div3A, %sub3A : i32
    %select_n3A = arith.select %and3A, %sub3A_21, %div3A : i32
    %mul3A_22 = arith.constant 8 : i32
    %mul3A_23 = arith.muli %select_n3A, %mul3A_22 : i32
    %add3A_24 = arith.constant 15 : i32
    %add3A_25 = arith.addi %squeeze3A_5, %add3A_24 : i32
    %jit3A_26 = arith.constant 16 : i32
    %div3A_27 = arith.divsi %add3A_25, %jit3A_26 : i32
    %sign3A_28 = arith.constant 0 : i32
    %sign3A_29 = arith.cmpi sgt, %add3A_25, %sign3A_28 : i32
    %sign3A_30 = arith.extui %sign3A_29 : i1 to i32
    %sign3A_31 = arith.constant 0 : i32
    %sign3A_32 = arith.cmpi slt, %add3A_25, %sign3A_31 : i32
    %sign3A_33 = arith.extui %sign3A_32 : i1 to i32
    %sign3A_34 = arith.subi %sign3A_30, %sign3A_33 : i32
    %sign3A_35 = arith.constant 0 : i32
    %sign3A_36 = arith.cmpi sgt, %jit3A_26, %sign3A_35 : i32
    %sign3A_37 = arith.extui %sign3A_36 : i1 to i32
    %sign3A_38 = arith.constant 0 : i32
    %sign3A_39 = arith.cmpi slt, %jit3A_26, %sign3A_38 : i32
    %sign3A_40 = arith.extui %sign3A_39 : i1 to i32
    %sign3A_41 = arith.subi %sign3A_37, %sign3A_40 : i32
    %ne3A_42 = arith.cmpi ne, %sign3A_34, %sign3A_41 : i32
    %rem3A_43 = arith.remsi %add3A_25, %jit3A_26 : i32
    %ne3A_44 = arith.constant 0 : i32
    %ne3A_45 = arith.cmpi ne, %rem3A_43, %ne3A_44 : i32
    %and3A_46 = arith.andi %ne3A_42, %ne3A_45 : i1
    %sub3A_47 = arith.constant 1 : i32
    %sub3A_48 = arith.subi %div3A_27, %sub3A_47 : i32
    %select_n3A_49 = arith.select %and3A_46, %sub3A_48, %div3A_27 : i32
    %sub3A_50 = arith.subi %select_n3A_49, %mul3A_23 : i32
    %add3A_51 = arith.constant 7 : i32
    %add3A_52 = arith.addi %sub3A_50, %add3A_51 : i32
    %jit3A_53 = arith.constant 8 : i32
    %div3A_54 = arith.divsi %add3A_52, %jit3A_53 : i32
    %sign3A_55 = arith.constant 0 : i32
    %sign3A_56 = arith.cmpi sgt, %add3A_52, %sign3A_55 : i32
    %sign3A_57 = arith.extui %sign3A_56 : i1 to i32
    %sign3A_58 = arith.constant 0 : i32
    %sign3A_59 = arith.cmpi slt, %add3A_52, %sign3A_58 : i32
    %sign3A_60 = arith.extui %sign3A_59 : i1 to i32
    %sign3A_61 = arith.subi %sign3A_57, %sign3A_60 : i32
    %sign3A_62 = arith.constant 0 : i32
    %sign3A_63 = arith.cmpi sgt, %jit3A_53, %sign3A_62 : i32
    %sign3A_64 = arith.extui %sign3A_63 : i1 to i32
    %sign3A_65 = arith.constant 0 : i32
    %sign3A_66 = arith.cmpi slt, %jit3A_53, %sign3A_65 : i32
    %sign3A_67 = arith.extui %sign3A_66 : i1 to i32
    %sign3A_68 = arith.subi %sign3A_64, %sign3A_67 : i32
    %ne3A_69 = arith.cmpi ne, %sign3A_61, %sign3A_68 : i32
    %rem3A_70 = arith.remsi %add3A_52, %jit3A_53 : i32
    %ne3A_71 = arith.constant 0 : i32
    %ne3A_72 = arith.cmpi ne, %rem3A_70, %ne3A_71 : i32
    %and3A_73 = arith.andi %ne3A_69, %ne3A_72 : i1
    %sub3A_74 = arith.constant 1 : i32
    %sub3A_75 = arith.subi %div3A_54, %sub3A_74 : i32
    %select_n3A_76 = arith.select %and3A_73, %sub3A_75, %div3A_54 : i32
    %max3A = arith.constant 0 : i32
    %max3A_77 = arith.maxsi %max3A, %select_n3A_76 : i32
    %eq3A = arith.constant 15 : i32
    %eq3A_78 = vector.broadcast %eq3A : i32 to vector<16xi32>
    %eq3A_79 = arith.cmpi eq, %iota3A, %eq3A_78 : vector<16xi32>
    %while3A = arith.constant 0 : i32
    %while3A_80 = arith.constant 0 : i32
    %while3A_81 = arith.subi %max3A_77, %while3A : i32
    %while3A_82 = arith.addi %while3A, %while3A_81 : i32
    %while3A_83 = arith.constant 1 : i32
    %while3A_84 = arith.divsi %while3A_81, %while3A_83 : i32
    %while3A_85 = arith.muli %while3A_84, %while3A_83 : i32
    %while3A_86 = arith.addi %while3A, %while3A_85 : i32
    %while3A_87 = arith.constant 1 : i32
    %while3A_88 = scf.for %while3A_93 = %while3A to %while3A_86 step %while3A_87 iter_args(%while3A_94 = %while3A_80) -> (i32)  : i32 {
      %mul3A_95 = arith.constant 8 : i32
      %mul3A_96 = arith.muli %mul3A_95, %while3A_93 : i32
      %add3A_97 = arith.addi %mul3A_23, %mul3A_96 : i32
      %min3A = arith.constant 9992 : i32
      %min3A_98 = arith.minsi %add3A_97, %min3A : i32
      %mul3A_99 = arith.constant 16 : i32
      %mul3A_100 = arith.muli %min3A_98, %mul3A_99 : i32
      %mul3A_101 = arith.constant 256 : i32
      %mul3A_102 = arith.muli %mul3A_100, %mul3A_101 : i32
      "tpu.region"() ({
        %run_scoped3A = tpu.sem_alloc : memref<!tpu.dma_semaphore, #tpu.memory_space<semaphore_mem>>
        %dma_start3A = tpu.memref_slice %arg2[%mul3A_102] : memref<40960000xf32, #tpu.memory_space<hbm>> -> memref<32768xf32, #tpu.memory_space<hbm>>
        %dma_start3A_491 = tpu.memref_slice %arg2[%mul3A_102] : memref<40960000xf32, #tpu.memory_space<hbm>> -> memref<32768xf32, #tpu.memory_space<hbm>>
        tpu.enqueue_dma source(%dma_start3A_491 : memref<32768xf32, #tpu.memory_space<hbm>>) target(%arg8 : memref<32768xf32, #tpu.memory_space<vmem>>) target_semaphore(%run_scoped3A : memref<!tpu.dma_semaphore, #tpu.memory_space<semaphore_mem>>)
        %dma_wait3A = tpu.memref_slice %arg2[%mul3A_102] : memref<40960000xf32, #tpu.memory_space<hbm>> -> memref<32768xf32, #tpu.memory_space<hbm>>
        %dma_wait3A_492 = tpu.memref_slice %arg2[%mul3A_102] : memref<40960000xf32, #tpu.memory_space<hbm>> -> memref<32768xf32, #tpu.memory_space<hbm>>
        tpu.wait_dma2 semaphore(%run_scoped3A : memref<!tpu.dma_semaphore, #tpu.memory_space<semaphore_mem>>) src(%dma_wait3A_492 : memref<32768xf32, #tpu.memory_space<hbm>>) dst(%arg8 : memref<32768xf32, #tpu.memory_space<vmem>>)
        tpu.yield
      }) : () -> ()
      %mul3A_103 = arith.constant 16 : i32
      %mul3A_104 = arith.muli %min3A_98, %mul3A_103 : i32
      "tpu.region"() ({
        %run_scoped3A = tpu.sem_alloc : memref<!tpu.dma_semaphore, #tpu.memory_space<semaphore_mem>>
        %dma_start3A = tpu.memref_slice %arg3[%mul3A_104] : memref<160144xi32, #tpu.memory_space<hbm>> -> memref<144xi32, #tpu.memory_space<hbm>>
        %dma_start3A_491 = tpu.memref_slice %arg3[%mul3A_104] : memref<160144xi32, #tpu.memory_space<hbm>> -> memref<144xi32, #tpu.memory_space<hbm>>
        tpu.enqueue_dma source(%dma_start3A_491 : memref<144xi32, #tpu.memory_space<hbm>>) target(%arg9 : memref<144xi32, #tpu.memory_space<vmem>>) target_semaphore(%run_scoped3A : memref<!tpu.dma_semaphore, #tpu.memory_space<semaphore_mem>>)
        %dma_wait3A = tpu.memref_slice %arg3[%mul3A_104] : memref<160144xi32, #tpu.memory_space<hbm>> -> memref<144xi32, #tpu.memory_space<hbm>>
        %dma_wait3A_492 = tpu.memref_slice %arg3[%mul3A_104] : memref<160144xi32, #tpu.memory_space<hbm>> -> memref<144xi32, #tpu.memory_space<hbm>>
        tpu.wait_dma2 semaphore(%run_scoped3A : memref<!tpu.dma_semaphore, #tpu.memory_space<semaphore_mem>>) src(%dma_wait3A_492 : memref<144xi32, #tpu.memory_space<hbm>>) dst(%arg9 : memref<144xi32, #tpu.memory_space<vmem>>)
        tpu.yield
      }) : () -> ()
      %get3A_105 = arith.constant 0 : index
      %get3A_106 = tpu.vector_load %arg9[%get3A_105] {strides = array<i32>} : memref<144xi32, #tpu.memory_space<vmem>>, vector<16xi32>,
      %get3A_107 = arith.constant 1 : index
      %get3A_108 = tpu.vector_load %arg9[%get3A_107] {strides = array<i32>} : memref<144xi32, #tpu.memory_space<vmem>>, vector<16xi32>,
      %add3A_109 = arith.constant 0 : i32
      %add3A_110 = arith.addi %min3A_98, %add3A_109 : i32
      %mul3A_111 = arith.constant 16 : i32
      %mul3A_112 = arith.muli %add3A_110, %mul3A_111 : i32
      %add3A_113 = vector.broadcast %mul3A_112 : i32 to vector<16xi32>
      %add3A_114 = arith.addi %add3A_113, %iota3A : vector<16xi32>
      %sub3A_115 = vector.broadcast %mul3A_2 : i32 to vector<16xi32>
      %sub3A_116 = arith.subi %get3A_106, %sub3A_115 : vector<16xi32>
      %ge3A = arith.constant 0 : i32
      %ge3A_117 = vector.broadcast %ge3A : i32 to vector<16xi32>
      %ge3A_118 = arith.cmpi sge, %sub3A_116, %ge3A_117 : vector<16xi32>
      %lt3A = arith.constant 320 : i32
      %lt3A_119 = vector.broadcast %lt3A : i32 to vector<16xi32>
      %lt3A_120 = arith.cmpi slt, %sub3A_116, %lt3A_119 : vector<16xi32>
      %and3A_121 = arith.andi %ge3A_118, %lt3A_120 : vector<16xi1>
      %ge3A_122 = vector.broadcast %while3A_94 : i32 to vector<16xi32>
      %ge3A_123 = arith.cmpi sge, %add3A_114, %ge3A_122 : vector<16xi32>
      %and3A_124 = arith.andi %and3A_121, %ge3A_123 : vector<16xi1>
      %jit3A_125 = arith.constant 320 : i32
      %broadcast_in_dim3A = vector.broadcast %jit3A_125 : i32 to vector<16xi32>
      %select_n3A_126 = arith.select %and3A_124, %sub3A_116, %broadcast_in_dim3A : vector<16xi1>, vector<16xi32>
      %sub3A_127 = vector.broadcast %mul3A_2 : i32 to vector<16xi32>
      %sub3A_128 = arith.subi %get3A_108, %sub3A_127 : vector<16xi32>
      %ge3A_129 = arith.constant 0 : i32
      %ge3A_130 = vector.broadcast %ge3A_129 : i32 to vector<16xi32>
      %ge3A_131 = arith.cmpi sge, %sub3A_128, %ge3A_130 : vector<16xi32>
      %lt3A_132 = arith.constant 320 : i32
      %lt3A_133 = vector.broadcast %lt3A_132 : i32 to vector<16xi32>
      %lt3A_134 = arith.cmpi slt, %sub3A_128, %lt3A_133 : vector<16xi32>
      %and3A_135 = arith.andi %ge3A_131, %lt3A_134 : vector<16xi1>
      %add3A_136 = arith.constant 1 : i32
      %add3A_137 = vector.broadcast %add3A_136 : i32 to vector<16xi32>
      %add3A_138 = arith.addi %add3A_114, %add3A_137 : vector<16xi32>
      %ge3A_139 = vector.broadcast %while3A_94 : i32 to vector<16xi32>
      %ge3A_140 = arith.cmpi sge, %add3A_138, %ge3A_139 : vector<16xi32>
      %and3A_141 = arith.andi %and3A_135, %ge3A_140 : vector<16xi1>
      %jit3A_142 = arith.constant 320 : i32
      %broadcast_in_dim3A_143 = vector.broadcast %jit3A_142 : i32 to vector<16xi32>
      %select_n3A_144 = arith.select %and3A_141, %sub3A_128, %broadcast_in_dim3A_143 : vector<16xi1>, vector<16xi32>
      %mul3A_145 = arith.constant 256 : i32
      %mul3A_146 = vector.broadcast %mul3A_145 : i32 to vector<16xi32>
      %mul3A_147 = arith.muli %select_n3A_126, %mul3A_146 : vector<16xi32>
      %swap3A = arith.constant 0 : index
      %swap3A_148 = tpu.vector_load %arg10[%swap3A] {strides = array<i32>} : memref<144xi32, #tpu.memory_space<vmem>>, vector<16xi32>,
      tpu.vector_store %arg10[%swap3A], %mul3A_147 {strides = array<i32>} : memref<144xi32, #tpu.memory_space<vmem>>, vector<16xi32>,
      %get3A_149 = arith.constant 16 : index
      %get3A_150 = tpu.vector_load %arg9[%get3A_149] {strides = array<i32>} : memref<144xi32, #tpu.memory_space<vmem>>, vector<16xi32>,
      %get3A_151 = arith.constant 17 : index
      %get3A_152 = tpu.vector_load %arg9[%get3A_151] {strides = array<i32>} : memref<144xi32, #tpu.memory_space<vmem>>, vector<16xi32>,
      %add3A_153 = arith.constant 1 : i32
      %add3A_154 = arith.addi %min3A_98, %add3A_153 : i32
      %mul3A_155 = arith.constant 16 : i32
      %mul3A_156 = arith.muli %add3A_154, %mul3A_155 : i32
      %add3A_157 = vector.broadcast %mul3A_156 : i32 to vector<16xi32>
      %add3A_158 = arith.addi %add3A_157, %iota3A : vector<16xi32>
      %sub3A_159 = vector.broadcast %mul3A_2 : i32 to vector<16xi32>
      %sub3A_160 = arith.subi %get3A_150, %sub3A_159 : vector<16xi32>
      %ge3A_161 = arith.constant 0 : i32
      %ge3A_162 = vector.broadcast %ge3A_161 : i32 to vector<16xi32>
      %ge3A_163 = arith.cmpi sge, %sub3A_160, %ge3A_162 : vector<16xi32>
      %lt3A_164 = arith.constant 320 : i32
      %lt3A_165 = vector.broadcast %lt3A_164 : i32 to vector<16xi32>
      %lt3A_166 = arith.cmpi slt, %sub3A_160, %lt3A_165 : vector<16xi32>
      %and3A_167 = arith.andi %ge3A_163, %lt3A_166 : vector<16xi1>
      %ge3A_168 = vector.broadcast %while3A_94 : i32 to vector<16xi32>
      %ge3A_169 = arith.cmpi sge, %add3A_158, %ge3A_168 : vector<16xi32>
      %and3A_170 = arith.andi %and3A_167, %ge3A_169 : vector<16xi1>
      %jit3A_171 = arith.constant 320 : i32
      %broadcast_in_dim3A_172 = vector.broadcast %jit3A_171 : i32 to vector<16xi32>
      %select_n3A_173 = arith.select %and3A_170, %sub3A_160, %broadcast_in_dim3A_172 : vector<16xi1>, vector<16xi32>
      %sub3A_174 = vector.broadcast %mul3A_2 : i32 to vector<16xi32>
      %sub3A_175 = arith.subi %get3A_152, %sub3A_174 : vector<16xi32>
      %ge3A_176 = arith.constant 0 : i32
      %ge3A_177 = vector.broadcast %ge3A_176 : i32 to vector<16xi32>
      %ge3A_178 = arith.cmpi sge, %sub3A_175, %ge3A_177 : vector<16xi32>
      %lt3A_179 = arith.constant 320 : i32
      %lt3A_180 = vector.broadcast %lt3A_179 : i32 to vector<16xi32>
      %lt3A_181 = arith.cmpi slt, %sub3A_175, %lt3A_180 : vector<16xi32>
      %and3A_182 = arith.andi %ge3A_178, %lt3A_181 : vector<16xi1>
      %add3A_183 = arith.constant 1 : i32
      %add3A_184 = vector.broadcast %add3A_183 : i32 to vector<16xi32>
      %add3A_185 = arith.addi %add3A_158, %add3A_184 : vector<16xi32>
      %ge3A_186 = vector.broadcast %while3A_94 : i32 to vector<16xi32>
      %ge3A_187 = arith.cmpi sge, %add3A_185, %ge3A_186 : vector<16xi32>
      %and3A_188 = arith.andi %and3A_182, %ge3A_187 : vector<16xi1>
      %jit3A_189 = arith.constant 320 : i32
      %broadcast_in_dim3A_190 = vector.broadcast %jit3A_189 : i32 to vector<16xi32>
      %select_n3A_191 = arith.select %and3A_188, %sub3A_175, %broadcast_in_dim3A_190 : vector<16xi1>, vector<16xi32>
      %mul3A_192 = arith.constant 256 : i32
      %mul3A_193 = vector.broadcast %mul3A_192 : i32 to vector<16xi32>
      %mul3A_194 = arith.muli %select_n3A_173, %mul3A_193 : vector<16xi32>
      %swap3A_195 = arith.constant 16 : index
      %swap3A_196 = tpu.vector_load %arg10[%swap3A_195] {strides = array<i32>} : memref<144xi32, #tpu.memory_space<vmem>>, vector<16xi32>,
      tpu.vector_store %arg10[%swap3A_195], %mul3A_194 {strides = array<i32>} : memref<144xi32, #tpu.memory_space<vmem>>, vector<16xi32>,
      %get3A_197 = arith.constant 32 : index
      %get3A_198 = tpu.vector_load %arg9[%get3A_197] {strides = array<i32>} : memref<144xi32, #tpu.memory_space<vmem>>, vector<16xi32>,
      %get3A_199 = arith.constant 33 : index
      %get3A_200 = tpu.vector_load %arg9[%get3A_199] {strides = array<i32>} : memref<144xi32, #tpu.memory_space<vmem>>, vector<16xi32>,
      %add3A_201 = arith.constant 2 : i32
      %add3A_202 = arith.addi %min3A_98, %add3A_201 : i32
      %mul3A_203 = arith.constant 16 : i32
      %mul3A_204 = arith.muli %add3A_202, %mul3A_203 : i32
      %add3A_205 = vector.broadcast %mul3A_204 : i32 to vector<16xi32>
      %add3A_206 = arith.addi %add3A_205, %iota3A : vector<16xi32>
      %sub3A_207 = vector.broadcast %mul3A_2 : i32 to vector<16xi32>
      %sub3A_208 = arith.subi %get3A_198, %sub3A_207 : vector<16xi32>
      %ge3A_209 = arith.constant 0 : i32
      %ge3A_210 = vector.broadcast %ge3A_209 : i32 to vector<16xi32>
      %ge3A_211 = arith.cmpi sge, %sub3A_208, %ge3A_210 : vector<16xi32>
      %lt3A_212 = arith.constant 320 : i32
      %lt3A_213 = vector.broadcast %lt3A_212 : i32 to vector<16xi32>
      %lt3A_214 = arith.cmpi slt, %sub3A_208, %lt3A_213 : vector<16xi32>
      %and3A_215 = arith.andi %ge3A_211, %lt3A_214 : vector<16xi1>
      %ge3A_216 = vector.broadcast %while3A_94 : i32 to vector<16xi32>
      %ge3A_217 = arith.cmpi sge, %add3A_206, %ge3A_216 : vector<16xi32>
      %and3A_218 = arith.andi %and3A_215, %ge3A_217 : vector<16xi1>
      %jit3A_219 = arith.constant 320 : i32
      %broadcast_in_dim3A_220 = vector.broadcast %jit3A_219 : i32 to vector<16xi32>
      %select_n3A_221 = arith.select %and3A_218, %sub3A_208, %broadcast_in_dim3A_220 : vector<16xi1>, vector<16xi32>
      %sub3A_222 = vector.broadcast %mul3A_2 : i32 to vector<16xi32>
      %sub3A_223 = arith.subi %get3A_200, %sub3A_222 : vector<16xi32>
      %ge3A_224 = arith.constant 0 : i32
      %ge3A_225 = vector.broadcast %ge3A_224 : i32 to vector<16xi32>
      %ge3A_226 = arith.cmpi sge, %sub3A_223, %ge3A_225 : vector<16xi32>
      %lt3A_227 = arith.constant 320 : i32
      %lt3A_228 = vector.broadcast %lt3A_227 : i32 to vector<16xi32>
      %lt3A_229 = arith.cmpi slt, %sub3A_223, %lt3A_228 : vector<16xi32>
      %and3A_230 = arith.andi %ge3A_226, %lt3A_229 : vector<16xi1>
      %add3A_231 = arith.constant 1 : i32
      %add3A_232 = vector.broadcast %add3A_231 : i32 to vector<16xi32>
      %add3A_233 = arith.addi %add3A_206, %add3A_232 : vector<16xi32>
      %ge3A_234 = vector.broadcast %while3A_94 : i32 to vector<16xi32>
      %ge3A_235 = arith.cmpi sge, %add3A_233, %ge3A_234 : vector<16xi32>
      %and3A_236 = arith.andi %and3A_230, %ge3A_235 : vector<16xi1>
      %jit3A_237 = arith.constant 320 : i32
      %broadcast_in_dim3A_238 = vector.broadcast %jit3A_237 : i32 to vector<16xi32>
      %select_n3A_239 = arith.select %and3A_236, %sub3A_223, %broadcast_in_dim3A_238 : vector<16xi1>, vector<16xi32>
      %mul3A_240 = arith.constant 256 : i32
      %mul3A_241 = vector.broadcast %mul3A_240 : i32 to vector<16xi32>
      %mul3A_242 = arith.muli %select_n3A_221, %mul3A_241 : vector<16xi32>
      %swap3A_243 = arith.constant 32 : index
      %swap3A_244 = tpu.vector_load %arg10[%swap3A_243] {strides = array<i32>} : memref<144xi32, #tpu.memory_space<vmem>>, vector<16xi32>,
      tpu.vector_store %arg10[%swap3A_243], %mul3A_242 {strides = array<i32>} : memref<144xi32, #tpu.memory_space<vmem>>, vector<16xi32>,
      %get3A_245 = arith.constant 48 : index
      %get3A_246 = tpu.vector_load %arg9[%get3A_245] {strides = array<i32>} : memref<144xi32, #tpu.memory_space<vmem>>, vector<16xi32>,
      %get3A_247 = arith.constant 49 : index
      %get3A_248 = tpu.vector_load %arg9[%get3A_247] {strides = array<i32>} : memref<144xi32, #tpu.memory_space<vmem>>, vector<16xi32>,
      %add3A_249 = arith.constant 3 : i32
      %add3A_250 = arith.addi %min3A_98, %add3A_249 : i32
      %mul3A_251 = arith.constant 16 : i32
      %mul3A_252 = arith.muli %add3A_250, %mul3A_251 : i32
      %add3A_253 = vector.broadcast %mul3A_252 : i32 to vector<16xi32>
      %add3A_254 = arith.addi %add3A_253, %iota3A : vector<16xi32>
      %sub3A_255 = vector.broadcast %mul3A_2 : i32 to vector<16xi32>
      %sub3A_256 = arith.subi %get3A_246, %sub3A_255 : vector<16xi32>
      %ge3A_257 = arith.constant 0 : i32
      %ge3A_258 = vector.broadcast %ge3A_257 : i32 to vector<16xi32>
      %ge3A_259 = arith.cmpi sge, %sub3A_256, %ge3A_258 : vector<16xi32>
      %lt3A_260 = arith.constant 320 : i32
      %lt3A_261 = vector.broadcast %lt3A_260 : i32 to vector<16xi32>
      %lt3A_262 = arith.cmpi slt, %sub3A_256, %lt3A_261 : vector<16xi32>
      %and3A_263 = arith.andi %ge3A_259, %lt3A_262 : vector<16xi1>
      %ge3A_264 = vector.broadcast %while3A_94 : i32 to vector<16xi32>
      %ge3A_265 = arith.cmpi sge, %add3A_254, %ge3A_264 : vector<16xi32>
      %and3A_266 = arith.andi %and3A_263, %ge3A_265 : vector<16xi1>
      %jit3A_267 = arith.constant 320 : i32
      %broadcast_in_dim3A_268 = vector.broadcast %jit3A_267 : i32 to vector<16xi32>
      %select_n3A_269 = arith.select %and3A_266, %sub3A_256, %broadcast_in_dim3A_268 : vector<16xi1>, vector<16xi32>
      %sub3A_270 = vector.broadcast %mul3A_2 : i32 to vector<16xi32>
      %sub3A_271 = arith.subi %get3A_248, %sub3A_270 : vector<16xi32>
      %ge3A_272 = arith.constant 0 : i32
      %ge3A_273 = vector.broadcast %ge3A_272 : i32 to vector<16xi32>
      %ge3A_274 = arith.cmpi sge, %sub3A_271, %ge3A_273 : vector<16xi32>
      %lt3A_275 = arith.constant 320 : i32
      %lt3A_276 = vector.broadcast %lt3A_275 : i32 to vector<16xi32>
      %lt3A_277 = arith.cmpi slt, %sub3A_271, %lt3A_276 : vector<16xi32>
      %and3A_278 = arith.andi %ge3A_274, %lt3A_277 : vector<16xi1>
      %add3A_279 = arith.constant 1 : i32
      %add3A_280 = vector.broadcast %add3A_279 : i32 to vector<16xi32>
      %add3A_281 = arith.addi %add3A_254, %add3A_280 : vector<16xi32>
      %ge3A_282 = vector.broadcast %while3A_94 : i32 to vector<16xi32>
      %ge3A_283 = arith.cmpi sge, %add3A_281, %ge3A_282 : vector<16xi32>
      %and3A_284 = arith.andi %and3A_278, %ge3A_283 : vector<16xi1>
      %jit3A_285 = arith.constant 320 : i32
      %broadcast_in_dim3A_286 = vector.broadcast %jit3A_285 : i32 to vector<16xi32>
      %select_n3A_287 = arith.select %and3A_284, %sub3A_271, %broadcast_in_dim3A_286 : vector<16xi1>, vector<16xi32>
      %mul3A_288 = arith.constant 256 : i32
      %mul3A_289 = vector.broadcast %mul3A_288 : i32 to vector<16xi32>
      %mul3A_290 = arith.muli %select_n3A_269, %mul3A_289 : vector<16xi32>
      %swap3A_291 = arith.constant 48 : index
      %swap3A_292 = tpu.vector_load %arg10[%swap3A_291] {strides = array<i32>} : memref<144xi32, #tpu.memory_space<vmem>>, vector<16xi32>,
      tpu.vector_store %arg10[%swap3A_291], %mul3A_290 {strides = array<i32>} : memref<144xi32, #tpu.memory_space<vmem>>, vector<16xi32>,
      %get3A_293 = arith.constant 64 : index
      %get3A_294 = tpu.vector_load %arg9[%get3A_293] {strides = array<i32>} : memref<144xi32, #tpu.memory_space<vmem>>, vector<16xi32>,
      %get3A_295 = arith.constant 65 : index
      %get3A_296 = tpu.vector_load %arg9[%get3A_295] {strides = array<i32>} : memref<144xi32, #tpu.memory_space<vmem>>, vector<16xi32>,
      %add3A_297 = arith.constant 4 : i32
      %add3A_298 = arith.addi %min3A_98, %add3A_297 : i32
      %mul3A_299 = arith.constant 16 : i32
      %mul3A_300 = arith.muli %add3A_298, %mul3A_299 : i32
      %add3A_301 = vector.broadcast %mul3A_300 : i32 to vector<16xi32>
      %add3A_302 = arith.addi %add3A_301, %iota3A : vector<16xi32>
      %sub3A_303 = vector.broadcast %mul3A_2 : i32 to vector<16xi32>
      %sub3A_304 = arith.subi %get3A_294, %sub3A_303 : vector<16xi32>
      %ge3A_305 = arith.constant 0 : i32
      %ge3A_306 = vector.broadcast %ge3A_305 : i32 to vector<16xi32>
      %ge3A_307 = arith.cmpi sge, %sub3A_304, %ge3A_306 : vector<16xi32>
      %lt3A_308 = arith.constant 320 : i32
      %lt3A_309 = vector.broadcast %lt3A_308 : i32 to vector<16xi32>
      %lt3A_310 = arith.cmpi slt, %sub3A_304, %lt3A_309 : vector<16xi32>
      %and3A_311 = arith.andi %ge3A_307, %lt3A_310 : vector<16xi1>
      %ge3A_312 = vector.broadcast %while3A_94 : i32 to vector<16xi32>
      %ge3A_313 = arith.cmpi sge, %add3A_302, %ge3A_312 : vector<16xi32>
      %and3A_314 = arith.andi %and3A_311, %ge3A_313 : vector<16xi1>
      %jit3A_315 = arith.constant 320 : i32
      %broadcast_in_dim3A_316 = vector.broadcast %jit3A_315 : i32 to vector<16xi32>
      %select_n3A_317 = arith.select %and3A_314, %sub3A_304, %broadcast_in_dim3A_316 : vector<16xi1>, vector<16xi32>
      %sub3A_318 = vector.broadcast %mul3A_2 : i32 to vector<16xi32>
      %sub3A_319 = arith.subi %get3A_296, %sub3A_318 : vector<16xi32>
      %ge3A_320 = arith.constant 0 : i32
      %ge3A_321 = vector.broadcast %ge3A_320 : i32 to vector<16xi32>
      %ge3A_322 = arith.cmpi sge, %sub3A_319, %ge3A_321 : vector<16xi32>
      %lt3A_323 = arith.constant 320 : i32
      %lt3A_324 = vector.broadcast %lt3A_323 : i32 to vector<16xi32>
      %lt3A_325 = arith.cmpi slt, %sub3A_319, %lt3A_324 : vector<16xi32>
      %and3A_326 = arith.andi %ge3A_322, %lt3A_325 : vector<16xi1>
      %add3A_327 = arith.constant 1 : i32
      %add3A_328 = vector.broadcast %add3A_327 : i32 to vector<16xi32>
      %add3A_329 = arith.addi %add3A_302, %add3A_328 : vector<16xi32>
      %ge3A_330 = vector.broadcast %while3A_94 : i32 to vector<16xi32>
      %ge3A_331 = arith.cmpi sge, %add3A_329, %ge3A_330 : vector<16xi32>
      %and3A_332 = arith.andi %and3A_326, %ge3A_331 : vector<16xi1>
      %jit3A_333 = arith.constant 320 : i32
      %broadcast_in_dim3A_334 = vector.broadcast %jit3A_333 : i32 to vector<16xi32>
      %select_n3A_335 = arith.select %and3A_332, %sub3A_319, %broadcast_in_dim3A_334 : vector<16xi1>, vector<16xi32>
      %mul3A_336 = arith.constant 256 : i32
      %mul3A_337 = vector.broadcast %mul3A_336 : i32 to vector<16xi32>
      %mul3A_338 = arith.muli %select_n3A_317, %mul3A_337 : vector<16xi32>
      %swap3A_339 = arith.constant 64 : index
      %swap3A_340 = tpu.vector_load %arg10[%swap3A_339] {strides = array<i32>} : memref<144xi32, #tpu.memory_space<vmem>>, vector<16xi32>,
      tpu.vector_store %arg10[%swap3A_339], %mul3A_338 {strides = array<i32>} : memref<144xi32, #tpu.memory_space<vmem>>, vector<16xi32>,
      %get3A_341 = arith.constant 80 : index
      %get3A_342 = tpu.vector_load %arg9[%get3A_341] {strides = array<i32>} : memref<144xi32, #tpu.memory_space<vmem>>, vector<16xi32>,
      %get3A_343 = arith.constant 81 : index
      %get3A_344 = tpu.vector_load %arg9[%get3A_343] {strides = array<i32>} : memref<144xi32, #tpu.memory_space<vmem>>, vector<16xi32>,
      %add3A_345 = arith.constant 5 : i32
      %add3A_346 = arith.addi %min3A_98, %add3A_345 : i32
      %mul3A_347 = arith.constant 16 : i32
      %mul3A_348 = arith.muli %add3A_346, %mul3A_347 : i32
      %add3A_349 = vector.broadcast %mul3A_348 : i32 to vector<16xi32>
      %add3A_350 = arith.addi %add3A_349, %iota3A : vector<16xi32>
      %sub3A_351 = vector.broadcast %mul3A_2 : i32 to vector<16xi32>
      %sub3A_352 = arith.subi %get3A_342, %sub3A_351 : vector<16xi32>
      %ge3A_353 = arith.constant 0 : i32
      %ge3A_354 = vector.broadcast %ge3A_353 : i32 to vector<16xi32>
      %ge3A_355 = arith.cmpi sge, %sub3A_352, %ge3A_354 : vector<16xi32>
      %lt3A_356 = arith.constant 320 : i32
      %lt3A_357 = vector.broadcast %lt3A_356 : i32 to vector<16xi32>
      %lt3A_358 = arith.cmpi slt, %sub3A_352, %lt3A_357 : vector<16xi32>
      %and3A_359 = arith.andi %ge3A_355, %lt3A_358 : vector<16xi1>
      %ge3A_360 = vector.broadcast %while3A_94 : i32 to vector<16xi32>
      %ge3A_361 = arith.cmpi sge, %add3A_350, %ge3A_360 : vector<16xi32>
      %and3A_362 = arith.andi %and3A_359, %ge3A_361 : vector<16xi1>
      %jit3A_363 = arith.constant 320 : i32
      %broadcast_in_dim3A_364 = vector.broadcast %jit3A_363 : i32 to vector<16xi32>
      %select_n3A_365 = arith.select %and3A_362, %sub3A_352, %broadcast_in_dim3A_364 : vector<16xi1>, vector<16xi32>
      %sub3A_366 = vector.broadcast %mul3A_2 : i32 to vector<16xi32>
      %sub3A_367 = arith.subi %get3A_344, %sub3A_366 : vector<16xi32>
      %ge3A_368 = arith.constant 0 : i32
      %ge3A_369 = vector.broadcast %ge3A_368 : i32 to vector<16xi32>
      %ge3A_370 = arith.cmpi sge, %sub3A_367, %ge3A_369 : vector<16xi32>
      %lt3A_371 = arith.constant 320 : i32
      %lt3A_372 = vector.broadcast %lt3A_371 : i32 to vector<16xi32>
      %lt3A_373 = arith.cmpi slt, %sub3A_367, %lt3A_372 : vector<16xi32>
      %and3A_374 = arith.andi %ge3A_370, %lt3A_373 : vector<16xi1>
      %add3A_375 = arith.constant 1 : i32
      %add3A_376 = vector.broadcast %add3A_375 : i32 to vector<16xi32>
      %add3A_377 = arith.addi %add3A_350, %add3A_376 : vector<16xi32>
      %ge3A_378 = vector.broadcast %while3A_94 : i32 to vector<16xi32>
      %ge3A_379 = arith.cmpi sge, %add3A_377, %ge3A_378 : vector<16xi32>
      %and3A_380 = arith.andi %and3A_374, %ge3A_379 : vector<16xi1>
      %jit3A_381 = arith.constant 320 : i32
      %broadcast_in_dim3A_382 = vector.broadcast %jit3A_381 : i32 to vector<16xi32>
      %select_n3A_383 = arith.select %and3A_380, %sub3A_367, %broadcast_in_dim3A_382 : vector<16xi1>, vector<16xi32>
      %mul3A_384 = arith.constant 256 : i32
      %mul3A_385 = vector.broadcast %mul3A_384 : i32 to vector<16xi32>
      %mul3A_386 = arith.muli %select_n3A_365, %mul3A_385 : vector<16xi32>
      %swap3A_387 = arith.constant 80 : index
      %swap3A_388 = tpu.vector_load %arg10[%swap3A_387] {strides = array<i32>} : memref<144xi32, #tpu.memory_space<vmem>>, vector<16xi32>,
      tpu.vector_store %arg10[%swap3A_387], %mul3A_386 {strides = array<i32>} : memref<144xi32, #tpu.memory_space<vmem>>, vector<16xi32>,
      %get3A_389 = arith.constant 96 : index
      %get3A_390 = tpu.vector_load %arg9[%get3A_389] {strides = array<i32>} : memref<144xi32, #tpu.memory_space<vmem>>, vector<16xi32>,
      %get3A_391 = arith.constant 97 : index
      %get3A_392 = tpu.vector_load %arg9[%get3A_391] {strides = array<i32>} : memref<144xi32, #tpu.memory_space<vmem>>, vector<16xi32>,
      %add3A_393 = arith.constant 6 : i32
      %add3A_394 = arith.addi %min3A_98, %add3A_393 : i32
      %mul3A_395 = arith.constant 16 : i32
      %mul3A_396 = arith.muli %add3A_394, %mul3A_395 : i32
      %add3A_397 = vector.broadcast %mul3A_396 : i32 to vector<16xi32>
      %add3A_398 = arith.addi %add3A_397, %iota3A : vector<16xi32>
      %sub3A_399 = vector.broadcast %mul3A_2 : i32 to vector<16xi32>
      %sub3A_400 = arith.subi %get3A_390, %sub3A_399 : vector<16xi32>
      %ge3A_401 = arith.constant 0 : i32
      %ge3A_402 = vector.broadcast %ge3A_401 : i32 to vector<16xi32>
      %ge3A_403 = arith.cmpi sge, %sub3A_400, %ge3A_402 : vector<16xi32>
      %lt3A_404 = arith.constant 320 : i32
      %lt3A_405 = vector.broadcast %lt3A_404 : i32 to vector<16xi32>
      %lt3A_406 = arith.cmpi slt, %sub3A_400, %lt3A_405 : vector<16xi32>
      %and3A_407 = arith.andi %ge3A_403, %lt3A_406 : vector<16xi1>
      %ge3A_408 = vector.broadcast %while3A_94 : i32 to vector<16xi32>
      %ge3A_409 = arith.cmpi sge, %add3A_398, %ge3A_408 : vector<16xi32>
      %and3A_410 = arith.andi %and3A_407, %ge3A_409 : vector<16xi1>
      %jit3A_411 = arith.constant 320 : i32
      %broadcast_in_dim3A_412 = vector.broadcast %jit3A_411 : i32 to vector<16xi32>
      %select_n3A_413 = arith.select %and3A_410, %sub3A_400, %broadcast_in_dim3A_412 : vector<16xi1>, vector<16xi32>
      %sub3A_414 = vector.broadcast %mul3A_2 : i32 to vector<16xi32>
      %sub3A_415 = arith.subi %get3A_392, %sub3A_414 : vector<16xi32>
      %ge3A_416 = arith.constant 0 : i32
      %ge3A_417 = vector.broadcast %ge3A_416 : i32 to vector<16xi32>
      %ge3A_418 = arith.cmpi sge, %sub3A_415, %ge3A_417 : vector<16xi32>
      %lt3A_419 = arith.constant 320 : i32
      %lt3A_420 = vector.broadcast %lt3A_419 : i32 to vector<16xi32>
      %lt3A_421 = arith.cmpi slt, %sub3A_415, %lt3A_420 : vector<16xi32>
      %and3A_422 = arith.andi %ge3A_418, %lt3A_421 : vector<16xi1>
      %add3A_423 = arith.constant 1 : i32
      %add3A_424 = vector.broadcast %add3A_423 : i32 to vector<16xi32>
      %add3A_425 = arith.addi %add3A_398, %add3A_424 : vector<16xi32>
      %ge3A_426 = vector.broadcast %while3A_94 : i32 to vector<16xi32>
      %ge3A_427 = arith.cmpi sge, %add3A_425, %ge3A_426 : vector<16xi32>
      %and3A_428 = arith.andi %and3A_422, %ge3A_427 : vector<16xi1>
      %jit3A_429 = arith.constant 320 : i32
      %broadcast_in_dim3A_430 = vector.broadcast %jit3A_429 : i32 to vector<16xi32>
      %select_n3A_431 = arith.select %and3A_428, %sub3A_415, %broadcast_in_dim3A_430 : vector<16xi1>, vector<16xi32>
      %mul3A_432 = arith.constant 256 : i32
      %mul3A_433 = vector.broadcast %mul3A_432 : i32 to vector<16xi32>
      %mul3A_434 = arith.muli %select_n3A_413, %mul3A_433 : vector<16xi32>
      %swap3A_435 = arith.constant 96 : index
      %swap3A_436 = tpu.vector_load %arg10[%swap3A_435] {strides = array<i32>} : memref<144xi32, #tpu.memory_space<vmem>>, vector<16xi32>,
      tpu.vector_store %arg10[%swap3A_435], %mul3A_434 {strides = array<i32>} : memref<144xi32, #tpu.memory_space<vmem>>, vector<16xi32>,
      %get3A_437 = arith.constant 112 : index
      %get3A_438 = tpu.vector_load %arg9[%get3A_437] {strides = array<i32>} : memref<144xi32, #tpu.memory_space<vmem>>, vector<16xi32>,
      %get3A_439 = arith.constant 113 : index
      %get3A_440 = tpu.vector_load %arg9[%get3A_439] {strides = array<i32>} : memref<144xi32, #tpu.memory_space<vmem>>, vector<16xi32>,
      %add3A_441 = arith.constant 7 : i32
      %add3A_442 = arith.addi %min3A_98, %add3A_441 : i32
      %mul3A_443 = arith.constant 16 : i32
      %mul3A_444 = arith.muli %add3A_442, %mul3A_443 : i32
      %add3A_445 = vector.broadcast %mul3A_444 : i32 to vector<16xi32>
      %add3A_446 = arith.addi %add3A_445, %iota3A : vector<16xi32>
      %sub3A_447 = vector.broadcast %mul3A_2 : i32 to vector<16xi32>
      %sub3A_448 = arith.subi %get3A_438, %sub3A_447 : vector<16xi32>
      %ge3A_449 = arith.constant 0 : i32
      %ge3A_450 = vector.broadcast %ge3A_449 : i32 to vector<16xi32>
      %ge3A_451 = arith.cmpi sge, %sub3A_448, %ge3A_450 : vector<16xi32>
      %lt3A_452 = arith.constant 320 : i32
      %lt3A_453 = vector.broadcast %lt3A_452 : i32 to vector<16xi32>
      %lt3A_454 = arith.cmpi slt, %sub3A_448, %lt3A_453 : vector<16xi32>
      %and3A_455 = arith.andi %ge3A_451, %lt3A_454 : vector<16xi1>
      %ge3A_456 = vector.broadcast %while3A_94 : i32 to vector<16xi32>
      %ge3A_457 = arith.cmpi sge, %add3A_446, %ge3A_456 : vector<16xi32>
      %and3A_458 = arith.andi %and3A_455, %ge3A_457 : vector<16xi1>
      %jit3A_459 = arith.constant 320 : i32
      %broadcast_in_dim3A_460 = vector.broadcast %jit3A_459 : i32 to vector<16xi32>
      %select_n3A_461 = arith.select %and3A_458, %sub3A_448, %broadcast_in_dim3A_460 : vector<16xi1>, vector<16xi32>
      %sub3A_462 = vector.broadcast %mul3A_2 : i32 to vector<16xi32>
      %sub3A_463 = arith.subi %get3A_440, %sub3A_462 : vector<16xi32>
      %ge3A_464 = arith.constant 0 : i32
      %ge3A_465 = vector.broadcast %ge3A_464 : i32 to vector<16xi32>
      %ge3A_466 = arith.cmpi sge, %sub3A_463, %ge3A_465 : vector<16xi32>
      %lt3A_467 = arith.constant 320 : i32
      %lt3A_468 = vector.broadcast %lt3A_467 : i32 to vector<16xi32>
      %lt3A_469 = arith.cmpi slt, %sub3A_463, %lt3A_468 : vector<16xi32>
      %and3A_470 = arith.andi %ge3A_466, %lt3A_469 : vector<16xi1>
      %add3A_471 = arith.constant 1 : i32
      %add3A_472 = vector.broadcast %add3A_471 : i32 to vector<16xi32>
      %add3A_473 = arith.addi %add3A_446, %add3A_472 : vector<16xi32>
      %ge3A_474 = vector.broadcast %while3A_94 : i32 to vector<16xi32>
      %ge3A_475 = arith.cmpi sge, %add3A_473, %ge3A_474 : vector<16xi32>
      %and3A_476 = arith.andi %and3A_470, %ge3A_475 : vector<16xi1>
      %jit3A_477 = arith.constant 320 : i32
      %broadcast_in_dim3A_478 = vector.broadcast %jit3A_477 : i32 to vector<16xi32>
      %select_n3A_479 = arith.select %and3A_476, %sub3A_463, %broadcast_in_dim3A_478 : vector<16xi1>, vector<16xi32>
      %mul3A_480 = arith.constant 256 : i32
      %mul3A_481 = vector.broadcast %mul3A_480 : i32 to vector<16xi32>
      %mul3A_482 = arith.muli %select_n3A_461, %mul3A_481 : vector<16xi32>
      %swap3A_483 = arith.constant 112 : index
      %swap3A_484 = tpu.vector_load %arg10[%swap3A_483] {strides = array<i32>} : memref<144xi32, #tpu.memory_space<vmem>>, vector<16xi32>,
      tpu.vector_store %arg10[%swap3A_483], %mul3A_482 {strides = array<i32>} : memref<144xi32, #tpu.memory_space<vmem>>, vector<16xi32>,
      %parallel_loop3A = arith.constant 0 : i32
      %parallel_loop3A_485 = arith.constant 128 : i32
      %parallel_loop3A_486 = arith.constant 1 : i32
      scf.for %parallel_loop3A_491 = %parallel_loop3A to %parallel_loop3A_485 step %parallel_loop3A_486  : i32 {
        %parallel_loop3A_492 = arith.index_cast %parallel_loop3A_491 : i32 to index
        %parallel_loop3A_493 = tpu.vector_load %arg10[%parallel_loop3A_492] {strides = array<i32>} : memref<144xi32, #tpu.memory_space<vmem>>, vector<16xi32>,
        %parallel_loop3A_494 = vector.extract_strided_slice %parallel_loop3A_493 {offsets = [0], sizes = [1], strides = [1]} : vector<16xi32> to vector<1xi32>
        %parallel_loop3A_495 = vector.extract %parallel_loop3A_494[0] : i32 from vector<1xi32>
        %parallel_loop3A_496 = arith.constant 256 : i32
        %parallel_loop3A_497 = arith.muli %parallel_loop3A_491, %parallel_loop3A_496 : i32
        %parallel_loop3A_498 = arith.constant 0 : i32
        %parallel_loop3A_499 = arith.addi %parallel_loop3A_497, %parallel_loop3A_498 : i32
        %parallel_loop3A_500 = arith.index_cast %parallel_loop3A_499 : i32 to index
        %parallel_loop3A_501 = tpu.vector_load %arg8[%parallel_loop3A_500] {strides = array<i32>} : memref<32768xf32, #tpu.memory_space<vmem>>, vector<16xf32>,
        %parallel_loop3A_502 = arith.constant 0 : i32
        %parallel_loop3A_503 = arith.addi %parallel_loop3A_495, %parallel_loop3A_502 : i32
        %parallel_loop3A_504 = arith.index_cast %parallel_loop3A_503 : i32 to index
        %parallel_loop3A_505 = tpu.vector_load %arg7[%parallel_loop3A_504] {strides = array<i32>} : memref<83968xf32, #tpu.memory_space<vmem>>, vector<16xf32>,
        tpu.vector_store %arg7[%parallel_loop3A_504], %parallel_loop3A_501 {add = true, strides = array<i32>} : memref<83968xf32, #tpu.memory_space<vmem>>, vector<16xf32>,
        %parallel_loop3A_506 = arith.constant 256 : i32
        %parallel_loop3A_507 = arith.muli %parallel_loop3A_491, %parallel_loop3A_506 : i32
        %parallel_loop3A_508 = arith.constant 16 : i32
        %parallel_loop3A_509 = arith.addi %parallel_loop3A_507, %parallel_loop3A_508 : i32
        %parallel_loop3A_510 = arith.index_cast %parallel_loop3A_509 : i32 to index
        %parallel_loop3A_511 = tpu.vector_load %arg8[%parallel_loop3A_510] {strides = array<i32>} : memref<32768xf32, #tpu.memory_space<vmem>>, vector<16xf32>,
        %parallel_loop3A_512 = arith.constant 16 : i32
        %parallel_loop3A_513 = arith.addi %parallel_loop3A_495, %parallel_loop3A_512 : i32
        %parallel_loop3A_514 = arith.index_cast %parallel_loop3A_513 : i32 to index
        %parallel_loop3A_515 = tpu.vector_load %arg7[%parallel_loop3A_514] {strides = array<i32>} : memref<83968xf32, #tpu.memory_space<vmem>>, vector<16xf32>,
        tpu.vector_store %arg7[%parallel_loop3A_514], %parallel_loop3A_511 {add = true, strides = array<i32>} : memref<83968xf32, #tpu.memory_space<vmem>>, vector<16xf32>,
        %parallel_loop3A_516 = arith.constant 256 : i32
        %parallel_loop3A_517 = arith.muli %parallel_loop3A_491, %parallel_loop3A_516 : i32
        %parallel_loop3A_518 = arith.constant 32 : i32
        %parallel_loop3A_519 = arith.addi %parallel_loop3A_517, %parallel_loop3A_518 : i32
        %parallel_loop3A_520 = arith.index_cast %parallel_loop3A_519 : i32 to index
        %parallel_loop3A_521 = tpu.vector_load %arg8[%parallel_loop3A_520] {strides = array<i32>} : memref<32768xf32, #tpu.memory_space<vmem>>, vector<16xf32>,
        %parallel_loop3A_522 = arith.constant 32 : i32
        %parallel_loop3A_523 = arith.addi %parallel_loop3A_495, %parallel_loop3A_522 : i32
        %parallel_loop3A_524 = arith.index_cast %parallel_loop3A_523 : i32 to index
        %parallel_loop3A_525 = tpu.vector_load %arg7[%parallel_loop3A_524] {strides = array<i32>} : memref<83968xf32, #tpu.memory_space<vmem>>, vector<16xf32>,
        tpu.vector_store %arg7[%parallel_loop3A_524], %parallel_loop3A_521 {add = true, strides = array<i32>} : memref<83968xf32, #tpu.memory_space<vmem>>, vector<16xf32>,
        %parallel_loop3A_526 = arith.constant 256 : i32
        %parallel_loop3A_527 = arith.muli %parallel_loop3A_491, %parallel_loop3A_526 : i32
        %parallel_loop3A_528 = arith.constant 48 : i32
        %parallel_loop3A_529 = arith.addi %parallel_loop3A_527, %parallel_loop3A_528 : i32
        %parallel_loop3A_530 = arith.index_cast %parallel_loop3A_529 : i32 to index
        %parallel_loop3A_531 = tpu.vector_load %arg8[%parallel_loop3A_530] {strides = array<i32>} : memref<32768xf32, #tpu.memory_space<vmem>>, vector<16xf32>,
        %parallel_loop3A_532 = arith.constant 48 : i32
        %parallel_loop3A_533 = arith.addi %parallel_loop3A_495, %parallel_loop3A_532 : i32
        %parallel_loop3A_534 = arith.index_cast %parallel_loop3A_533 : i32 to index
        %parallel_loop3A_535 = tpu.vector_load %arg7[%parallel_loop3A_534] {strides = array<i32>} : memref<83968xf32, #tpu.memory_space<vmem>>, vector<16xf32>,
        tpu.vector_store %arg7[%parallel_loop3A_534], %parallel_loop3A_531 {add = true, strides = array<i32>} : memref<83968xf32, #tpu.memory_space<vmem>>, vector<16xf32>,
        %parallel_loop3A_536 = arith.constant 256 : i32
        %parallel_loop3A_537 = arith.muli %parallel_loop3A_491, %parallel_loop3A_536 : i32
        %parallel_loop3A_538 = arith.constant 64 : i32
        %parallel_loop3A_539 = arith.addi %parallel_loop3A_537, %parallel_loop3A_538 : i32
        %parallel_loop3A_540 = arith.index_cast %parallel_loop3A_539 : i32 to index
        %parallel_loop3A_541 = tpu.vector_load %arg8[%parallel_loop3A_540] {strides = array<i32>} : memref<32768xf32, #tpu.memory_space<vmem>>, vector<16xf32>,
        %parallel_loop3A_542 = arith.constant 64 : i32
        %parallel_loop3A_543 = arith.addi %parallel_loop3A_495, %parallel_loop3A_542 : i32
        %parallel_loop3A_544 = arith.index_cast %parallel_loop3A_543 : i32 to index
        %parallel_loop3A_545 = tpu.vector_load %arg7[%parallel_loop3A_544] {strides = array<i32>} : memref<83968xf32, #tpu.memory_space<vmem>>, vector<16xf32>,
        tpu.vector_store %arg7[%parallel_loop3A_544], %parallel_loop3A_541 {add = true, strides = array<i32>} : memref<83968xf32, #tpu.memory_space<vmem>>, vector<16xf32>,
        %parallel_loop3A_546 = arith.constant 256 : i32
        %parallel_loop3A_547 = arith.muli %parallel_loop3A_491, %parallel_loop3A_546 : i32
        %parallel_loop3A_548 = arith.constant 80 : i32
        %parallel_loop3A_549 = arith.addi %parallel_loop3A_547, %parallel_loop3A_548 : i32
        %parallel_loop3A_550 = arith.index_cast %parallel_loop3A_549 : i32 to index
        %parallel_loop3A_551 = tpu.vector_load %arg8[%parallel_loop3A_550] {strides = array<i32>} : memref<32768xf32, #tpu.memory_space<vmem>>, vector<16xf32>,
        %parallel_loop3A_552 = arith.constant 80 : i32
        %parallel_loop3A_553 = arith.addi %parallel_loop3A_495, %parallel_loop3A_552 : i32
        %parallel_loop3A_554 = arith.index_cast %parallel_loop3A_553 : i32 to index
        %parallel_loop3A_555 = tpu.vector_load %arg7[%parallel_loop3A_554] {strides = array<i32>} : memref<83968xf32, #tpu.memory_space<vmem>>, vector<16xf32>,
        tpu.vector_store %arg7[%parallel_loop3A_554], %parallel_loop3A_551 {add = true, strides = array<i32>} : memref<83968xf32, #tpu.memory_space<vmem>>, vector<16xf32>,
        %parallel_loop3A_556 = arith.constant 256 : i32
        %parallel_loop3A_557 = arith.muli %parallel_loop3A_491, %parallel_loop3A_556 : i32
        %parallel_loop3A_558 = arith.constant 96 : i32
        %parallel_loop3A_559 = arith.addi %parallel_loop3A_557, %parallel_loop3A_558 : i32
        %parallel_loop3A_560 = arith.index_cast %parallel_loop3A_559 : i32 to index
        %parallel_loop3A_561 = tpu.vector_load %arg8[%parallel_loop3A_560] {strides = array<i32>} : memref<32768xf32, #tpu.memory_space<vmem>>, vector<16xf32>,
        %parallel_loop3A_562 = arith.constant 96 : i32
        %parallel_loop3A_563 = arith.addi %parallel_loop3A_495, %parallel_loop3A_562 : i32
        %parallel_loop3A_564 = arith.index_cast %parallel_loop3A_563 : i32 to index
        %parallel_loop3A_565 = tpu.vector_load %arg7[%parallel_loop3A_564] {strides = array<i32>} : memref<83968xf32, #tpu.memory_space<vmem>>, vector<16xf32>,
        tpu.vector_store %arg7[%parallel_loop3A_564], %parallel_loop3A_561 {add = true, strides = array<i32>} : memref<83968xf32, #tpu.memory_space<vmem>>, vector<16xf32>,
        %parallel_loop3A_566 = arith.constant 256 : i32
        %parallel_loop3A_567 = arith.muli %parallel_loop3A_491, %parallel_loop3A_566 : i32
        %parallel_loop3A_568 = arith.constant 112 : i32
        %parallel_loop3A_569 = arith.addi %parallel_loop3A_567, %parallel_loop3A_568 : i32
        %parallel_loop3A_570 = arith.index_cast %parallel_loop3A_569 : i32 to index
        %parallel_loop3A_571 = tpu.vector_load %arg8[%parallel_loop3A_570] {strides = array<i32>} : memref<32768xf32, #tpu.memory_space<vmem>>, vector<16xf32>,
        %parallel_loop3A_572 = arith.constant 112 : i32
        %parallel_loop3A_573 = arith.addi %parallel_loop3A_495, %parallel_loop3A_572 : i32
        %parallel_loop3A_574 = arith.index_cast %parallel_loop3A_573 : i32 to index
        %parallel_loop3A_575 = tpu.vector_load %arg7[%parallel_loop3A_574] {strides = array<i32>} : memref<83968xf32, #tpu.memory_space<vmem>>, vector<16xf32>,
        tpu.vector_store %arg7[%parallel_loop3A_574], %parallel_loop3A_571 {add = true, strides = array<i32>} : memref<83968xf32, #tpu.memory_space<vmem>>, vector<16xf32>,
        %parallel_loop3A_576 = arith.constant 256 : i32
        %parallel_loop3A_577 = arith.muli %parallel_loop3A_491, %parallel_loop3A_576 : i32
        %parallel_loop3A_578 = arith.constant 128 : i32
        %parallel_loop3A_579 = arith.addi %parallel_loop3A_577, %parallel_loop3A_578 : i32
        %parallel_loop3A_580 = arith.index_cast %parallel_loop3A_579 : i32 to index
        %parallel_loop3A_581 = tpu.vector_load %arg8[%parallel_loop3A_580] {strides = array<i32>} : memref<32768xf32, #tpu.memory_space<vmem>>, vector<16xf32>,
        %parallel_loop3A_582 = arith.constant 128 : i32
        %parallel_loop3A_583 = arith.addi %parallel_loop3A_495, %parallel_loop3A_582 : i32
        %parallel_loop3A_584 = arith.index_cast %parallel_loop3A_583 : i32 to index
        %parallel_loop3A_585 = tpu.vector_load %arg7[%parallel_loop3A_584] {strides = array<i32>} : memref<83968xf32, #tpu.memory_space<vmem>>, vector<16xf32>,
        tpu.vector_store %arg7[%parallel_loop3A_584], %parallel_loop3A_581 {add = true, strides = array<i32>} : memref<83968xf32, #tpu.memory_space<vmem>>, vector<16xf32>,
        %parallel_loop3A_586 = arith.constant 256 : i32
        %parallel_loop3A_587 = arith.muli %parallel_loop3A_491, %parallel_loop3A_586 : i32
        %parallel_loop3A_588 = arith.constant 144 : i32
        %parallel_loop3A_589 = arith.addi %parallel_loop3A_587, %parallel_loop3A_588 : i32
        %parallel_loop3A_590 = arith.index_cast %parallel_loop3A_589 : i32 to index
        %parallel_loop3A_591 = tpu.vector_load %arg8[%parallel_loop3A_590] {strides = array<i32>} : memref<32768xf32, #tpu.memory_space<vmem>>, vector<16xf32>,
        %parallel_loop3A_592 = arith.constant 144 : i32
        %parallel_loop3A_593 = arith.addi %parallel_loop3A_495, %parallel_loop3A_592 : i32
        %parallel_loop3A_594 = arith.index_cast %parallel_loop3A_593 : i32 to index
        %parallel_loop3A_595 = tpu.vector_load %arg7[%parallel_loop3A_594] {strides = array<i32>} : memref<83968xf32, #tpu.memory_space<vmem>>, vector<16xf32>,
        tpu.vector_store %arg7[%parallel_loop3A_594], %parallel_loop3A_591 {add = true, strides = array<i32>} : memref<83968xf32, #tpu.memory_space<vmem>>, vector<16xf32>,
        %parallel_loop3A_596 = arith.constant 256 : i32
        %parallel_loop3A_597 = arith.muli %parallel_loop3A_491, %parallel_loop3A_596 : i32
        %parallel_loop3A_598 = arith.constant 160 : i32
        %parallel_loop3A_599 = arith.addi %parallel_loop3A_597, %parallel_loop3A_598 : i32
        %parallel_loop3A_600 = arith.index_cast %parallel_loop3A_599 : i32 to index
        %parallel_loop3A_601 = tpu.vector_load %arg8[%parallel_loop3A_600] {strides = array<i32>} : memref<32768xf32, #tpu.memory_space<vmem>>, vector<16xf32>,
        %parallel_loop3A_602 = arith.constant 160 : i32
        %parallel_loop3A_603 = arith.addi %parallel_loop3A_495, %parallel_loop3A_602 : i32
        %parallel_loop3A_604 = arith.index_cast %parallel_loop3A_603 : i32 to index
        %parallel_loop3A_605 = tpu.vector_load %arg7[%parallel_loop3A_604] {strides = array<i32>} : memref<83968xf32, #tpu.memory_space<vmem>>, vector<16xf32>,
        tpu.vector_store %arg7[%parallel_loop3A_604], %parallel_loop3A_601 {add = true, strides = array<i32>} : memref<83968xf32, #tpu.memory_space<vmem>>, vector<16xf32>,
        %parallel_loop3A_606 = arith.constant 256 : i32
        %parallel_loop3A_607 = arith.muli %parallel_loop3A_491, %parallel_loop3A_606 : i32
        %parallel_loop3A_608 = arith.constant 176 : i32
        %parallel_loop3A_609 = arith.addi %parallel_loop3A_607, %parallel_loop3A_608 : i32
        %parallel_loop3A_610 = arith.index_cast %parallel_loop3A_609 : i32 to index
        %parallel_loop3A_611 = tpu.vector_load %arg8[%parallel_loop3A_610] {strides = array<i32>} : memref<32768xf32, #tpu.memory_space<vmem>>, vector<16xf32>,
        %parallel_loop3A_612 = arith.constant 176 : i32
        %parallel_loop3A_613 = arith.addi %parallel_loop3A_495, %parallel_loop3A_612 : i32
        %parallel_loop3A_614 = arith.index_cast %parallel_loop3A_613 : i32 to index
        %parallel_loop3A_615 = tpu.vector_load %arg7[%parallel_loop3A_614] {strides = array<i32>} : memref<83968xf32, #tpu.memory_space<vmem>>, vector<16xf32>,
        tpu.vector_store %arg7[%parallel_loop3A_614], %parallel_loop3A_611 {add = true, strides = array<i32>} : memref<83968xf32, #tpu.memory_space<vmem>>, vector<16xf32>,
        %parallel_loop3A_616 = arith.constant 256 : i32
        %parallel_loop3A_617 = arith.muli %parallel_loop3A_491, %parallel_loop3A_616 : i32
        %parallel_loop3A_618 = arith.constant 192 : i32
        %parallel_loop3A_619 = arith.addi %parallel_loop3A_617, %parallel_loop3A_618 : i32
        %parallel_loop3A_620 = arith.index_cast %parallel_loop3A_619 : i32 to index
        %parallel_loop3A_621 = tpu.vector_load %arg8[%parallel_loop3A_620] {strides = array<i32>} : memref<32768xf32, #tpu.memory_space<vmem>>, vector<16xf32>,
        %parallel_loop3A_622 = arith.constant 192 : i32
        %parallel_loop3A_623 = arith.addi %parallel_loop3A_495, %parallel_loop3A_622 : i32
        %parallel_loop3A_624 = arith.index_cast %parallel_loop3A_623 : i32 to index
        %parallel_loop3A_625 = tpu.vector_load %arg7[%parallel_loop3A_624] {strides = array<i32>} : memref<83968xf32, #tpu.memory_space<vmem>>, vector<16xf32>,
        tpu.vector_store %arg7[%parallel_loop3A_624], %parallel_loop3A_621 {add = true, strides = array<i32>} : memref<83968xf32, #tpu.memory_space<vmem>>, vector<16xf32>,
        %parallel_loop3A_626 = arith.constant 256 : i32
        %parallel_loop3A_627 = arith.muli %parallel_loop3A_491, %parallel_loop3A_626 : i32
        %parallel_loop3A_628 = arith.constant 208 : i32
        %parallel_loop3A_629 = arith.addi %parallel_loop3A_627, %parallel_loop3A_628 : i32
        %parallel_loop3A_630 = arith.index_cast %parallel_loop3A_629 : i32 to index
        %parallel_loop3A_631 = tpu.vector_load %arg8[%parallel_loop3A_630] {strides = array<i32>} : memref<32768xf32, #tpu.memory_space<vmem>>, vector<16xf32>,
        %parallel_loop3A_632 = arith.constant 208 : i32
        %parallel_loop3A_633 = arith.addi %parallel_loop3A_495, %parallel_loop3A_632 : i32
        %parallel_loop3A_634 = arith.index_cast %parallel_loop3A_633 : i32 to index
        %parallel_loop3A_635 = tpu.vector_load %arg7[%parallel_loop3A_634] {strides = array<i32>} : memref<83968xf32, #tpu.memory_space<vmem>>, vector<16xf32>,
        tpu.vector_store %arg7[%parallel_loop3A_634], %parallel_loop3A_631 {add = true, strides = array<i32>} : memref<83968xf32, #tpu.memory_space<vmem>>, vector<16xf32>,
        %parallel_loop3A_636 = arith.constant 256 : i32
        %parallel_loop3A_637 = arith.muli %parallel_loop3A_491, %parallel_loop3A_636 : i32
        %parallel_loop3A_638 = arith.constant 224 : i32
        %parallel_loop3A_639 = arith.addi %parallel_loop3A_637, %parallel_loop3A_638 : i32
        %parallel_loop3A_640 = arith.index_cast %parallel_loop3A_639 : i32 to index
        %parallel_loop3A_641 = tpu.vector_load %arg8[%parallel_loop3A_640] {strides = array<i32>} : memref<32768xf32, #tpu.memory_space<vmem>>, vector<16xf32>,
        %parallel_loop3A_642 = arith.constant 224 : i32
        %parallel_loop3A_643 = arith.addi %parallel_loop3A_495, %parallel_loop3A_642 : i32
        %parallel_loop3A_644 = arith.index_cast %parallel_loop3A_643 : i32 to index
        %parallel_loop3A_645 = tpu.vector_load %arg7[%parallel_loop3A_644] {strides = array<i32>} : memref<83968xf32, #tpu.memory_space<vmem>>, vector<16xf32>,
        tpu.vector_store %arg7[%parallel_loop3A_644], %parallel_loop3A_641 {add = true, strides = array<i32>} : memref<83968xf32, #tpu.memory_space<vmem>>, vector<16xf32>,
        %parallel_loop3A_646 = arith.constant 256 : i32
        %parallel_loop3A_647 = arith.muli %parallel_loop3A_491, %parallel_loop3A_646 : i32
        %parallel_loop3A_648 = arith.constant 240 : i32
        %parallel_loop3A_649 = arith.addi %parallel_loop3A_647, %parallel_loop3A_648 : i32
        %parallel_loop3A_650 = arith.index_cast %parallel_loop3A_649 : i32 to index
        %parallel_loop3A_651 = tpu.vector_load %arg8[%parallel_loop3A_650] {strides = array<i32>} : memref<32768xf32, #tpu.memory_space<vmem>>, vector<16xf32>,
        %parallel_loop3A_652 = arith.constant 240 : i32
        %parallel_loop3A_653 = arith.addi %parallel_loop3A_495, %parallel_loop3A_652 : i32
        %parallel_loop3A_654 = arith.index_cast %parallel_loop3A_653 : i32 to index
        %parallel_loop3A_655 = tpu.vector_load %arg7[%parallel_loop3A_654] {strides = array<i32>} : memref<83968xf32, #tpu.memory_space<vmem>>, vector<16xf32>,
        tpu.vector_store %arg7[%parallel_loop3A_654], %parallel_loop3A_651 {add = true, strides = array<i32>} : memref<83968xf32, #tpu.memory_space<vmem>>, vector<16xf32>,
      } {sc.loop_unroll_factor = 4 : i64, sc.parallel_access}
      %add3A_487 = arith.constant 8 : i32
      %add3A_488 = arith.addi %min3A_98, %add3A_487 : i32
      %mul3A_489 = arith.constant 16 : i32
      %mul3A_490 = arith.muli %add3A_488, %mul3A_489 : i32
      scf.yield %mul3A_490 : i32
    }
    %while3A_89 = arith.constant 1 : i32
    %while3A_90 = scf.for %while3A_93 = %while3A_86 to %while3A_82 step %while3A_89 iter_args(%while3A_94 = %while3A_88) -> (i32)  : i32 {
      %mul3A_95 = arith.constant 8 : i32
      %mul3A_96 = arith.muli %mul3A_95, %while3A_93 : i32
      %add3A_97 = arith.addi %mul3A_23, %mul3A_96 : i32
      %min3A = arith.constant 9992 : i32
      %min3A_98 = arith.minsi %add3A_97, %min3A : i32
      %mul3A_99 = arith.constant 16 : i32
      %mul3A_100 = arith.muli %min3A_98, %mul3A_99 : i32
      %mul3A_101 = arith.constant 256 : i32
      %mul3A_102 = arith.muli %mul3A_100, %mul3A_101 : i32
      "tpu.region"() ({
        %run_scoped3A = tpu.sem_alloc : memref<!tpu.dma_semaphore, #tpu.memory_space<semaphore_mem>>
        %dma_start3A = tpu.memref_slice %arg2[%mul3A_102] : memref<40960000xf32, #tpu.memory_space<hbm>> -> memref<32768xf32, #tpu.memory_space<hbm>>
        %dma_start3A_491 = tpu.memref_slice %arg2[%mul3A_102] : memref<40960000xf32, #tpu.memory_space<hbm>> -> memref<32768xf32, #tpu.memory_space<hbm>>
        tpu.enqueue_dma source(%dma_start3A_491 : memref<32768xf32, #tpu.memory_space<hbm>>) target(%arg8 : memref<32768xf32, #tpu.memory_space<vmem>>) target_semaphore(%run_scoped3A : memref<!tpu.dma_semaphore, #tpu.memory_space<semaphore_mem>>)
        %dma_wait3A = tpu.memref_slice %arg2[%mul3A_102] : memref<40960000xf32, #tpu.memory_space<hbm>> -> memref<32768xf32, #tpu.memory_space<hbm>>
        %dma_wait3A_492 = tpu.memref_slice %arg2[%mul3A_102] : memref<40960000xf32, #tpu.memory_space<hbm>> -> memref<32768xf32, #tpu.memory_space<hbm>>
        tpu.wait_dma2 semaphore(%run_scoped3A : memref<!tpu.dma_semaphore, #tpu.memory_space<semaphore_mem>>) src(%dma_wait3A_492 : memref<32768xf32, #tpu.memory_space<hbm>>) dst(%arg8 : memref<32768xf32, #tpu.memory_space<vmem>>)
        tpu.yield
      }) : () -> ()
      %mul3A_103 = arith.constant 16 : i32
      %mul3A_104 = arith.muli %min3A_98, %mul3A_103 : i32
      "tpu.region"() ({
        %run_scoped3A = tpu.sem_alloc : memref<!tpu.dma_semaphore, #tpu.memory_space<semaphore_mem>>
        %dma_start3A = tpu.memref_slice %arg3[%mul3A_104] : memref<160144xi32, #tpu.memory_space<hbm>> -> memref<144xi32, #tpu.memory_space<hbm>>
        %dma_start3A_491 = tpu.memref_slice %arg3[%mul3A_104] : memref<160144xi32, #tpu.memory_space<hbm>> -> memref<144xi32, #tpu.memory_space<hbm>>
        tpu.enqueue_dma source(%dma_start3A_491 : memref<144xi32, #tpu.memory_space<hbm>>) target(%arg9 : memref<144xi32, #tpu.memory_space<vmem>>) target_semaphore(%run_scoped3A : memref<!tpu.dma_semaphore, #tpu.memory_space<semaphore_mem>>)
        %dma_wait3A = tpu.memref_slice %arg3[%mul3A_104] : memref<160144xi32, #tpu.memory_space<hbm>> -> memref<144xi32, #tpu.memory_space<hbm>>
        %dma_wait3A_492 = tpu.memref_slice %arg3[%mul3A_104] : memref<160144xi32, #tpu.memory_space<hbm>> -> memref<144xi32, #tpu.memory_space<hbm>>
        tpu.wait_dma2 semaphore(%run_scoped3A : memref<!tpu.dma_semaphore, #tpu.memory_space<semaphore_mem>>) src(%dma_wait3A_492 : memref<144xi32, #tpu.memory_space<hbm>>) dst(%arg9 : memref<144xi32, #tpu.memory_space<vmem>>)
        tpu.yield
      }) : () -> ()
      %get3A_105 = arith.constant 0 : index
      %get3A_106 = tpu.vector_load %arg9[%get3A_105] {strides = array<i32>} : memref<144xi32, #tpu.memory_space<vmem>>, vector<16xi32>,
      %get3A_107 = arith.constant 1 : index
      %get3A_108 = tpu.vector_load %arg9[%get3A_107] {strides = array<i32>} : memref<144xi32, #tpu.memory_space<vmem>>, vector<16xi32>,
      %add3A_109 = arith.constant 0 : i32
      %add3A_110 = arith.addi %min3A_98, %add3A_109 : i32
      %mul3A_111 = arith.constant 16 : i32
      %mul3A_112 = arith.muli %add3A_110, %mul3A_111 : i32
      %add3A_113 = vector.broadcast %mul3A_112 : i32 to vector<16xi32>
      %add3A_114 = arith.addi %add3A_113, %iota3A : vector<16xi32>
      %sub3A_115 = vector.broadcast %mul3A_2 : i32 to vector<16xi32>
      %sub3A_116 = arith.subi %get3A_106, %sub3A_115 : vector<16xi32>
      %ge3A = arith.constant 0 : i32
      %ge3A_117 = vector.broadcast %ge3A : i32 to vector<16xi32>
      %ge3A_118 = arith.cmpi sge, %sub3A_116, %ge3A_117 : vector<16xi32>
      %lt3A = arith.constant 320 : i32
      %lt3A_119 = vector.broadcast %lt3A : i32 to vector<16xi32>
      %lt3A_120 = arith.cmpi slt, %sub3A_116, %lt3A_119 : vector<16xi32>
      %and3A_121 = arith.andi %ge3A_118, %lt3A_120 : vector<16xi1>
      %ge3A_122 = vector.broadcast %while3A_94 : i32 to vector<16xi32>
      %ge3A_123 = arith.cmpi sge, %add3A_114, %ge3A_122 : vector<16xi32>
      %and3A_124 = arith.andi %and3A_121, %ge3A_123 : vector<16xi1>
      %jit3A_125 = arith.constant 320 : i32
      %broadcast_in_dim3A = vector.broadcast %jit3A_125 : i32 to vector<16xi32>
      %select_n3A_126 = arith.select %and3A_124, %sub3A_116, %broadcast_in_dim3A : vector<16xi1>, vector<16xi32>
      %sub3A_127 = vector.broadcast %mul3A_2 : i32 to vector<16xi32>
      %sub3A_128 = arith.subi %get3A_108, %sub3A_127 : vector<16xi32>
      %ge3A_129 = arith.constant 0 : i32
      %ge3A_130 = vector.broadcast %ge3A_129 : i32 to vector<16xi32>
      %ge3A_131 = arith.cmpi sge, %sub3A_128, %ge3A_130 : vector<16xi32>
      %lt3A_132 = arith.constant 320 : i32
      %lt3A_133 = vector.broadcast %lt3A_132 : i32 to vector<16xi32>
      %lt3A_134 = arith.cmpi slt, %sub3A_128, %lt3A_133 : vector<16xi32>
      %and3A_135 = arith.andi %ge3A_131, %lt3A_134 : vector<16xi1>
      %add3A_136 = arith.constant 1 : i32
      %add3A_137 = vector.broadcast %add3A_136 : i32 to vector<16xi32>
      %add3A_138 = arith.addi %add3A_114, %add3A_137 : vector<16xi32>
      %ge3A_139 = vector.broadcast %while3A_94 : i32 to vector<16xi32>
      %ge3A_140 = arith.cmpi sge, %add3A_138, %ge3A_139 : vector<16xi32>
      %and3A_141 = arith.andi %and3A_135, %ge3A_140 : vector<16xi1>
      %jit3A_142 = arith.constant 320 : i32
      %broadcast_in_dim3A_143 = vector.broadcast %jit3A_142 : i32 to vector<16xi32>
      %select_n3A_144 = arith.select %and3A_141, %sub3A_128, %broadcast_in_dim3A_143 : vector<16xi1>, vector<16xi32>
      %mul3A_145 = arith.constant 256 : i32
      %mul3A_146 = vector.broadcast %mul3A_145 : i32 to vector<16xi32>
      %mul3A_147 = arith.muli %select_n3A_126, %mul3A_146 : vector<16xi32>
      %swap3A = arith.constant 0 : index
      %swap3A_148 = tpu.vector_load %arg10[%swap3A] {strides = array<i32>} : memref<144xi32, #tpu.memory_space<vmem>>, vector<16xi32>,
      tpu.vector_store %arg10[%swap3A], %mul3A_147 {strides = array<i32>} : memref<144xi32, #tpu.memory_space<vmem>>, vector<16xi32>,
      %get3A_149 = arith.constant 16 : index
      %get3A_150 = tpu.vector_load %arg9[%get3A_149] {strides = array<i32>} : memref<144xi32, #tpu.memory_space<vmem>>, vector<16xi32>,
      %get3A_151 = arith.constant 17 : index
      %get3A_152 = tpu.vector_load %arg9[%get3A_151] {strides = array<i32>} : memref<144xi32, #tpu.memory_space<vmem>>, vector<16xi32>,
      %add3A_153 = arith.constant 1 : i32
      %add3A_154 = arith.addi %min3A_98, %add3A_153 : i32
      %mul3A_155 = arith.constant 16 : i32
      %mul3A_156 = arith.muli %add3A_154, %mul3A_155 : i32
      %add3A_157 = vector.broadcast %mul3A_156 : i32 to vector<16xi32>
      %add3A_158 = arith.addi %add3A_157, %iota3A : vector<16xi32>
      %sub3A_159 = vector.broadcast %mul3A_2 : i32 to vector<16xi32>
      %sub3A_160 = arith.subi %get3A_150, %sub3A_159 : vector<16xi32>
      %ge3A_161 = arith.constant 0 : i32
      %ge3A_162 = vector.broadcast %ge3A_161 : i32 to vector<16xi32>
      %ge3A_163 = arith.cmpi sge, %sub3A_160, %ge3A_162 : vector<16xi32>
      %lt3A_164 = arith.constant 320 : i32
      %lt3A_165 = vector.broadcast %lt3A_164 : i32 to vector<16xi32>
      %lt3A_166 = arith.cmpi slt, %sub3A_160, %lt3A_165 : vector<16xi32>
      %and3A_167 = arith.andi %ge3A_163, %lt3A_166 : vector<16xi1>
      %ge3A_168 = vector.broadcast %while3A_94 : i32 to vector<16xi32>
      %ge3A_169 = arith.cmpi sge, %add3A_158, %ge3A_168 : vector<16xi32>
      %and3A_170 = arith.andi %and3A_167, %ge3A_169 : vector<16xi1>
      %jit3A_171 = arith.constant 320 : i32
      %broadcast_in_dim3A_172 = vector.broadcast %jit3A_171 : i32 to vector<16xi32>
      %select_n3A_173 = arith.select %and3A_170, %sub3A_160, %broadcast_in_dim3A_172 : vector<16xi1>, vector<16xi32>
      %sub3A_174 = vector.broadcast %mul3A_2 : i32 to vector<16xi32>
      %sub3A_175 = arith.subi %get3A_152, %sub3A_174 : vector<16xi32>
      %ge3A_176 = arith.constant 0 : i32
      %ge3A_177 = vector.broadcast %ge3A_176 : i32 to vector<16xi32>
      %ge3A_178 = arith.cmpi sge, %sub3A_175, %ge3A_177 : vector<16xi32>
      %lt3A_179 = arith.constant 320 : i32
      %lt3A_180 = vector.broadcast %lt3A_179 : i32 to vector<16xi32>
      %lt3A_181 = arith.cmpi slt, %sub3A_175, %lt3A_180 : vector<16xi32>
      %and3A_182 = arith.andi %ge3A_178, %lt3A_181 : vector<16xi1>
      %add3A_183 = arith.constant 1 : i32
      %add3A_184 = vector.broadcast %add3A_183 : i32 to vector<16xi32>
      %add3A_185 = arith.addi %add3A_158, %add3A_184 : vector<16xi32>
      %ge3A_186 = vector.broadcast %while3A_94 : i32 to vector<16xi32>
      %ge3A_187 = arith.cmpi sge, %add3A_185, %ge3A_186 : vector<16xi32>
      %and3A_188 = arith.andi %and3A_182, %ge3A_187 : vector<16xi1>
      %jit3A_189 = arith.constant 320 : i32
      %broadcast_in_dim3A_190 = vector.broadcast %jit3A_189 : i32 to vector<16xi32>
      %select_n3A_191 = arith.select %and3A_188, %sub3A_175, %broadcast_in_dim3A_190 : vector<16xi1>, vector<16xi32>
      %mul3A_192 = arith.constant 256 : i32
      %mul3A_193 = vector.broadcast %mul3A_192 : i32 to vector<16xi32>
      %mul3A_194 = arith.muli %select_n3A_173, %mul3A_193 : vector<16xi32>
      %swap3A_195 = arith.constant 16 : index
      %swap3A_196 = tpu.vector_load %arg10[%swap3A_195] {strides = array<i32>} : memref<144xi32, #tpu.memory_space<vmem>>, vector<16xi32>,
      tpu.vector_store %arg10[%swap3A_195], %mul3A_194 {strides = array<i32>} : memref<144xi32, #tpu.memory_space<vmem>>, vector<16xi32>,
      %get3A_197 = arith.constant 32 : index
      %get3A_198 = tpu.vector_load %arg9[%get3A_197] {strides = array<i32>} : memref<144xi32, #tpu.memory_space<vmem>>, vector<16xi32>,
      %get3A_199 = arith.constant 33 : index
      %get3A_200 = tpu.vector_load %arg9[%get3A_199] {strides = array<i32>} : memref<144xi32, #tpu.memory_space<vmem>>, vector<16xi32>,
      %add3A_201 = arith.constant 2 : i32
      %add3A_202 = arith.addi %min3A_98, %add3A_201 : i32
      %mul3A_203 = arith.constant 16 : i32
      %mul3A_204 = arith.muli %add3A_202, %mul3A_203 : i32
      %add3A_205 = vector.broadcast %mul3A_204 : i32 to vector<16xi32>
      %add3A_206 = arith.addi %add3A_205, %iota3A : vector<16xi32>
      %sub3A_207 = vector.broadcast %mul3A_2 : i32 to vector<16xi32>
      %sub3A_208 = arith.subi %get3A_198, %sub3A_207 : vector<16xi32>
      %ge3A_209 = arith.constant 0 : i32
      %ge3A_210 = vector.broadcast %ge3A_209 : i32 to vector<16xi32>
      %ge3A_211 = arith.cmpi sge, %sub3A_208, %ge3A_210 : vector<16xi32>
      %lt3A_212 = arith.constant 320 : i32
      %lt3A_213 = vector.broadcast %lt3A_212 : i32 to vector<16xi32>
      %lt3A_214 = arith.cmpi slt, %sub3A_208, %lt3A_213 : vector<16xi32>
      %and3A_215 = arith.andi %ge3A_211, %lt3A_214 : vector<16xi1>
      %ge3A_216 = vector.broadcast %while3A_94 : i32 to vector<16xi32>
      %ge3A_217 = arith.cmpi sge, %add3A_206, %ge3A_216 : vector<16xi32>
      %and3A_218 = arith.andi %and3A_215, %ge3A_217 : vector<16xi1>
      %jit3A_219 = arith.constant 320 : i32
      %broadcast_in_dim3A_220 = vector.broadcast %jit3A_219 : i32 to vector<16xi32>
      %select_n3A_221 = arith.select %and3A_218, %sub3A_208, %broadcast_in_dim3A_220 : vector<16xi1>, vector<16xi32>
      %sub3A_222 = vector.broadcast %mul3A_2 : i32 to vector<16xi32>
      %sub3A_223 = arith.subi %get3A_200, %sub3A_222 : vector<16xi32>
      %ge3A_224 = arith.constant 0 : i32
      %ge3A_225 = vector.broadcast %ge3A_224 : i32 to vector<16xi32>
      %ge3A_226 = arith.cmpi sge, %sub3A_223, %ge3A_225 : vector<16xi32>
      %lt3A_227 = arith.constant 320 : i32
      %lt3A_228 = vector.broadcast %lt3A_227 : i32 to vector<16xi32>
      %lt3A_229 = arith.cmpi slt, %sub3A_223, %lt3A_228 : vector<16xi32>
      %and3A_230 = arith.andi %ge3A_226, %lt3A_229 : vector<16xi1>
      %add3A_231 = arith.constant 1 : i32
      %add3A_232 = vector.broadcast %add3A_231 : i32 to vector<16xi32>
      %add3A_233 = arith.addi %add3A_206, %add3A_232 : vector<16xi32>
      %ge3A_234 = vector.broadcast %while3A_94 : i32 to vector<16xi32>
      %ge3A_235 = arith.cmpi sge, %add3A_233, %ge3A_234 : vector<16xi32>
      %and3A_236 = arith.andi %and3A_230, %ge3A_235 : vector<16xi1>
      %jit3A_237 = arith.constant 320 : i32
      %broadcast_in_dim3A_238 = vector.broadcast %jit3A_237 : i32 to vector<16xi32>
      %select_n3A_239 = arith.select %and3A_236, %sub3A_223, %broadcast_in_dim3A_238 : vector<16xi1>, vector<16xi32>
      %mul3A_240 = arith.constant 256 : i32
      %mul3A_241 = vector.broadcast %mul3A_240 : i32 to vector<16xi32>
      %mul3A_242 = arith.muli %select_n3A_221, %mul3A_241 : vector<16xi32>
      %swap3A_243 = arith.constant 32 : index
      %swap3A_244 = tpu.vector_load %arg10[%swap3A_243] {strides = array<i32>} : memref<144xi32, #tpu.memory_space<vmem>>, vector<16xi32>,
      tpu.vector_store %arg10[%swap3A_243], %mul3A_242 {strides = array<i32>} : memref<144xi32, #tpu.memory_space<vmem>>, vector<16xi32>,
      %get3A_245 = arith.constant 48 : index
      %get3A_246 = tpu.vector_load %arg9[%get3A_245] {strides = array<i32>} : memref<144xi32, #tpu.memory_space<vmem>>, vector<16xi32>,
      %get3A_247 = arith.constant 49 : index
      %get3A_248 = tpu.vector_load %arg9[%get3A_247] {strides = array<i32>} : memref<144xi32, #tpu.memory_space<vmem>>, vector<16xi32>,
      %add3A_249 = arith.constant 3 : i32
      %add3A_250 = arith.addi %min3A_98, %add3A_249 : i32
      %mul3A_251 = arith.constant 16 : i32
      %mul3A_252 = arith.muli %add3A_250, %mul3A_251 : i32
      %add3A_253 = vector.broadcast %mul3A_252 : i32 to vector<16xi32>
      %add3A_254 = arith.addi %add3A_253, %iota3A : vector<16xi32>
      %sub3A_255 = vector.broadcast %mul3A_2 : i32 to vector<16xi32>
      %sub3A_256 = arith.subi %get3A_246, %sub3A_255 : vector<16xi32>
      %ge3A_257 = arith.constant 0 : i32
      %ge3A_258 = vector.broadcast %ge3A_257 : i32 to vector<16xi32>
      %ge3A_259 = arith.cmpi sge, %sub3A_256, %ge3A_258 : vector<16xi32>
      %lt3A_260 = arith.constant 320 : i32
      %lt3A_261 = vector.broadcast %lt3A_260 : i32 to vector<16xi32>
      %lt3A_262 = arith.cmpi slt, %sub3A_256, %lt3A_261 : vector<16xi32>
      %and3A_263 = arith.andi %ge3A_259, %lt3A_262 : vector<16xi1>
      %ge3A_264 = vector.broadcast %while3A_94 : i32 to vector<16xi32>
      %ge3A_265 = arith.cmpi sge, %add3A_254, %ge3A_264 : vector<16xi32>
      %and3A_266 = arith.andi %and3A_263, %ge3A_265 : vector<16xi1>
      %jit3A_267 = arith.constant 320 : i32
      %broadcast_in_dim3A_268 = vector.broadcast %jit3A_267 : i32 to vector<16xi32>
      %select_n3A_269 = arith.select %and3A_266, %sub3A_256, %broadcast_in_dim3A_268 : vector<16xi1>, vector<16xi32>
      %sub3A_270 = vector.broadcast %mul3A_2 : i32 to vector<16xi32>
      %sub3A_271 = arith.subi %get3A_248, %sub3A_270 : vector<16xi32>
      %ge3A_272 = arith.constant 0 : i32
      %ge3A_273 = vector.broadcast %ge3A_272 : i32 to vector<16xi32>
      %ge3A_274 = arith.cmpi sge, %sub3A_271, %ge3A_273 : vector<16xi32>
      %lt3A_275 = arith.constant 320 : i32
      %lt3A_276 = vector.broadcast %lt3A_275 : i32 to vector<16xi32>
      %lt3A_277 = arith.cmpi slt, %sub3A_271, %lt3A_276 : vector<16xi32>
      %and3A_278 = arith.andi %ge3A_274, %lt3A_277 : vector<16xi1>
      %add3A_279 = arith.constant 1 : i32
      %add3A_280 = vector.broadcast %add3A_279 : i32 to vector<16xi32>
      %add3A_281 = arith.addi %add3A_254, %add3A_280 : vector<16xi32>
      %ge3A_282 = vector.broadcast %while3A_94 : i32 to vector<16xi32>
      %ge3A_283 = arith.cmpi sge, %add3A_281, %ge3A_282 : vector<16xi32>
      %and3A_284 = arith.andi %and3A_278, %ge3A_283 : vector<16xi1>
      %jit3A_285 = arith.constant 320 : i32
      %broadcast_in_dim3A_286 = vector.broadcast %jit3A_285 : i32 to vector<16xi32>
      %select_n3A_287 = arith.select %and3A_284, %sub3A_271, %broadcast_in_dim3A_286 : vector<16xi1>, vector<16xi32>
      %mul3A_288 = arith.constant 256 : i32
      %mul3A_289 = vector.broadcast %mul3A_288 : i32 to vector<16xi32>
      %mul3A_290 = arith.muli %select_n3A_269, %mul3A_289 : vector<16xi32>
      %swap3A_291 = arith.constant 48 : index
      %swap3A_292 = tpu.vector_load %arg10[%swap3A_291] {strides = array<i32>} : memref<144xi32, #tpu.memory_space<vmem>>, vector<16xi32>,
      tpu.vector_store %arg10[%swap3A_291], %mul3A_290 {strides = array<i32>} : memref<144xi32, #tpu.memory_space<vmem>>, vector<16xi32>,
      %get3A_293 = arith.constant 64 : index
      %get3A_294 = tpu.vector_load %arg9[%get3A_293] {strides = array<i32>} : memref<144xi32, #tpu.memory_space<vmem>>, vector<16xi32>,
      %get3A_295 = arith.constant 65 : index
      %get3A_296 = tpu.vector_load %arg9[%get3A_295] {strides = array<i32>} : memref<144xi32, #tpu.memory_space<vmem>>, vector<16xi32>,
      %add3A_297 = arith.constant 4 : i32
      %add3A_298 = arith.addi %min3A_98, %add3A_297 : i32
      %mul3A_299 = arith.constant 16 : i32
      %mul3A_300 = arith.muli %add3A_298, %mul3A_299 : i32
      %add3A_301 = vector.broadcast %mul3A_300 : i32 to vector<16xi32>
      %add3A_302 = arith.addi %add3A_301, %iota3A : vector<16xi32>
      %sub3A_303 = vector.broadcast %mul3A_2 : i32 to vector<16xi32>
      %sub3A_304 = arith.subi %get3A_294, %sub3A_303 : vector<16xi32>
      %ge3A_305 = arith.constant 0 : i32
      %ge3A_306 = vector.broadcast %ge3A_305 : i32 to vector<16xi32>
      %ge3A_307 = arith.cmpi sge, %sub3A_304, %ge3A_306 : vector<16xi32>
      %lt3A_308 = arith.constant 320 : i32
      %lt3A_309 = vector.broadcast %lt3A_308 : i32 to vector<16xi32>
      %lt3A_310 = arith.cmpi slt, %sub3A_304, %lt3A_309 : vector<16xi32>
      %and3A_311 = arith.andi %ge3A_307, %lt3A_310 : vector<16xi1>
      %ge3A_312 = vector.broadcast %while3A_94 : i32 to vector<16xi32>
      %ge3A_313 = arith.cmpi sge, %add3A_302, %ge3A_312 : vector<16xi32>
      %and3A_314 = arith.andi %and3A_311, %ge3A_313 : vector<16xi1>
      %jit3A_315 = arith.constant 320 : i32
      %broadcast_in_dim3A_316 = vector.broadcast %jit3A_315 : i32 to vector<16xi32>
      %select_n3A_317 = arith.select %and3A_314, %sub3A_304, %broadcast_in_dim3A_316 : vector<16xi1>, vector<16xi32>
      %sub3A_318 = vector.broadcast %mul3A_2 : i32 to vector<16xi32>
      %sub3A_319 = arith.subi %get3A_296, %sub3A_318 : vector<16xi32>
      %ge3A_320 = arith.constant 0 : i32
      %ge3A_321 = vector.broadcast %ge3A_320 : i32 to vector<16xi32>
      %ge3A_322 = arith.cmpi sge, %sub3A_319, %ge3A_321 : vector<16xi32>
      %lt3A_323 = arith.constant 320 : i32
      %lt3A_324 = vector.broadcast %lt3A_323 : i32 to vector<16xi32>
      %lt3A_325 = arith.cmpi slt, %sub3A_319, %lt3A_324 : vector<16xi32>
      %and3A_326 = arith.andi %ge3A_322, %lt3A_325 : vector<16xi1>
      %add3A_327 = arith.constant 1 : i32
      %add3A_328 = vector.broadcast %add3A_327 : i32 to vector<16xi32>
      %add3A_329 = arith.addi %add3A_302, %add3A_328 : vector<16xi32>
      %ge3A_330 = vector.broadcast %while3A_94 : i32 to vector<16xi32>
      %ge3A_331 = arith.cmpi sge, %add3A_329, %ge3A_330 : vector<16xi32>
      %and3A_332 = arith.andi %and3A_326, %ge3A_331 : vector<16xi1>
      %jit3A_333 = arith.constant 320 : i32
      %broadcast_in_dim3A_334 = vector.broadcast %jit3A_333 : i32 to vector<16xi32>
      %select_n3A_335 = arith.select %and3A_332, %sub3A_319, %broadcast_in_dim3A_334 : vector<16xi1>, vector<16xi32>
      %mul3A_336 = arith.constant 256 : i32
      %mul3A_337 = vector.broadcast %mul3A_336 : i32 to vector<16xi32>
      %mul3A_338 = arith.muli %select_n3A_317, %mul3A_337 : vector<16xi32>
      %swap3A_339 = arith.constant 64 : index
      %swap3A_340 = tpu.vector_load %arg10[%swap3A_339] {strides = array<i32>} : memref<144xi32, #tpu.memory_space<vmem>>, vector<16xi32>,
      tpu.vector_store %arg10[%swap3A_339], %mul3A_338 {strides = array<i32>} : memref<144xi32, #tpu.memory_space<vmem>>, vector<16xi32>,
      %get3A_341 = arith.constant 80 : index
      %get3A_342 = tpu.vector_load %arg9[%get3A_341] {strides = array<i32>} : memref<144xi32, #tpu.memory_space<vmem>>, vector<16xi32>,
      %get3A_343 = arith.constant 81 : index
      %get3A_344 = tpu.vector_load %arg9[%get3A_343] {strides = array<i32>} : memref<144xi32, #tpu.memory_space<vmem>>, vector<16xi32>,
      %add3A_345 = arith.constant 5 : i32
      %add3A_346 = arith.addi %min3A_98, %add3A_345 : i32
      %mul3A_347 = arith.constant 16 : i32
      %mul3A_348 = arith.muli %add3A_346, %mul3A_347 : i32
      %add3A_349 = vector.broadcast %mul3A_348 : i32 to vector<16xi32>
      %add3A_350 = arith.addi %add3A_349, %iota3A : vector<16xi32>
      %sub3A_351 = vector.broadcast %mul3A_2 : i32 to vector<16xi32>
      %sub3A_352 = arith.subi %get3A_342, %sub3A_351 : vector<16xi32>
      %ge3A_353 = arith.constant 0 : i32
      %ge3A_354 = vector.broadcast %ge3A_353 : i32 to vector<16xi32>
      %ge3A_355 = arith.cmpi sge, %sub3A_352, %ge3A_354 : vector<16xi32>
      %lt3A_356 = arith.constant 320 : i32
      %lt3A_357 = vector.broadcast %lt3A_356 : i32 to vector<16xi32>
      %lt3A_358 = arith.cmpi slt, %sub3A_352, %lt3A_357 : vector<16xi32>
      %and3A_359 = arith.andi %ge3A_355, %lt3A_358 : vector<16xi1>
      %ge3A_360 = vector.broadcast %while3A_94 : i32 to vector<16xi32>
      %ge3A_361 = arith.cmpi sge, %add3A_350, %ge3A_360 : vector<16xi32>
      %and3A_362 = arith.andi %and3A_359, %ge3A_361 : vector<16xi1>
      %jit3A_363 = arith.constant 320 : i32
      %broadcast_in_dim3A_364 = vector.broadcast %jit3A_363 : i32 to vector<16xi32>
      %select_n3A_365 = arith.select %and3A_362, %sub3A_352, %broadcast_in_dim3A_364 : vector<16xi1>, vector<16xi32>
      %sub3A_366 = vector.broadcast %mul3A_2 : i32 to vector<16xi32>
      %sub3A_367 = arith.subi %get3A_344, %sub3A_366 : vector<16xi32>
      %ge3A_368 = arith.constant 0 : i32
      %ge3A_369 = vector.broadcast %ge3A_368 : i32 to vector<16xi32>
      %ge3A_370 = arith.cmpi sge, %sub3A_367, %ge3A_369 : vector<16xi32>
      %lt3A_371 = arith.constant 320 : i32
      %lt3A_372 = vector.broadcast %lt3A_371 : i32 to vector<16xi32>
      %lt3A_373 = arith.cmpi slt, %sub3A_367, %lt3A_372 : vector<16xi32>
      %and3A_374 = arith.andi %ge3A_370, %lt3A_373 : vector<16xi1>
      %add3A_375 = arith.constant 1 : i32
      %add3A_376 = vector.broadcast %add3A_375 : i32 to vector<16xi32>
      %add3A_377 = arith.addi %add3A_350, %add3A_376 : vector<16xi32>
      %ge3A_378 = vector.broadcast %while3A_94 : i32 to vector<16xi32>
      %ge3A_379 = arith.cmpi sge, %add3A_377, %ge3A_378 : vector<16xi32>
      %and3A_380 = arith.andi %and3A_374, %ge3A_379 : vector<16xi1>
      %jit3A_381 = arith.constant 320 : i32
      %broadcast_in_dim3A_382 = vector.broadcast %jit3A_381 : i32 to vector<16xi32>
      %select_n3A_383 = arith.select %and3A_380, %sub3A_367, %broadcast_in_dim3A_382 : vector<16xi1>, vector<16xi32>
      %mul3A_384 = arith.constant 256 : i32
      %mul3A_385 = vector.broadcast %mul3A_384 : i32 to vector<16xi32>
      %mul3A_386 = arith.muli %select_n3A_365, %mul3A_385 : vector<16xi32>
      %swap3A_387 = arith.constant 80 : index
      %swap3A_388 = tpu.vector_load %arg10[%swap3A_387] {strides = array<i32>} : memref<144xi32, #tpu.memory_space<vmem>>, vector<16xi32>,
      tpu.vector_store %arg10[%swap3A_387], %mul3A_386 {strides = array<i32>} : memref<144xi32, #tpu.memory_space<vmem>>, vector<16xi32>,
      %get3A_389 = arith.constant 96 : index
      %get3A_390 = tpu.vector_load %arg9[%get3A_389] {strides = array<i32>} : memref<144xi32, #tpu.memory_space<vmem>>, vector<16xi32>,
      %get3A_391 = arith.constant 97 : index
      %get3A_392 = tpu.vector_load %arg9[%get3A_391] {strides = array<i32>} : memref<144xi32, #tpu.memory_space<vmem>>, vector<16xi32>,
      %add3A_393 = arith.constant 6 : i32
      %add3A_394 = arith.addi %min3A_98, %add3A_393 : i32
      %mul3A_395 = arith.constant 16 : i32
      %mul3A_396 = arith.muli %add3A_394, %mul3A_395 : i32
      %add3A_397 = vector.broadcast %mul3A_396 : i32 to vector<16xi32>
      %add3A_398 = arith.addi %add3A_397, %iota3A : vector<16xi32>
      %sub3A_399 = vector.broadcast %mul3A_2 : i32 to vector<16xi32>
      %sub3A_400 = arith.subi %get3A_390, %sub3A_399 : vector<16xi32>
      %ge3A_401 = arith.constant 0 : i32
      %ge3A_402 = vector.broadcast %ge3A_401 : i32 to vector<16xi32>
      %ge3A_403 = arith.cmpi sge, %sub3A_400, %ge3A_402 : vector<16xi32>
      %lt3A_404 = arith.constant 320 : i32
      %lt3A_405 = vector.broadcast %lt3A_404 : i32 to vector<16xi32>
      %lt3A_406 = arith.cmpi slt, %sub3A_400, %lt3A_405 : vector<16xi32>
      %and3A_407 = arith.andi %ge3A_403, %lt3A_406 : vector<16xi1>
      %ge3A_408 = vector.broadcast %while3A_94 : i32 to vector<16xi32>
      %ge3A_409 = arith.cmpi sge, %add3A_398, %ge3A_408 : vector<16xi32>
      %and3A_410 = arith.andi %and3A_407, %ge3A_409 : vector<16xi1>
      %jit3A_411 = arith.constant 320 : i32
      %broadcast_in_dim3A_412 = vector.broadcast %jit3A_411 : i32 to vector<16xi32>
      %select_n3A_413 = arith.select %and3A_410, %sub3A_400, %broadcast_in_dim3A_412 : vector<16xi1>, vector<16xi32>
      %sub3A_414 = vector.broadcast %mul3A_2 : i32 to vector<16xi32>
      %sub3A_415 = arith.subi %get3A_392, %sub3A_414 : vector<16xi32>
      %ge3A_416 = arith.constant 0 : i32
      %ge3A_417 = vector.broadcast %ge3A_416 : i32 to vector<16xi32>
      %ge3A_418 = arith.cmpi sge, %sub3A_415, %ge3A_417 : vector<16xi32>
      %lt3A_419 = arith.constant 320 : i32
      %lt3A_420 = vector.broadcast %lt3A_419 : i32 to vector<16xi32>
      %lt3A_421 = arith.cmpi slt, %sub3A_415, %lt3A_420 : vector<16xi32>
      %and3A_422 = arith.andi %ge3A_418, %lt3A_421 : vector<16xi1>
      %add3A_423 = arith.constant 1 : i32
      %add3A_424 = vector.broadcast %add3A_423 : i32 to vector<16xi32>
      %add3A_425 = arith.addi %add3A_398, %add3A_424 : vector<16xi32>
      %ge3A_426 = vector.broadcast %while3A_94 : i32 to vector<16xi32>
      %ge3A_427 = arith.cmpi sge, %add3A_425, %ge3A_426 : vector<16xi32>
      %and3A_428 = arith.andi %and3A_422, %ge3A_427 : vector<16xi1>
      %jit3A_429 = arith.constant 320 : i32
      %broadcast_in_dim3A_430 = vector.broadcast %jit3A_429 : i32 to vector<16xi32>
      %select_n3A_431 = arith.select %and3A_428, %sub3A_415, %broadcast_in_dim3A_430 : vector<16xi1>, vector<16xi32>
      %mul3A_432 = arith.constant 256 : i32
      %mul3A_433 = vector.broadcast %mul3A_432 : i32 to vector<16xi32>
      %mul3A_434 = arith.muli %select_n3A_413, %mul3A_433 : vector<16xi32>
      %swap3A_435 = arith.constant 96 : index
      %swap3A_436 = tpu.vector_load %arg10[%swap3A_435] {strides = array<i32>} : memref<144xi32, #tpu.memory_space<vmem>>, vector<16xi32>,
      tpu.vector_store %arg10[%swap3A_435], %mul3A_434 {strides = array<i32>} : memref<144xi32, #tpu.memory_space<vmem>>, vector<16xi32>,
      %get3A_437 = arith.constant 112 : index
      %get3A_438 = tpu.vector_load %arg9[%get3A_437] {strides = array<i32>} : memref<144xi32, #tpu.memory_space<vmem>>, vector<16xi32>,
      %get3A_439 = arith.constant 113 : index
      %get3A_440 = tpu.vector_load %arg9[%get3A_439] {strides = array<i32>} : memref<144xi32, #tpu.memory_space<vmem>>, vector<16xi32>,
      %add3A_441 = arith.constant 7 : i32
      %add3A_442 = arith.addi %min3A_98, %add3A_441 : i32
      %mul3A_443 = arith.constant 16 : i32
      %mul3A_444 = arith.muli %add3A_442, %mul3A_443 : i32
      %add3A_445 = vector.broadcast %mul3A_444 : i32 to vector<16xi32>
      %add3A_446 = arith.addi %add3A_445, %iota3A : vector<16xi32>
      %sub3A_447 = vector.broadcast %mul3A_2 : i32 to vector<16xi32>
      %sub3A_448 = arith.subi %get3A_438, %sub3A_447 : vector<16xi32>
      %ge3A_449 = arith.constant 0 : i32
      %ge3A_450 = vector.broadcast %ge3A_449 : i32 to vector<16xi32>
      %ge3A_451 = arith.cmpi sge, %sub3A_448, %ge3A_450 : vector<16xi32>
      %lt3A_452 = arith.constant 320 : i32
      %lt3A_453 = vector.broadcast %lt3A_452 : i32 to vector<16xi32>
      %lt3A_454 = arith.cmpi slt, %sub3A_448, %lt3A_453 : vector<16xi32>
      %and3A_455 = arith.andi %ge3A_451, %lt3A_454 : vector<16xi1>
      %ge3A_456 = vector.broadcast %while3A_94 : i32 to vector<16xi32>
      %ge3A_457 = arith.cmpi sge, %add3A_446, %ge3A_456 : vector<16xi32>
      %and3A_458 = arith.andi %and3A_455, %ge3A_457 : vector<16xi1>
      %jit3A_459 = arith.constant 320 : i32
      %broadcast_in_dim3A_460 = vector.broadcast %jit3A_459 : i32 to vector<16xi32>
      %select_n3A_461 = arith.select %and3A_458, %sub3A_448, %broadcast_in_dim3A_460 : vector<16xi1>, vector<16xi32>
      %sub3A_462 = vector.broadcast %mul3A_2 : i32 to vector<16xi32>
      %sub3A_463 = arith.subi %get3A_440, %sub3A_462 : vector<16xi32>
      %ge3A_464 = arith.constant 0 : i32
      %ge3A_465 = vector.broadcast %ge3A_464 : i32 to vector<16xi32>
      %ge3A_466 = arith.cmpi sge, %sub3A_463, %ge3A_465 : vector<16xi32>
      %lt3A_467 = arith.constant 320 : i32
      %lt3A_468 = vector.broadcast %lt3A_467 : i32 to vector<16xi32>
      %lt3A_469 = arith.cmpi slt, %sub3A_463, %lt3A_468 : vector<16xi32>
      %and3A_470 = arith.andi %ge3A_466, %lt3A_469 : vector<16xi1>
      %add3A_471 = arith.constant 1 : i32
      %add3A_472 = vector.broadcast %add3A_471 : i32 to vector<16xi32>
      %add3A_473 = arith.addi %add3A_446, %add3A_472 : vector<16xi32>
      %ge3A_474 = vector.broadcast %while3A_94 : i32 to vector<16xi32>
      %ge3A_475 = arith.cmpi sge, %add3A_473, %ge3A_474 : vector<16xi32>
      %and3A_476 = arith.andi %and3A_470, %ge3A_475 : vector<16xi1>
      %jit3A_477 = arith.constant 320 : i32
      %broadcast_in_dim3A_478 = vector.broadcast %jit3A_477 : i32 to vector<16xi32>
      %select_n3A_479 = arith.select %and3A_476, %sub3A_463, %broadcast_in_dim3A_478 : vector<16xi1>, vector<16xi32>
      %mul3A_480 = arith.constant 256 : i32
      %mul3A_481 = vector.broadcast %mul3A_480 : i32 to vector<16xi32>
      %mul3A_482 = arith.muli %select_n3A_461, %mul3A_481 : vector<16xi32>
      %swap3A_483 = arith.constant 112 : index
      %swap3A_484 = tpu.vector_load %arg10[%swap3A_483] {strides = array<i32>} : memref<144xi32, #tpu.memory_space<vmem>>, vector<16xi32>,
      tpu.vector_store %arg10[%swap3A_483], %mul3A_482 {strides = array<i32>} : memref<144xi32, #tpu.memory_space<vmem>>, vector<16xi32>,
      %parallel_loop3A = arith.constant 0 : i32
      %parallel_loop3A_485 = arith.constant 128 : i32
      %parallel_loop3A_486 = arith.constant 1 : i32
      scf.for %parallel_loop3A_491 = %parallel_loop3A to %parallel_loop3A_485 step %parallel_loop3A_486  : i32 {
        %parallel_loop3A_492 = arith.index_cast %parallel_loop3A_491 : i32 to index
        %parallel_loop3A_493 = tpu.vector_load %arg10[%parallel_loop3A_492] {strides = array<i32>} : memref<144xi32, #tpu.memory_space<vmem>>, vector<16xi32>,
        %parallel_loop3A_494 = vector.extract_strided_slice %parallel_loop3A_493 {offsets = [0], sizes = [1], strides = [1]} : vector<16xi32> to vector<1xi32>
        %parallel_loop3A_495 = vector.extract %parallel_loop3A_494[0] : i32 from vector<1xi32>
        %parallel_loop3A_496 = arith.constant 256 : i32
        %parallel_loop3A_497 = arith.muli %parallel_loop3A_491, %parallel_loop3A_496 : i32
        %parallel_loop3A_498 = arith.constant 0 : i32
        %parallel_loop3A_499 = arith.addi %parallel_loop3A_497, %parallel_loop3A_498 : i32
        %parallel_loop3A_500 = arith.index_cast %parallel_loop3A_499 : i32 to index
        %parallel_loop3A_501 = tpu.vector_load %arg8[%parallel_loop3A_500] {strides = array<i32>} : memref<32768xf32, #tpu.memory_space<vmem>>, vector<16xf32>,
        %parallel_loop3A_502 = arith.constant 0 : i32
        %parallel_loop3A_503 = arith.addi %parallel_loop3A_495, %parallel_loop3A_502 : i32
        %parallel_loop3A_504 = arith.index_cast %parallel_loop3A_503 : i32 to index
        %parallel_loop3A_505 = tpu.vector_load %arg7[%parallel_loop3A_504] {strides = array<i32>} : memref<83968xf32, #tpu.memory_space<vmem>>, vector<16xf32>,
        tpu.vector_store %arg7[%parallel_loop3A_504], %parallel_loop3A_501 {add = true, strides = array<i32>} : memref<83968xf32, #tpu.memory_space<vmem>>, vector<16xf32>,
        %parallel_loop3A_506 = arith.constant 256 : i32
        %parallel_loop3A_507 = arith.muli %parallel_loop3A_491, %parallel_loop3A_506 : i32
        %parallel_loop3A_508 = arith.constant 16 : i32
        %parallel_loop3A_509 = arith.addi %parallel_loop3A_507, %parallel_loop3A_508 : i32
        %parallel_loop3A_510 = arith.index_cast %parallel_loop3A_509 : i32 to index
        %parallel_loop3A_511 = tpu.vector_load %arg8[%parallel_loop3A_510] {strides = array<i32>} : memref<32768xf32, #tpu.memory_space<vmem>>, vector<16xf32>,
        %parallel_loop3A_512 = arith.constant 16 : i32
        %parallel_loop3A_513 = arith.addi %parallel_loop3A_495, %parallel_loop3A_512 : i32
        %parallel_loop3A_514 = arith.index_cast %parallel_loop3A_513 : i32 to index
        %parallel_loop3A_515 = tpu.vector_load %arg7[%parallel_loop3A_514] {strides = array<i32>} : memref<83968xf32, #tpu.memory_space<vmem>>, vector<16xf32>,
        tpu.vector_store %arg7[%parallel_loop3A_514], %parallel_loop3A_511 {add = true, strides = array<i32>} : memref<83968xf32, #tpu.memory_space<vmem>>, vector<16xf32>,
        %parallel_loop3A_516 = arith.constant 256 : i32
        %parallel_loop3A_517 = arith.muli %parallel_loop3A_491, %parallel_loop3A_516 : i32
        %parallel_loop3A_518 = arith.constant 32 : i32
        %parallel_loop3A_519 = arith.addi %parallel_loop3A_517, %parallel_loop3A_518 : i32
        %parallel_loop3A_520 = arith.index_cast %parallel_loop3A_519 : i32 to index
        %parallel_loop3A_521 = tpu.vector_load %arg8[%parallel_loop3A_520] {strides = array<i32>} : memref<32768xf32, #tpu.memory_space<vmem>>, vector<16xf32>,
        %parallel_loop3A_522 = arith.constant 32 : i32
        %parallel_loop3A_523 = arith.addi %parallel_loop3A_495, %parallel_loop3A_522 : i32
        %parallel_loop3A_524 = arith.index_cast %parallel_loop3A_523 : i32 to index
        %parallel_loop3A_525 = tpu.vector_load %arg7[%parallel_loop3A_524] {strides = array<i32>} : memref<83968xf32, #tpu.memory_space<vmem>>, vector<16xf32>,
        tpu.vector_store %arg7[%parallel_loop3A_524], %parallel_loop3A_521 {add = true, strides = array<i32>} : memref<83968xf32, #tpu.memory_space<vmem>>, vector<16xf32>,
        %parallel_loop3A_526 = arith.constant 256 : i32
        %parallel_loop3A_527 = arith.muli %parallel_loop3A_491, %parallel_loop3A_526 : i32
        %parallel_loop3A_528 = arith.constant 48 : i32
        %parallel_loop3A_529 = arith.addi %parallel_loop3A_527, %parallel_loop3A_528 : i32
        %parallel_loop3A_530 = arith.index_cast %parallel_loop3A_529 : i32 to index
        %parallel_loop3A_531 = tpu.vector_load %arg8[%parallel_loop3A_530] {strides = array<i32>} : memref<32768xf32, #tpu.memory_space<vmem>>, vector<16xf32>,
        %parallel_loop3A_532 = arith.constant 48 : i32
        %parallel_loop3A_533 = arith.addi %parallel_loop3A_495, %parallel_loop3A_532 : i32
        %parallel_loop3A_534 = arith.index_cast %parallel_loop3A_533 : i32 to index
        %parallel_loop3A_535 = tpu.vector_load %arg7[%parallel_loop3A_534] {strides = array<i32>} : memref<83968xf32, #tpu.memory_space<vmem>>, vector<16xf32>,
        tpu.vector_store %arg7[%parallel_loop3A_534], %parallel_loop3A_531 {add = true, strides = array<i32>} : memref<83968xf32, #tpu.memory_space<vmem>>, vector<16xf32>,
        %parallel_loop3A_536 = arith.constant 256 : i32
        %parallel_loop3A_537 = arith.muli %parallel_loop3A_491, %parallel_loop3A_536 : i32
        %parallel_loop3A_538 = arith.constant 64 : i32
        %parallel_loop3A_539 = arith.addi %parallel_loop3A_537, %parallel_loop3A_538 : i32
        %parallel_loop3A_540 = arith.index_cast %parallel_loop3A_539 : i32 to index
        %parallel_loop3A_541 = tpu.vector_load %arg8[%parallel_loop3A_540] {strides = array<i32>} : memref<32768xf32, #tpu.memory_space<vmem>>, vector<16xf32>,
        %parallel_loop3A_542 = arith.constant 64 : i32
        %parallel_loop3A_543 = arith.addi %parallel_loop3A_495, %parallel_loop3A_542 : i32
        %parallel_loop3A_544 = arith.index_cast %parallel_loop3A_543 : i32 to index
        %parallel_loop3A_545 = tpu.vector_load %arg7[%parallel_loop3A_544] {strides = array<i32>} : memref<83968xf32, #tpu.memory_space<vmem>>, vector<16xf32>,
        tpu.vector_store %arg7[%parallel_loop3A_544], %parallel_loop3A_541 {add = true, strides = array<i32>} : memref<83968xf32, #tpu.memory_space<vmem>>, vector<16xf32>,
        %parallel_loop3A_546 = arith.constant 256 : i32
        %parallel_loop3A_547 = arith.muli %parallel_loop3A_491, %parallel_loop3A_546 : i32
        %parallel_loop3A_548 = arith.constant 80 : i32
        %parallel_loop3A_549 = arith.addi %parallel_loop3A_547, %parallel_loop3A_548 : i32
        %parallel_loop3A_550 = arith.index_cast %parallel_loop3A_549 : i32 to index
        %parallel_loop3A_551 = tpu.vector_load %arg8[%parallel_loop3A_550] {strides = array<i32>} : memref<32768xf32, #tpu.memory_space<vmem>>, vector<16xf32>,
        %parallel_loop3A_552 = arith.constant 80 : i32
        %parallel_loop3A_553 = arith.addi %parallel_loop3A_495, %parallel_loop3A_552 : i32
        %parallel_loop3A_554 = arith.index_cast %parallel_loop3A_553 : i32 to index
        %parallel_loop3A_555 = tpu.vector_load %arg7[%parallel_loop3A_554] {strides = array<i32>} : memref<83968xf32, #tpu.memory_space<vmem>>, vector<16xf32>,
        tpu.vector_store %arg7[%parallel_loop3A_554], %parallel_loop3A_551 {add = true, strides = array<i32>} : memref<83968xf32, #tpu.memory_space<vmem>>, vector<16xf32>,
        %parallel_loop3A_556 = arith.constant 256 : i32
        %parallel_loop3A_557 = arith.muli %parallel_loop3A_491, %parallel_loop3A_556 : i32
        %parallel_loop3A_558 = arith.constant 96 : i32
        %parallel_loop3A_559 = arith.addi %parallel_loop3A_557, %parallel_loop3A_558 : i32
        %parallel_loop3A_560 = arith.index_cast %parallel_loop3A_559 : i32 to index
        %parallel_loop3A_561 = tpu.vector_load %arg8[%parallel_loop3A_560] {strides = array<i32>} : memref<32768xf32, #tpu.memory_space<vmem>>, vector<16xf32>,
        %parallel_loop3A_562 = arith.constant 96 : i32
        %parallel_loop3A_563 = arith.addi %parallel_loop3A_495, %parallel_loop3A_562 : i32
        %parallel_loop3A_564 = arith.index_cast %parallel_loop3A_563 : i32 to index
        %parallel_loop3A_565 = tpu.vector_load %arg7[%parallel_loop3A_564] {strides = array<i32>} : memref<83968xf32, #tpu.memory_space<vmem>>, vector<16xf32>,
        tpu.vector_store %arg7[%parallel_loop3A_564], %parallel_loop3A_561 {add = true, strides = array<i32>} : memref<83968xf32, #tpu.memory_space<vmem>>, vector<16xf32>,
        %parallel_loop3A_566 = arith.constant 256 : i32
        %parallel_loop3A_567 = arith.muli %parallel_loop3A_491, %parallel_loop3A_566 : i32
        %parallel_loop3A_568 = arith.constant 112 : i32
        %parallel_loop3A_569 = arith.addi %parallel_loop3A_567, %parallel_loop3A_568 : i32
        %parallel_loop3A_570 = arith.index_cast %parallel_loop3A_569 : i32 to index
        %parallel_loop3A_571 = tpu.vector_load %arg8[%parallel_loop3A_570] {strides = array<i32>} : memref<32768xf32, #tpu.memory_space<vmem>>, vector<16xf32>,
        %parallel_loop3A_572 = arith.constant 112 : i32
        %parallel_loop3A_573 = arith.addi %parallel_loop3A_495, %parallel_loop3A_572 : i32
        %parallel_loop3A_574 = arith.index_cast %parallel_loop3A_573 : i32 to index
        %parallel_loop3A_575 = tpu.vector_load %arg7[%parallel_loop3A_574] {strides = array<i32>} : memref<83968xf32, #tpu.memory_space<vmem>>, vector<16xf32>,
        tpu.vector_store %arg7[%parallel_loop3A_574], %parallel_loop3A_571 {add = true, strides = array<i32>} : memref<83968xf32, #tpu.memory_space<vmem>>, vector<16xf32>,
        %parallel_loop3A_576 = arith.constant 256 : i32
        %parallel_loop3A_577 = arith.muli %parallel_loop3A_491, %parallel_loop3A_576 : i32
        %parallel_loop3A_578 = arith.constant 128 : i32
        %parallel_loop3A_579 = arith.addi %parallel_loop3A_577, %parallel_loop3A_578 : i32
        %parallel_loop3A_580 = arith.index_cast %parallel_loop3A_579 : i32 to index
        %parallel_loop3A_581 = tpu.vector_load %arg8[%parallel_loop3A_580] {strides = array<i32>} : memref<32768xf32, #tpu.memory_space<vmem>>, vector<16xf32>,
        %parallel_loop3A_582 = arith.constant 128 : i32
        %parallel_loop3A_583 = arith.addi %parallel_loop3A_495, %parallel_loop3A_582 : i32
        %parallel_loop3A_584 = arith.index_cast %parallel_loop3A_583 : i32 to index
        %parallel_loop3A_585 = tpu.vector_load %arg7[%parallel_loop3A_584] {strides = array<i32>} : memref<83968xf32, #tpu.memory_space<vmem>>, vector<16xf32>,
        tpu.vector_store %arg7[%parallel_loop3A_584], %parallel_loop3A_581 {add = true, strides = array<i32>} : memref<83968xf32, #tpu.memory_space<vmem>>, vector<16xf32>,
        %parallel_loop3A_586 = arith.constant 256 : i32
        %parallel_loop3A_587 = arith.muli %parallel_loop3A_491, %parallel_loop3A_586 : i32
        %parallel_loop3A_588 = arith.constant 144 : i32
        %parallel_loop3A_589 = arith.addi %parallel_loop3A_587, %parallel_loop3A_588 : i32
        %parallel_loop3A_590 = arith.index_cast %parallel_loop3A_589 : i32 to index
        %parallel_loop3A_591 = tpu.vector_load %arg8[%parallel_loop3A_590] {strides = array<i32>} : memref<32768xf32, #tpu.memory_space<vmem>>, vector<16xf32>,
        %parallel_loop3A_592 = arith.constant 144 : i32
        %parallel_loop3A_593 = arith.addi %parallel_loop3A_495, %parallel_loop3A_592 : i32
        %parallel_loop3A_594 = arith.index_cast %parallel_loop3A_593 : i32 to index
        %parallel_loop3A_595 = tpu.vector_load %arg7[%parallel_loop3A_594] {strides = array<i32>} : memref<83968xf32, #tpu.memory_space<vmem>>, vector<16xf32>,
        tpu.vector_store %arg7[%parallel_loop3A_594], %parallel_loop3A_591 {add = true, strides = array<i32>} : memref<83968xf32, #tpu.memory_space<vmem>>, vector<16xf32>,
        %parallel_loop3A_596 = arith.constant 256 : i32
        %parallel_loop3A_597 = arith.muli %parallel_loop3A_491, %parallel_loop3A_596 : i32
        %parallel_loop3A_598 = arith.constant 160 : i32
        %parallel_loop3A_599 = arith.addi %parallel_loop3A_597, %parallel_loop3A_598 : i32
        %parallel_loop3A_600 = arith.index_cast %parallel_loop3A_599 : i32 to index
        %parallel_loop3A_601 = tpu.vector_load %arg8[%parallel_loop3A_600] {strides = array<i32>} : memref<32768xf32, #tpu.memory_space<vmem>>, vector<16xf32>,
        %parallel_loop3A_602 = arith.constant 160 : i32
        %parallel_loop3A_603 = arith.addi %parallel_loop3A_495, %parallel_loop3A_602 : i32
        %parallel_loop3A_604 = arith.index_cast %parallel_loop3A_603 : i32 to index
        %parallel_loop3A_605 = tpu.vector_load %arg7[%parallel_loop3A_604] {strides = array<i32>} : memref<83968xf32, #tpu.memory_space<vmem>>, vector<16xf32>,
        tpu.vector_store %arg7[%parallel_loop3A_604], %parallel_loop3A_601 {add = true, strides = array<i32>} : memref<83968xf32, #tpu.memory_space<vmem>>, vector<16xf32>,
        %parallel_loop3A_606 = arith.constant 256 : i32
        %parallel_loop3A_607 = arith.muli %parallel_loop3A_491, %parallel_loop3A_606 : i32
        %parallel_loop3A_608 = arith.constant 176 : i32
        %parallel_loop3A_609 = arith.addi %parallel_loop3A_607, %parallel_loop3A_608 : i32
        %parallel_loop3A_610 = arith.index_cast %parallel_loop3A_609 : i32 to index
        %parallel_loop3A_611 = tpu.vector_load %arg8[%parallel_loop3A_610] {strides = array<i32>} : memref<32768xf32, #tpu.memory_space<vmem>>, vector<16xf32>,
        %parallel_loop3A_612 = arith.constant 176 : i32
        %parallel_loop3A_613 = arith.addi %parallel_loop3A_495, %parallel_loop3A_612 : i32
        %parallel_loop3A_614 = arith.index_cast %parallel_loop3A_613 : i32 to index
        %parallel_loop3A_615 = tpu.vector_load %arg7[%parallel_loop3A_614] {strides = array<i32>} : memref<83968xf32, #tpu.memory_space<vmem>>, vector<16xf32>,
        tpu.vector_store %arg7[%parallel_loop3A_614], %parallel_loop3A_611 {add = true, strides = array<i32>} : memref<83968xf32, #tpu.memory_space<vmem>>, vector<16xf32>,
        %parallel_loop3A_616 = arith.constant 256 : i32
        %parallel_loop3A_617 = arith.muli %parallel_loop3A_491, %parallel_loop3A_616 : i32
        %parallel_loop3A_618 = arith.constant 192 : i32
        %parallel_loop3A_619 = arith.addi %parallel_loop3A_617, %parallel_loop3A_618 : i32
        %parallel_loop3A_620 = arith.index_cast %parallel_loop3A_619 : i32 to index
        %parallel_loop3A_621 = tpu.vector_load %arg8[%parallel_loop3A_620] {strides = array<i32>} : memref<32768xf32, #tpu.memory_space<vmem>>, vector<16xf32>,
        %parallel_loop3A_622 = arith.constant 192 : i32
        %parallel_loop3A_623 = arith.addi %parallel_loop3A_495, %parallel_loop3A_622 : i32
        %parallel_loop3A_624 = arith.index_cast %parallel_loop3A_623 : i32 to index
        %parallel_loop3A_625 = tpu.vector_load %arg7[%parallel_loop3A_624] {strides = array<i32>} : memref<83968xf32, #tpu.memory_space<vmem>>, vector<16xf32>,
        tpu.vector_store %arg7[%parallel_loop3A_624], %parallel_loop3A_621 {add = true, strides = array<i32>} : memref<83968xf32, #tpu.memory_space<vmem>>, vector<16xf32>,
        %parallel_loop3A_626 = arith.constant 256 : i32
        %parallel_loop3A_627 = arith.muli %parallel_loop3A_491, %parallel_loop3A_626 : i32
        %parallel_loop3A_628 = arith.constant 208 : i32
        %parallel_loop3A_629 = arith.addi %parallel_loop3A_627, %parallel_loop3A_628 : i32
        %parallel_loop3A_630 = arith.index_cast %parallel_loop3A_629 : i32 to index
        %parallel_loop3A_631 = tpu.vector_load %arg8[%parallel_loop3A_630] {strides = array<i32>} : memref<32768xf32, #tpu.memory_space<vmem>>, vector<16xf32>,
        %parallel_loop3A_632 = arith.constant 208 : i32
        %parallel_loop3A_633 = arith.addi %parallel_loop3A_495, %parallel_loop3A_632 : i32
        %parallel_loop3A_634 = arith.index_cast %parallel_loop3A_633 : i32 to index
        %parallel_loop3A_635 = tpu.vector_load %arg7[%parallel_loop3A_634] {strides = array<i32>} : memref<83968xf32, #tpu.memory_space<vmem>>, vector<16xf32>,
        tpu.vector_store %arg7[%parallel_loop3A_634], %parallel_loop3A_631 {add = true, strides = array<i32>} : memref<83968xf32, #tpu.memory_space<vmem>>, vector<16xf32>,
        %parallel_loop3A_636 = arith.constant 256 : i32
        %parallel_loop3A_637 = arith.muli %parallel_loop3A_491, %parallel_loop3A_636 : i32
        %parallel_loop3A_638 = arith.constant 224 : i32
        %parallel_loop3A_639 = arith.addi %parallel_loop3A_637, %parallel_loop3A_638 : i32
        %parallel_loop3A_640 = arith.index_cast %parallel_loop3A_639 : i32 to index
        %parallel_loop3A_641 = tpu.vector_load %arg8[%parallel_loop3A_640] {strides = array<i32>} : memref<32768xf32, #tpu.memory_space<vmem>>, vector<16xf32>,
        %parallel_loop3A_642 = arith.constant 224 : i32
        %parallel_loop3A_643 = arith.addi %parallel_loop3A_495, %parallel_loop3A_642 : i32
        %parallel_loop3A_644 = arith.index_cast %parallel_loop3A_643 : i32 to index
        %parallel_loop3A_645 = tpu.vector_load %arg7[%parallel_loop3A_644] {strides = array<i32>} : memref<83968xf32, #tpu.memory_space<vmem>>, vector<16xf32>,
        tpu.vector_store %arg7[%parallel_loop3A_644], %parallel_loop3A_641 {add = true, strides = array<i32>} : memref<83968xf32, #tpu.memory_space<vmem>>, vector<16xf32>,
        %parallel_loop3A_646 = arith.constant 256 : i32
        %parallel_loop3A_647 = arith.muli %parallel_loop3A_491, %parallel_loop3A_646 : i32
        %parallel_loop3A_648 = arith.constant 240 : i32
        %parallel_loop3A_649 = arith.addi %parallel_loop3A_647, %parallel_loop3A_648 : i32
        %parallel_loop3A_650 = arith.index_cast %parallel_loop3A_649 : i32 to index
        %parallel_loop3A_651 = tpu.vector_load %arg8[%parallel_loop3A_650] {strides = array<i32>} : memref<32768xf32, #tpu.memory_space<vmem>>, vector<16xf32>,
        %parallel_loop3A_652 = arith.constant 240 : i32
        %parallel_loop3A_653 = arith.addi %parallel_loop3A_495, %parallel_loop3A_652 : i32
        %parallel_loop3A_654 = arith.index_cast %parallel_loop3A_653 : i32 to index
        %parallel_loop3A_655 = tpu.vector_load %arg7[%parallel_loop3A_654] {strides = array<i32>} : memref<83968xf32, #tpu.memory_space<vmem>>, vector<16xf32>,
        tpu.vector_store %arg7[%parallel_loop3A_654], %parallel_loop3A_651 {add = true, strides = array<i32>} : memref<83968xf32, #tpu.memory_space<vmem>>, vector<16xf32>,
      } {sc.loop_unroll_factor = 4 : i64, sc.parallel_access}
      %add3A_487 = arith.constant 8 : i32
      %add3A_488 = arith.addi %min3A_98, %add3A_487 : i32
      %mul3A_489 = arith.constant 16 : i32
      %mul3A_490 = arith.muli %add3A_488, %mul3A_489 : i32
      scf.yield %mul3A_490 : i32
    }
    %mul3A_91 = arith.constant 256 : i32
    %mul3A_92 = arith.muli %mul3A_2, %mul3A_91 : i32
    "tpu.region"() ({
      %run_scoped3A = tpu.sem_alloc : memref<!tpu.dma_semaphore, #tpu.memory_space<semaphore_mem>>
      %dma_start3A = arith.constant 0 : i32
      %dma_start3A_93 = tpu.memref_slice %arg7[%dma_start3A] : memref<83968xf32, #tpu.memory_space<vmem>> -> memref<81920xf32, #tpu.memory_space<vmem>>
      %dma_start3A_94 = tpu.memref_slice %arg6[%mul3A_92] : memref<2621440xf32, #tpu.memory_space<hbm>> -> memref<81920xf32, #tpu.memory_space<hbm>>
      %dma_start3A_95 = tpu.memref_slice %arg6[%mul3A_92] : memref<2621440xf32, #tpu.memory_space<hbm>> -> memref<81920xf32, #tpu.memory_space<hbm>>
      %dma_start3A_96 = arith.constant 0 : i32
      %dma_start3A_97 = tpu.memref_slice %arg7[%dma_start3A_96] : memref<83968xf32, #tpu.memory_space<vmem>> -> memref<81920xf32, #tpu.memory_space<vmem>>
      tpu.enqueue_dma source(%dma_start3A_97 : memref<81920xf32, #tpu.memory_space<vmem>>) target(%dma_start3A_95 : memref<81920xf32, #tpu.memory_space<hbm>>) target_semaphore(%run_scoped3A : memref<!tpu.dma_semaphore, #tpu.memory_space<semaphore_mem>>)
      %dma_wait3A = arith.constant 0 : i32
      %dma_wait3A_98 = tpu.memref_slice %arg7[%dma_wait3A] : memref<83968xf32, #tpu.memory_space<vmem>> -> memref<81920xf32, #tpu.memory_space<vmem>>
      %dma_wait3A_99 = tpu.memref_slice %arg6[%mul3A_92] : memref<2621440xf32, #tpu.memory_space<hbm>> -> memref<81920xf32, #tpu.memory_space<hbm>>
      %dma_wait3A_100 = tpu.memref_slice %arg6[%mul3A_92] : memref<2621440xf32, #tpu.memory_space<hbm>> -> memref<81920xf32, #tpu.memory_space<hbm>>
      %dma_wait3A_101 = arith.constant 0 : i32
      %dma_wait3A_102 = tpu.memref_slice %arg7[%dma_wait3A_101] : memref<83968xf32, #tpu.memory_space<vmem>> -> memref<81920xf32, #tpu.memory_space<vmem>>
      tpu.wait_dma2 semaphore(%run_scoped3A : memref<!tpu.dma_semaphore, #tpu.memory_space<semaphore_mem>>) src(%dma_wait3A_102 : memref<81920xf32, #tpu.memory_space<vmem>>) dst(%dma_wait3A_100 : memref<81920xf32, #tpu.memory_space<hbm>>)
      tpu.yield
    }) : () -> ()
    return
  }
}

module attributes {stable_mosaic.version = 14 : i64} {
  func.func @_mlp_body(%arg0: i32, %arg1: memref<1250x128xi32, #tpu.memory_space<vmem>>, %arg2: memref<2000x256xf32, #tpu.memory_space<vmem>>, %arg3: memref<256x256xf32, #tpu.memory_space<vmem>>, %arg4: memref<1x256xf32, #tpu.memory_space<vmem>>, %arg5: memref<256x256xf32, #tpu.memory_space<vmem>>, %arg6: memref<1x256xf32, #tpu.memory_space<vmem>>, %arg7: memref<2000x256xf32, #tpu.memory_space<vmem>>, %arg8: memref<48xi32, #tpu.memory_space<smem>>) attributes {dimension_semantics = [#tpu.dimension_semantics<arbitrary>], iteration_bounds = array<i64: 80>, scalar_prefetch = 0 : i64, scratch_operands = 0 : i64, tpu.core_type = #tpu.core_type<tc>, window_params = [{pipeline_mode = #tpu.pipeline_mode<synchronous>, transform_indices = @transform_0, window_bounds = array<i64: 1250, 128>}, {transform_indices = @transform_1, window_bounds = array<i64: 2000, 256>}, {pipeline_mode = #tpu.pipeline_mode<synchronous>, transform_indices = @transform_2, window_bounds = array<i64: 256, 256>}, {pipeline_mode = #tpu.pipeline_mode<synchronous>, transform_indices = @transform_3, window_bounds = array<i64: 1, 256>}, {pipeline_mode = #tpu.pipeline_mode<synchronous>, transform_indices = @transform_4, window_bounds = array<i64: 256, 256>}, {pipeline_mode = #tpu.pipeline_mode<synchronous>, transform_indices = @transform_5, window_bounds = array<i64: 1, 256>}, {transform_indices = @transform_6, window_bounds = array<i64: 2000, 256>}, {transform_indices = @transform_7, window_bounds = array<i64: 48>}]} {
    %get3A = arith.constant 0 : index
    %get3A_0 = arith.constant 0 : index
    %get3A_1 = vector.load %arg2[%get3A, %get3A_0] : memref<2000x256xf32, #tpu.memory_space<vmem>>, vector<2000x256xf32>
    %get3A_2 = arith.constant 0 : index
    %get3A_3 = arith.constant 0 : index
    %get3A_4 = vector.load %arg3[%get3A_2, %get3A_3] : memref<256x256xf32, #tpu.memory_space<vmem>>, vector<256x256xf32>
    %dot_general3A = arith.constant dense<0.000000e+00> : vector<2000x256xf32>
    %dot_general3A_5 = tpu.matmul %get3A_1, %get3A_4, %dot_general3A {dimension_numbers = #tpu.dot_dimension_numbers<[1], [0], [0], [1], [0, 0, 1, 1], [], []>, transpose_lhs_hint = false} : vector<2000x256xf32>, vector<256x256xf32>, vector<2000x256xf32> -> vector<2000x256xf32>
    %get3A_6 = arith.constant 0 : index
    %get3A_7 = arith.constant 0 : index
    %get3A_8 = vector.load %arg4[%get3A_6, %get3A_7] : memref<1x256xf32, #tpu.memory_space<vmem>>, vector<1x256xf32>
    %add3A = vector.broadcast %get3A_8 : vector<1x256xf32> to vector<2000x256xf32>
    %add3A_9 = arith.addf %dot_general3A_5, %add3A : vector<2000x256xf32>
    %custom_jvp_call3A = arith.constant 0.000000e+00 : f32
    %max3A = vector.broadcast %custom_jvp_call3A : f32 to vector<2000x256xf32>
    %max3A_10 = arith.maximumf %add3A_9, %max3A : vector<2000x256xf32>
    %sub3A = vector.broadcast %custom_jvp_call3A : f32 to vector<2000x256xf32>
    %sub3A_11 = arith.subf %add3A_9, %sub3A : vector<2000x256xf32>
    %ne3A = arith.cmpf one, %sub3A_11, %sub3A_11 : vector<2000x256xf32>
    %add3A_12 = vector.broadcast %custom_jvp_call3A : f32 to vector<2000x256xf32>
    %add3A_13 = arith.addf %add3A_9, %add3A_12 : vector<2000x256xf32>
    %abs3A = math.absf %sub3A_11 : vector<2000x256xf32>
    %neg3A = arith.constant 0.000000e+00 : f32
    %neg3A_14 = vector.broadcast %neg3A : f32 to vector<2000x256xf32>
    %neg3A_15 = arith.subf %neg3A_14, %abs3A : vector<2000x256xf32>
    %exp3A = math.exp %neg3A_15 : vector<2000x256xf32>
    %log1p3A = math.log1p %exp3A : vector<2000x256xf32>
    %add3A_16 = arith.addf %max3A_10, %log1p3A : vector<2000x256xf32>
    %select_n3A = arith.select %ne3A, %add3A_13, %add3A_16 : vector<2000x256xi1>, vector<2000x256xf32>
    %sub3A_17 = arith.constant 0.693147182 : f32
    %sub3A_18 = vector.broadcast %sub3A_17 : f32 to vector<2000x256xf32>
    %sub3A_19 = arith.subf %select_n3A, %sub3A_18 : vector<2000x256xf32>
    %get3A_20 = arith.constant 0 : index
    %get3A_21 = arith.constant 0 : index
    %get3A_22 = vector.load %arg5[%get3A_20, %get3A_21] : memref<256x256xf32, #tpu.memory_space<vmem>>, vector<256x256xf32>
    %dot_general3A_23 = arith.constant dense<0.000000e+00> : vector<2000x256xf32>
    %dot_general3A_24 = tpu.matmul %sub3A_19, %get3A_22, %dot_general3A_23 {dimension_numbers = #tpu.dot_dimension_numbers<[1], [0], [0], [1], [0, 0, 1, 1], [], []>, transpose_lhs_hint = false} : vector<2000x256xf32>, vector<256x256xf32>, vector<2000x256xf32> -> vector<2000x256xf32>
    %get3A_25 = arith.constant 0 : index
    %get3A_26 = arith.constant 0 : index
    %get3A_27 = vector.load %arg6[%get3A_25, %get3A_26] : memref<1x256xf32, #tpu.memory_space<vmem>>, vector<1x256xf32>
    %add3A_28 = vector.broadcast %get3A_27 : vector<1x256xf32> to vector<2000x256xf32>
    %add3A_29 = arith.addf %dot_general3A_24, %add3A_28 : vector<2000x256xf32>
    %custom_jvp_call3A_30 = arith.constant 0.000000e+00 : f32
    %max3A_31 = vector.broadcast %custom_jvp_call3A_30 : f32 to vector<2000x256xf32>
    %max3A_32 = arith.maximumf %add3A_29, %max3A_31 : vector<2000x256xf32>
    %sub3A_33 = vector.broadcast %custom_jvp_call3A_30 : f32 to vector<2000x256xf32>
    %sub3A_34 = arith.subf %add3A_29, %sub3A_33 : vector<2000x256xf32>
    %ne3A_35 = arith.cmpf one, %sub3A_34, %sub3A_34 : vector<2000x256xf32>
    %add3A_36 = vector.broadcast %custom_jvp_call3A_30 : f32 to vector<2000x256xf32>
    %add3A_37 = arith.addf %add3A_29, %add3A_36 : vector<2000x256xf32>
    %abs3A_38 = math.absf %sub3A_34 : vector<2000x256xf32>
    %neg3A_39 = arith.constant 0.000000e+00 : f32
    %neg3A_40 = vector.broadcast %neg3A_39 : f32 to vector<2000x256xf32>
    %neg3A_41 = arith.subf %neg3A_40, %abs3A_38 : vector<2000x256xf32>
    %exp3A_42 = math.exp %neg3A_41 : vector<2000x256xf32>
    %log1p3A_43 = math.log1p %exp3A_42 : vector<2000x256xf32>
    %add3A_44 = arith.addf %max3A_32, %log1p3A_43 : vector<2000x256xf32>
    %select_n3A_45 = arith.select %ne3A_35, %add3A_37, %add3A_44 : vector<2000x256xi1>, vector<2000x256xf32>
    %sub3A_46 = arith.constant 0.693147182 : f32
    %sub3A_47 = vector.broadcast %sub3A_46 : f32 to vector<2000x256xf32>
    %sub3A_48 = arith.subf %select_n3A_45, %sub3A_47 : vector<2000x256xf32>
    %swap3A = arith.constant 0 : index
    %swap3A_49 = arith.constant 0 : index
    %swap3A_50 = vector.load %arg7[%swap3A, %swap3A_49] : memref<2000x256xf32, #tpu.memory_space<vmem>>, vector<2000x256xf32>
    tpu.vector_store %arg7[%swap3A, %swap3A_49], %sub3A_48 {strides = array<i32>} : memref<2000x256xf32, #tpu.memory_space<vmem>>, vector<2000x256xf32>,
    %eq3A = arith.constant 0 : i32
    %eq3A_51 = arith.cmpi eq, %arg0, %eq3A : i32
    %convert_element_type3A = arith.extui %eq3A_51 : i1 to i32
    %cond3A = arith.constant 0 : i32
    %cond3A_52 = arith.cmpi ne, %convert_element_type3A, %cond3A : i32
    scf.if %cond3A_52 {
      %get3A_53 = arith.constant 0 : index
      %get3A_54 = arith.constant 0 : index
      %get3A_55 = vector.load %arg1[%get3A_53, %get3A_54] : memref<1250x128xi32, #tpu.memory_space<vmem>>, vector<1250x128xi32>
      %lt3A = arith.constant 0 : i32
      %lt3A_56 = vector.broadcast %lt3A : i32 to vector<1250x128xi32>
      %lt3A_57 = arith.cmpi slt, %get3A_55, %lt3A_56 : vector<1250x128xi32>
      %convert_element_type3A_58 = arith.extui %lt3A_57 : vector<1250x128xi1> to vector<1250x128xi32>
      %reduce_sum3A = vector.shape_cast %convert_element_type3A_58 : vector<1250x128xi32> to vector<1x1250x128xi32>
      %reduce_sum3A_59 = arith.constant dense<0> : vector<1xi32>
      %reduce_sum3A_60 = vector.multi_reduction <add>, %reduce_sum3A, %reduce_sum3A_59 [1, 2] : vector<1x1250x128xi32> to vector<1xi32>
      %reduce_sum3A_61 = vector.shape_cast %reduce_sum3A_60 : vector<1xi32> to vector<1x1x1xi32>
      %reduce_sum3A_62 = vector.extract %reduce_sum3A_61[0, 0, 0] : i32 from vector<1x1x1xi32>
      %swap3A_63 = arith.constant 0 : index
      %swap3A_64 = memref.load %arg8[%swap3A_63] : memref<48xi32, #tpu.memory_space<smem>>
      memref.store %reduce_sum3A_62, %arg8[%swap3A_63] : memref<48xi32, #tpu.memory_space<smem>>
      %lt3A_65 = arith.constant 320 : i32
      %lt3A_66 = vector.broadcast %lt3A_65 : i32 to vector<1250x128xi32>
      %lt3A_67 = arith.cmpi slt, %get3A_55, %lt3A_66 : vector<1250x128xi32>
      %convert_element_type3A_68 = arith.extui %lt3A_67 : vector<1250x128xi1> to vector<1250x128xi32>
      %reduce_sum3A_69 = vector.shape_cast %convert_element_type3A_68 : vector<1250x128xi32> to vector<1x1250x128xi32>
      %reduce_sum3A_70 = arith.constant dense<0> : vector<1xi32>
      %reduce_sum3A_71 = vector.multi_reduction <add>, %reduce_sum3A_69, %reduce_sum3A_70 [1, 2] : vector<1x1250x128xi32> to vector<1xi32>
      %reduce_sum3A_72 = vector.shape_cast %reduce_sum3A_71 : vector<1xi32> to vector<1x1x1xi32>
      %reduce_sum3A_73 = vector.extract %reduce_sum3A_72[0, 0, 0] : i32 from vector<1x1x1xi32>
      %swap3A_74 = arith.constant 1 : index
      %swap3A_75 = memref.load %arg8[%swap3A_74] : memref<48xi32, #tpu.memory_space<smem>>
      memref.store %reduce_sum3A_73, %arg8[%swap3A_74] : memref<48xi32, #tpu.memory_space<smem>>
      %lt3A_76 = arith.constant 640 : i32
      %lt3A_77 = vector.broadcast %lt3A_76 : i32 to vector<1250x128xi32>
      %lt3A_78 = arith.cmpi slt, %get3A_55, %lt3A_77 : vector<1250x128xi32>
      %convert_element_type3A_79 = arith.extui %lt3A_78 : vector<1250x128xi1> to vector<1250x128xi32>
      %reduce_sum3A_80 = vector.shape_cast %convert_element_type3A_79 : vector<1250x128xi32> to vector<1x1250x128xi32>
      %reduce_sum3A_81 = arith.constant dense<0> : vector<1xi32>
      %reduce_sum3A_82 = vector.multi_reduction <add>, %reduce_sum3A_80, %reduce_sum3A_81 [1, 2] : vector<1x1250x128xi32> to vector<1xi32>
      %reduce_sum3A_83 = vector.shape_cast %reduce_sum3A_82 : vector<1xi32> to vector<1x1x1xi32>
      %reduce_sum3A_84 = vector.extract %reduce_sum3A_83[0, 0, 0] : i32 from vector<1x1x1xi32>
      %swap3A_85 = arith.constant 2 : index
      %swap3A_86 = memref.load %arg8[%swap3A_85] : memref<48xi32, #tpu.memory_space<smem>>
      memref.store %reduce_sum3A_84, %arg8[%swap3A_85] : memref<48xi32, #tpu.memory_space<smem>>
      %lt3A_87 = arith.constant 960 : i32
      %lt3A_88 = vector.broadcast %lt3A_87 : i32 to vector<1250x128xi32>
      %lt3A_89 = arith.cmpi slt, %get3A_55, %lt3A_88 : vector<1250x128xi32>
      %convert_element_type3A_90 = arith.extui %lt3A_89 : vector<1250x128xi1> to vector<1250x128xi32>
      %reduce_sum3A_91 = vector.shape_cast %convert_element_type3A_90 : vector<1250x128xi32> to vector<1x1250x128xi32>
      %reduce_sum3A_92 = arith.constant dense<0> : vector<1xi32>
      %reduce_sum3A_93 = vector.multi_reduction <add>, %reduce_sum3A_91, %reduce_sum3A_92 [1, 2] : vector<1x1250x128xi32> to vector<1xi32>
      %reduce_sum3A_94 = vector.shape_cast %reduce_sum3A_93 : vector<1xi32> to vector<1x1x1xi32>
      %reduce_sum3A_95 = vector.extract %reduce_sum3A_94[0, 0, 0] : i32 from vector<1x1x1xi32>
      %swap3A_96 = arith.constant 3 : index
      %swap3A_97 = memref.load %arg8[%swap3A_96] : memref<48xi32, #tpu.memory_space<smem>>
      memref.store %reduce_sum3A_95, %arg8[%swap3A_96] : memref<48xi32, #tpu.memory_space<smem>>
      %lt3A_98 = arith.constant 1280 : i32
      %lt3A_99 = vector.broadcast %lt3A_98 : i32 to vector<1250x128xi32>
      %lt3A_100 = arith.cmpi slt, %get3A_55, %lt3A_99 : vector<1250x128xi32>
      %convert_element_type3A_101 = arith.extui %lt3A_100 : vector<1250x128xi1> to vector<1250x128xi32>
      %reduce_sum3A_102 = vector.shape_cast %convert_element_type3A_101 : vector<1250x128xi32> to vector<1x1250x128xi32>
      %reduce_sum3A_103 = arith.constant dense<0> : vector<1xi32>
      %reduce_sum3A_104 = vector.multi_reduction <add>, %reduce_sum3A_102, %reduce_sum3A_103 [1, 2] : vector<1x1250x128xi32> to vector<1xi32>
      %reduce_sum3A_105 = vector.shape_cast %reduce_sum3A_104 : vector<1xi32> to vector<1x1x1xi32>
      %reduce_sum3A_106 = vector.extract %reduce_sum3A_105[0, 0, 0] : i32 from vector<1x1x1xi32>
      %swap3A_107 = arith.constant 4 : index
      %swap3A_108 = memref.load %arg8[%swap3A_107] : memref<48xi32, #tpu.memory_space<smem>>
      memref.store %reduce_sum3A_106, %arg8[%swap3A_107] : memref<48xi32, #tpu.memory_space<smem>>
      %lt3A_109 = arith.constant 1600 : i32
      %lt3A_110 = vector.broadcast %lt3A_109 : i32 to vector<1250x128xi32>
      %lt3A_111 = arith.cmpi slt, %get3A_55, %lt3A_110 : vector<1250x128xi32>
      %convert_element_type3A_112 = arith.extui %lt3A_111 : vector<1250x128xi1> to vector<1250x128xi32>
      %reduce_sum3A_113 = vector.shape_cast %convert_element_type3A_112 : vector<1250x128xi32> to vector<1x1250x128xi32>
      %reduce_sum3A_114 = arith.constant dense<0> : vector<1xi32>
      %reduce_sum3A_115 = vector.multi_reduction <add>, %reduce_sum3A_113, %reduce_sum3A_114 [1, 2] : vector<1x1250x128xi32> to vector<1xi32>
      %reduce_sum3A_116 = vector.shape_cast %reduce_sum3A_115 : vector<1xi32> to vector<1x1x1xi32>
      %reduce_sum3A_117 = vector.extract %reduce_sum3A_116[0, 0, 0] : i32 from vector<1x1x1xi32>
      %swap3A_118 = arith.constant 5 : index
      %swap3A_119 = memref.load %arg8[%swap3A_118] : memref<48xi32, #tpu.memory_space<smem>>
      memref.store %reduce_sum3A_117, %arg8[%swap3A_118] : memref<48xi32, #tpu.memory_space<smem>>
      %lt3A_120 = arith.constant 1920 : i32
      %lt3A_121 = vector.broadcast %lt3A_120 : i32 to vector<1250x128xi32>
      %lt3A_122 = arith.cmpi slt, %get3A_55, %lt3A_121 : vector<1250x128xi32>
      %convert_element_type3A_123 = arith.extui %lt3A_122 : vector<1250x128xi1> to vector<1250x128xi32>
      %reduce_sum3A_124 = vector.shape_cast %convert_element_type3A_123 : vector<1250x128xi32> to vector<1x1250x128xi32>
      %reduce_sum3A_125 = arith.constant dense<0> : vector<1xi32>
      %reduce_sum3A_126 = vector.multi_reduction <add>, %reduce_sum3A_124, %reduce_sum3A_125 [1, 2] : vector<1x1250x128xi32> to vector<1xi32>
      %reduce_sum3A_127 = vector.shape_cast %reduce_sum3A_126 : vector<1xi32> to vector<1x1x1xi32>
      %reduce_sum3A_128 = vector.extract %reduce_sum3A_127[0, 0, 0] : i32 from vector<1x1x1xi32>
      %swap3A_129 = arith.constant 6 : index
      %swap3A_130 = memref.load %arg8[%swap3A_129] : memref<48xi32, #tpu.memory_space<smem>>
      memref.store %reduce_sum3A_128, %arg8[%swap3A_129] : memref<48xi32, #tpu.memory_space<smem>>
      %lt3A_131 = arith.constant 2240 : i32
      %lt3A_132 = vector.broadcast %lt3A_131 : i32 to vector<1250x128xi32>
      %lt3A_133 = arith.cmpi slt, %get3A_55, %lt3A_132 : vector<1250x128xi32>
      %convert_element_type3A_134 = arith.extui %lt3A_133 : vector<1250x128xi1> to vector<1250x128xi32>
      %reduce_sum3A_135 = vector.shape_cast %convert_element_type3A_134 : vector<1250x128xi32> to vector<1x1250x128xi32>
      %reduce_sum3A_136 = arith.constant dense<0> : vector<1xi32>
      %reduce_sum3A_137 = vector.multi_reduction <add>, %reduce_sum3A_135, %reduce_sum3A_136 [1, 2] : vector<1x1250x128xi32> to vector<1xi32>
      %reduce_sum3A_138 = vector.shape_cast %reduce_sum3A_137 : vector<1xi32> to vector<1x1x1xi32>
      %reduce_sum3A_139 = vector.extract %reduce_sum3A_138[0, 0, 0] : i32 from vector<1x1x1xi32>
      %swap3A_140 = arith.constant 7 : index
      %swap3A_141 = memref.load %arg8[%swap3A_140] : memref<48xi32, #tpu.memory_space<smem>>
      memref.store %reduce_sum3A_139, %arg8[%swap3A_140] : memref<48xi32, #tpu.memory_space<smem>>
      %lt3A_142 = arith.constant 2560 : i32
      %lt3A_143 = vector.broadcast %lt3A_142 : i32 to vector<1250x128xi32>
      %lt3A_144 = arith.cmpi slt, %get3A_55, %lt3A_143 : vector<1250x128xi32>
      %convert_element_type3A_145 = arith.extui %lt3A_144 : vector<1250x128xi1> to vector<1250x128xi32>
      %reduce_sum3A_146 = vector.shape_cast %convert_element_type3A_145 : vector<1250x128xi32> to vector<1x1250x128xi32>
      %reduce_sum3A_147 = arith.constant dense<0> : vector<1xi32>
      %reduce_sum3A_148 = vector.multi_reduction <add>, %reduce_sum3A_146, %reduce_sum3A_147 [1, 2] : vector<1x1250x128xi32> to vector<1xi32>
      %reduce_sum3A_149 = vector.shape_cast %reduce_sum3A_148 : vector<1xi32> to vector<1x1x1xi32>
      %reduce_sum3A_150 = vector.extract %reduce_sum3A_149[0, 0, 0] : i32 from vector<1x1x1xi32>
      %swap3A_151 = arith.constant 8 : index
      %swap3A_152 = memref.load %arg8[%swap3A_151] : memref<48xi32, #tpu.memory_space<smem>>
      memref.store %reduce_sum3A_150, %arg8[%swap3A_151] : memref<48xi32, #tpu.memory_space<smem>>
      %lt3A_153 = arith.constant 2880 : i32
      %lt3A_154 = vector.broadcast %lt3A_153 : i32 to vector<1250x128xi32>
      %lt3A_155 = arith.cmpi slt, %get3A_55, %lt3A_154 : vector<1250x128xi32>
      %convert_element_type3A_156 = arith.extui %lt3A_155 : vector<1250x128xi1> to vector<1250x128xi32>
      %reduce_sum3A_157 = vector.shape_cast %convert_element_type3A_156 : vector<1250x128xi32> to vector<1x1250x128xi32>
      %reduce_sum3A_158 = arith.constant dense<0> : vector<1xi32>
      %reduce_sum3A_159 = vector.multi_reduction <add>, %reduce_sum3A_157, %reduce_sum3A_158 [1, 2] : vector<1x1250x128xi32> to vector<1xi32>
      %reduce_sum3A_160 = vector.shape_cast %reduce_sum3A_159 : vector<1xi32> to vector<1x1x1xi32>
      %reduce_sum3A_161 = vector.extract %reduce_sum3A_160[0, 0, 0] : i32 from vector<1x1x1xi32>
      %swap3A_162 = arith.constant 9 : index
      %swap3A_163 = memref.load %arg8[%swap3A_162] : memref<48xi32, #tpu.memory_space<smem>>
      memref.store %reduce_sum3A_161, %arg8[%swap3A_162] : memref<48xi32, #tpu.memory_space<smem>>
      %lt3A_164 = arith.constant 3200 : i32
      %lt3A_165 = vector.broadcast %lt3A_164 : i32 to vector<1250x128xi32>
      %lt3A_166 = arith.cmpi slt, %get3A_55, %lt3A_165 : vector<1250x128xi32>
      %convert_element_type3A_167 = arith.extui %lt3A_166 : vector<1250x128xi1> to vector<1250x128xi32>
      %reduce_sum3A_168 = vector.shape_cast %convert_element_type3A_167 : vector<1250x128xi32> to vector<1x1250x128xi32>
      %reduce_sum3A_169 = arith.constant dense<0> : vector<1xi32>
      %reduce_sum3A_170 = vector.multi_reduction <add>, %reduce_sum3A_168, %reduce_sum3A_169 [1, 2] : vector<1x1250x128xi32> to vector<1xi32>
      %reduce_sum3A_171 = vector.shape_cast %reduce_sum3A_170 : vector<1xi32> to vector<1x1x1xi32>
      %reduce_sum3A_172 = vector.extract %reduce_sum3A_171[0, 0, 0] : i32 from vector<1x1x1xi32>
      %swap3A_173 = arith.constant 10 : index
      %swap3A_174 = memref.load %arg8[%swap3A_173] : memref<48xi32, #tpu.memory_space<smem>>
      memref.store %reduce_sum3A_172, %arg8[%swap3A_173] : memref<48xi32, #tpu.memory_space<smem>>
      %lt3A_175 = arith.constant 3520 : i32
      %lt3A_176 = vector.broadcast %lt3A_175 : i32 to vector<1250x128xi32>
      %lt3A_177 = arith.cmpi slt, %get3A_55, %lt3A_176 : vector<1250x128xi32>
      %convert_element_type3A_178 = arith.extui %lt3A_177 : vector<1250x128xi1> to vector<1250x128xi32>
      %reduce_sum3A_179 = vector.shape_cast %convert_element_type3A_178 : vector<1250x128xi32> to vector<1x1250x128xi32>
      %reduce_sum3A_180 = arith.constant dense<0> : vector<1xi32>
      %reduce_sum3A_181 = vector.multi_reduction <add>, %reduce_sum3A_179, %reduce_sum3A_180 [1, 2] : vector<1x1250x128xi32> to vector<1xi32>
      %reduce_sum3A_182 = vector.shape_cast %reduce_sum3A_181 : vector<1xi32> to vector<1x1x1xi32>
      %reduce_sum3A_183 = vector.extract %reduce_sum3A_182[0, 0, 0] : i32 from vector<1x1x1xi32>
      %swap3A_184 = arith.constant 11 : index
      %swap3A_185 = memref.load %arg8[%swap3A_184] : memref<48xi32, #tpu.memory_space<smem>>
      memref.store %reduce_sum3A_183, %arg8[%swap3A_184] : memref<48xi32, #tpu.memory_space<smem>>
      %lt3A_186 = arith.constant 3840 : i32
      %lt3A_187 = vector.broadcast %lt3A_186 : i32 to vector<1250x128xi32>
      %lt3A_188 = arith.cmpi slt, %get3A_55, %lt3A_187 : vector<1250x128xi32>
      %convert_element_type3A_189 = arith.extui %lt3A_188 : vector<1250x128xi1> to vector<1250x128xi32>
      %reduce_sum3A_190 = vector.shape_cast %convert_element_type3A_189 : vector<1250x128xi32> to vector<1x1250x128xi32>
      %reduce_sum3A_191 = arith.constant dense<0> : vector<1xi32>
      %reduce_sum3A_192 = vector.multi_reduction <add>, %reduce_sum3A_190, %reduce_sum3A_191 [1, 2] : vector<1x1250x128xi32> to vector<1xi32>
      %reduce_sum3A_193 = vector.shape_cast %reduce_sum3A_192 : vector<1xi32> to vector<1x1x1xi32>
      %reduce_sum3A_194 = vector.extract %reduce_sum3A_193[0, 0, 0] : i32 from vector<1x1x1xi32>
      %swap3A_195 = arith.constant 12 : index
      %swap3A_196 = memref.load %arg8[%swap3A_195] : memref<48xi32, #tpu.memory_space<smem>>
      memref.store %reduce_sum3A_194, %arg8[%swap3A_195] : memref<48xi32, #tpu.memory_space<smem>>
      %lt3A_197 = arith.constant 4160 : i32
      %lt3A_198 = vector.broadcast %lt3A_197 : i32 to vector<1250x128xi32>
      %lt3A_199 = arith.cmpi slt, %get3A_55, %lt3A_198 : vector<1250x128xi32>
      %convert_element_type3A_200 = arith.extui %lt3A_199 : vector<1250x128xi1> to vector<1250x128xi32>
      %reduce_sum3A_201 = vector.shape_cast %convert_element_type3A_200 : vector<1250x128xi32> to vector<1x1250x128xi32>
      %reduce_sum3A_202 = arith.constant dense<0> : vector<1xi32>
      %reduce_sum3A_203 = vector.multi_reduction <add>, %reduce_sum3A_201, %reduce_sum3A_202 [1, 2] : vector<1x1250x128xi32> to vector<1xi32>
      %reduce_sum3A_204 = vector.shape_cast %reduce_sum3A_203 : vector<1xi32> to vector<1x1x1xi32>
      %reduce_sum3A_205 = vector.extract %reduce_sum3A_204[0, 0, 0] : i32 from vector<1x1x1xi32>
      %swap3A_206 = arith.constant 13 : index
      %swap3A_207 = memref.load %arg8[%swap3A_206] : memref<48xi32, #tpu.memory_space<smem>>
      memref.store %reduce_sum3A_205, %arg8[%swap3A_206] : memref<48xi32, #tpu.memory_space<smem>>
      %lt3A_208 = arith.constant 4480 : i32
      %lt3A_209 = vector.broadcast %lt3A_208 : i32 to vector<1250x128xi32>
      %lt3A_210 = arith.cmpi slt, %get3A_55, %lt3A_209 : vector<1250x128xi32>
      %convert_element_type3A_211 = arith.extui %lt3A_210 : vector<1250x128xi1> to vector<1250x128xi32>
      %reduce_sum3A_212 = vector.shape_cast %convert_element_type3A_211 : vector<1250x128xi32> to vector<1x1250x128xi32>
      %reduce_sum3A_213 = arith.constant dense<0> : vector<1xi32>
      %reduce_sum3A_214 = vector.multi_reduction <add>, %reduce_sum3A_212, %reduce_sum3A_213 [1, 2] : vector<1x1250x128xi32> to vector<1xi32>
      %reduce_sum3A_215 = vector.shape_cast %reduce_sum3A_214 : vector<1xi32> to vector<1x1x1xi32>
      %reduce_sum3A_216 = vector.extract %reduce_sum3A_215[0, 0, 0] : i32 from vector<1x1x1xi32>
      %swap3A_217 = arith.constant 14 : index
      %swap3A_218 = memref.load %arg8[%swap3A_217] : memref<48xi32, #tpu.memory_space<smem>>
      memref.store %reduce_sum3A_216, %arg8[%swap3A_217] : memref<48xi32, #tpu.memory_space<smem>>
      %lt3A_219 = arith.constant 4800 : i32
      %lt3A_220 = vector.broadcast %lt3A_219 : i32 to vector<1250x128xi32>
      %lt3A_221 = arith.cmpi slt, %get3A_55, %lt3A_220 : vector<1250x128xi32>
      %convert_element_type3A_222 = arith.extui %lt3A_221 : vector<1250x128xi1> to vector<1250x128xi32>
      %reduce_sum3A_223 = vector.shape_cast %convert_element_type3A_222 : vector<1250x128xi32> to vector<1x1250x128xi32>
      %reduce_sum3A_224 = arith.constant dense<0> : vector<1xi32>
      %reduce_sum3A_225 = vector.multi_reduction <add>, %reduce_sum3A_223, %reduce_sum3A_224 [1, 2] : vector<1x1250x128xi32> to vector<1xi32>
      %reduce_sum3A_226 = vector.shape_cast %reduce_sum3A_225 : vector<1xi32> to vector<1x1x1xi32>
      %reduce_sum3A_227 = vector.extract %reduce_sum3A_226[0, 0, 0] : i32 from vector<1x1x1xi32>
      %swap3A_228 = arith.constant 15 : index
      %swap3A_229 = memref.load %arg8[%swap3A_228] : memref<48xi32, #tpu.memory_space<smem>>
      memref.store %reduce_sum3A_227, %arg8[%swap3A_228] : memref<48xi32, #tpu.memory_space<smem>>
      %lt3A_230 = arith.constant 5120 : i32
      %lt3A_231 = vector.broadcast %lt3A_230 : i32 to vector<1250x128xi32>
      %lt3A_232 = arith.cmpi slt, %get3A_55, %lt3A_231 : vector<1250x128xi32>
      %convert_element_type3A_233 = arith.extui %lt3A_232 : vector<1250x128xi1> to vector<1250x128xi32>
      %reduce_sum3A_234 = vector.shape_cast %convert_element_type3A_233 : vector<1250x128xi32> to vector<1x1250x128xi32>
      %reduce_sum3A_235 = arith.constant dense<0> : vector<1xi32>
      %reduce_sum3A_236 = vector.multi_reduction <add>, %reduce_sum3A_234, %reduce_sum3A_235 [1, 2] : vector<1x1250x128xi32> to vector<1xi32>
      %reduce_sum3A_237 = vector.shape_cast %reduce_sum3A_236 : vector<1xi32> to vector<1x1x1xi32>
      %reduce_sum3A_238 = vector.extract %reduce_sum3A_237[0, 0, 0] : i32 from vector<1x1x1xi32>
      %swap3A_239 = arith.constant 16 : index
      %swap3A_240 = memref.load %arg8[%swap3A_239] : memref<48xi32, #tpu.memory_space<smem>>
      memref.store %reduce_sum3A_238, %arg8[%swap3A_239] : memref<48xi32, #tpu.memory_space<smem>>
      %lt3A_241 = arith.constant 5440 : i32
      %lt3A_242 = vector.broadcast %lt3A_241 : i32 to vector<1250x128xi32>
      %lt3A_243 = arith.cmpi slt, %get3A_55, %lt3A_242 : vector<1250x128xi32>
      %convert_element_type3A_244 = arith.extui %lt3A_243 : vector<1250x128xi1> to vector<1250x128xi32>
      %reduce_sum3A_245 = vector.shape_cast %convert_element_type3A_244 : vector<1250x128xi32> to vector<1x1250x128xi32>
      %reduce_sum3A_246 = arith.constant dense<0> : vector<1xi32>
      %reduce_sum3A_247 = vector.multi_reduction <add>, %reduce_sum3A_245, %reduce_sum3A_246 [1, 2] : vector<1x1250x128xi32> to vector<1xi32>
      %reduce_sum3A_248 = vector.shape_cast %reduce_sum3A_247 : vector<1xi32> to vector<1x1x1xi32>
      %reduce_sum3A_249 = vector.extract %reduce_sum3A_248[0, 0, 0] : i32 from vector<1x1x1xi32>
      %swap3A_250 = arith.constant 17 : index
      %swap3A_251 = memref.load %arg8[%swap3A_250] : memref<48xi32, #tpu.memory_space<smem>>
      memref.store %reduce_sum3A_249, %arg8[%swap3A_250] : memref<48xi32, #tpu.memory_space<smem>>
      %lt3A_252 = arith.constant 5760 : i32
      %lt3A_253 = vector.broadcast %lt3A_252 : i32 to vector<1250x128xi32>
      %lt3A_254 = arith.cmpi slt, %get3A_55, %lt3A_253 : vector<1250x128xi32>
      %convert_element_type3A_255 = arith.extui %lt3A_254 : vector<1250x128xi1> to vector<1250x128xi32>
      %reduce_sum3A_256 = vector.shape_cast %convert_element_type3A_255 : vector<1250x128xi32> to vector<1x1250x128xi32>
      %reduce_sum3A_257 = arith.constant dense<0> : vector<1xi32>
      %reduce_sum3A_258 = vector.multi_reduction <add>, %reduce_sum3A_256, %reduce_sum3A_257 [1, 2] : vector<1x1250x128xi32> to vector<1xi32>
      %reduce_sum3A_259 = vector.shape_cast %reduce_sum3A_258 : vector<1xi32> to vector<1x1x1xi32>
      %reduce_sum3A_260 = vector.extract %reduce_sum3A_259[0, 0, 0] : i32 from vector<1x1x1xi32>
      %swap3A_261 = arith.constant 18 : index
      %swap3A_262 = memref.load %arg8[%swap3A_261] : memref<48xi32, #tpu.memory_space<smem>>
      memref.store %reduce_sum3A_260, %arg8[%swap3A_261] : memref<48xi32, #tpu.memory_space<smem>>
      %lt3A_263 = arith.constant 6080 : i32
      %lt3A_264 = vector.broadcast %lt3A_263 : i32 to vector<1250x128xi32>
      %lt3A_265 = arith.cmpi slt, %get3A_55, %lt3A_264 : vector<1250x128xi32>
      %convert_element_type3A_266 = arith.extui %lt3A_265 : vector<1250x128xi1> to vector<1250x128xi32>
      %reduce_sum3A_267 = vector.shape_cast %convert_element_type3A_266 : vector<1250x128xi32> to vector<1x1250x128xi32>
      %reduce_sum3A_268 = arith.constant dense<0> : vector<1xi32>
      %reduce_sum3A_269 = vector.multi_reduction <add>, %reduce_sum3A_267, %reduce_sum3A_268 [1, 2] : vector<1x1250x128xi32> to vector<1xi32>
      %reduce_sum3A_270 = vector.shape_cast %reduce_sum3A_269 : vector<1xi32> to vector<1x1x1xi32>
      %reduce_sum3A_271 = vector.extract %reduce_sum3A_270[0, 0, 0] : i32 from vector<1x1x1xi32>
      %swap3A_272 = arith.constant 19 : index
      %swap3A_273 = memref.load %arg8[%swap3A_272] : memref<48xi32, #tpu.memory_space<smem>>
      memref.store %reduce_sum3A_271, %arg8[%swap3A_272] : memref<48xi32, #tpu.memory_space<smem>>
      %lt3A_274 = arith.constant 6400 : i32
      %lt3A_275 = vector.broadcast %lt3A_274 : i32 to vector<1250x128xi32>
      %lt3A_276 = arith.cmpi slt, %get3A_55, %lt3A_275 : vector<1250x128xi32>
      %convert_element_type3A_277 = arith.extui %lt3A_276 : vector<1250x128xi1> to vector<1250x128xi32>
      %reduce_sum3A_278 = vector.shape_cast %convert_element_type3A_277 : vector<1250x128xi32> to vector<1x1250x128xi32>
      %reduce_sum3A_279 = arith.constant dense<0> : vector<1xi32>
      %reduce_sum3A_280 = vector.multi_reduction <add>, %reduce_sum3A_278, %reduce_sum3A_279 [1, 2] : vector<1x1250x128xi32> to vector<1xi32>
      %reduce_sum3A_281 = vector.shape_cast %reduce_sum3A_280 : vector<1xi32> to vector<1x1x1xi32>
      %reduce_sum3A_282 = vector.extract %reduce_sum3A_281[0, 0, 0] : i32 from vector<1x1x1xi32>
      %swap3A_283 = arith.constant 20 : index
      %swap3A_284 = memref.load %arg8[%swap3A_283] : memref<48xi32, #tpu.memory_space<smem>>
      memref.store %reduce_sum3A_282, %arg8[%swap3A_283] : memref<48xi32, #tpu.memory_space<smem>>
      %lt3A_285 = arith.constant 6720 : i32
      %lt3A_286 = vector.broadcast %lt3A_285 : i32 to vector<1250x128xi32>
      %lt3A_287 = arith.cmpi slt, %get3A_55, %lt3A_286 : vector<1250x128xi32>
      %convert_element_type3A_288 = arith.extui %lt3A_287 : vector<1250x128xi1> to vector<1250x128xi32>
      %reduce_sum3A_289 = vector.shape_cast %convert_element_type3A_288 : vector<1250x128xi32> to vector<1x1250x128xi32>
      %reduce_sum3A_290 = arith.constant dense<0> : vector<1xi32>
      %reduce_sum3A_291 = vector.multi_reduction <add>, %reduce_sum3A_289, %reduce_sum3A_290 [1, 2] : vector<1x1250x128xi32> to vector<1xi32>
      %reduce_sum3A_292 = vector.shape_cast %reduce_sum3A_291 : vector<1xi32> to vector<1x1x1xi32>
      %reduce_sum3A_293 = vector.extract %reduce_sum3A_292[0, 0, 0] : i32 from vector<1x1x1xi32>
      %swap3A_294 = arith.constant 21 : index
      %swap3A_295 = memref.load %arg8[%swap3A_294] : memref<48xi32, #tpu.memory_space<smem>>
      memref.store %reduce_sum3A_293, %arg8[%swap3A_294] : memref<48xi32, #tpu.memory_space<smem>>
      %lt3A_296 = arith.constant 7040 : i32
      %lt3A_297 = vector.broadcast %lt3A_296 : i32 to vector<1250x128xi32>
      %lt3A_298 = arith.cmpi slt, %get3A_55, %lt3A_297 : vector<1250x128xi32>
      %convert_element_type3A_299 = arith.extui %lt3A_298 : vector<1250x128xi1> to vector<1250x128xi32>
      %reduce_sum3A_300 = vector.shape_cast %convert_element_type3A_299 : vector<1250x128xi32> to vector<1x1250x128xi32>
      %reduce_sum3A_301 = arith.constant dense<0> : vector<1xi32>
      %reduce_sum3A_302 = vector.multi_reduction <add>, %reduce_sum3A_300, %reduce_sum3A_301 [1, 2] : vector<1x1250x128xi32> to vector<1xi32>
      %reduce_sum3A_303 = vector.shape_cast %reduce_sum3A_302 : vector<1xi32> to vector<1x1x1xi32>
      %reduce_sum3A_304 = vector.extract %reduce_sum3A_303[0, 0, 0] : i32 from vector<1x1x1xi32>
      %swap3A_305 = arith.constant 22 : index
      %swap3A_306 = memref.load %arg8[%swap3A_305] : memref<48xi32, #tpu.memory_space<smem>>
      memref.store %reduce_sum3A_304, %arg8[%swap3A_305] : memref<48xi32, #tpu.memory_space<smem>>
      %lt3A_307 = arith.constant 7360 : i32
      %lt3A_308 = vector.broadcast %lt3A_307 : i32 to vector<1250x128xi32>
      %lt3A_309 = arith.cmpi slt, %get3A_55, %lt3A_308 : vector<1250x128xi32>
      %convert_element_type3A_310 = arith.extui %lt3A_309 : vector<1250x128xi1> to vector<1250x128xi32>
      %reduce_sum3A_311 = vector.shape_cast %convert_element_type3A_310 : vector<1250x128xi32> to vector<1x1250x128xi32>
      %reduce_sum3A_312 = arith.constant dense<0> : vector<1xi32>
      %reduce_sum3A_313 = vector.multi_reduction <add>, %reduce_sum3A_311, %reduce_sum3A_312 [1, 2] : vector<1x1250x128xi32> to vector<1xi32>
      %reduce_sum3A_314 = vector.shape_cast %reduce_sum3A_313 : vector<1xi32> to vector<1x1x1xi32>
      %reduce_sum3A_315 = vector.extract %reduce_sum3A_314[0, 0, 0] : i32 from vector<1x1x1xi32>
      %swap3A_316 = arith.constant 23 : index
      %swap3A_317 = memref.load %arg8[%swap3A_316] : memref<48xi32, #tpu.memory_space<smem>>
      memref.store %reduce_sum3A_315, %arg8[%swap3A_316] : memref<48xi32, #tpu.memory_space<smem>>
      %lt3A_318 = arith.constant 7680 : i32
      %lt3A_319 = vector.broadcast %lt3A_318 : i32 to vector<1250x128xi32>
      %lt3A_320 = arith.cmpi slt, %get3A_55, %lt3A_319 : vector<1250x128xi32>
      %convert_element_type3A_321 = arith.extui %lt3A_320 : vector<1250x128xi1> to vector<1250x128xi32>
      %reduce_sum3A_322 = vector.shape_cast %convert_element_type3A_321 : vector<1250x128xi32> to vector<1x1250x128xi32>
      %reduce_sum3A_323 = arith.constant dense<0> : vector<1xi32>
      %reduce_sum3A_324 = vector.multi_reduction <add>, %reduce_sum3A_322, %reduce_sum3A_323 [1, 2] : vector<1x1250x128xi32> to vector<1xi32>
      %reduce_sum3A_325 = vector.shape_cast %reduce_sum3A_324 : vector<1xi32> to vector<1x1x1xi32>
      %reduce_sum3A_326 = vector.extract %reduce_sum3A_325[0, 0, 0] : i32 from vector<1x1x1xi32>
      %swap3A_327 = arith.constant 24 : index
      %swap3A_328 = memref.load %arg8[%swap3A_327] : memref<48xi32, #tpu.memory_space<smem>>
      memref.store %reduce_sum3A_326, %arg8[%swap3A_327] : memref<48xi32, #tpu.memory_space<smem>>
      %lt3A_329 = arith.constant 8000 : i32
      %lt3A_330 = vector.broadcast %lt3A_329 : i32 to vector<1250x128xi32>
      %lt3A_331 = arith.cmpi slt, %get3A_55, %lt3A_330 : vector<1250x128xi32>
      %convert_element_type3A_332 = arith.extui %lt3A_331 : vector<1250x128xi1> to vector<1250x128xi32>
      %reduce_sum3A_333 = vector.shape_cast %convert_element_type3A_332 : vector<1250x128xi32> to vector<1x1250x128xi32>
      %reduce_sum3A_334 = arith.constant dense<0> : vector<1xi32>
      %reduce_sum3A_335 = vector.multi_reduction <add>, %reduce_sum3A_333, %reduce_sum3A_334 [1, 2] : vector<1x1250x128xi32> to vector<1xi32>
      %reduce_sum3A_336 = vector.shape_cast %reduce_sum3A_335 : vector<1xi32> to vector<1x1x1xi32>
      %reduce_sum3A_337 = vector.extract %reduce_sum3A_336[0, 0, 0] : i32 from vector<1x1x1xi32>
      %swap3A_338 = arith.constant 25 : index
      %swap3A_339 = memref.load %arg8[%swap3A_338] : memref<48xi32, #tpu.memory_space<smem>>
      memref.store %reduce_sum3A_337, %arg8[%swap3A_338] : memref<48xi32, #tpu.memory_space<smem>>
      %lt3A_340 = arith.constant 8320 : i32
      %lt3A_341 = vector.broadcast %lt3A_340 : i32 to vector<1250x128xi32>
      %lt3A_342 = arith.cmpi slt, %get3A_55, %lt3A_341 : vector<1250x128xi32>
      %convert_element_type3A_343 = arith.extui %lt3A_342 : vector<1250x128xi1> to vector<1250x128xi32>
      %reduce_sum3A_344 = vector.shape_cast %convert_element_type3A_343 : vector<1250x128xi32> to vector<1x1250x128xi32>
      %reduce_sum3A_345 = arith.constant dense<0> : vector<1xi32>
      %reduce_sum3A_346 = vector.multi_reduction <add>, %reduce_sum3A_344, %reduce_sum3A_345 [1, 2] : vector<1x1250x128xi32> to vector<1xi32>
      %reduce_sum3A_347 = vector.shape_cast %reduce_sum3A_346 : vector<1xi32> to vector<1x1x1xi32>
      %reduce_sum3A_348 = vector.extract %reduce_sum3A_347[0, 0, 0] : i32 from vector<1x1x1xi32>
      %swap3A_349 = arith.constant 26 : index
      %swap3A_350 = memref.load %arg8[%swap3A_349] : memref<48xi32, #tpu.memory_space<smem>>
      memref.store %reduce_sum3A_348, %arg8[%swap3A_349] : memref<48xi32, #tpu.memory_space<smem>>
      %lt3A_351 = arith.constant 8640 : i32
      %lt3A_352 = vector.broadcast %lt3A_351 : i32 to vector<1250x128xi32>
      %lt3A_353 = arith.cmpi slt, %get3A_55, %lt3A_352 : vector<1250x128xi32>
      %convert_element_type3A_354 = arith.extui %lt3A_353 : vector<1250x128xi1> to vector<1250x128xi32>
      %reduce_sum3A_355 = vector.shape_cast %convert_element_type3A_354 : vector<1250x128xi32> to vector<1x1250x128xi32>
      %reduce_sum3A_356 = arith.constant dense<0> : vector<1xi32>
      %reduce_sum3A_357 = vector.multi_reduction <add>, %reduce_sum3A_355, %reduce_sum3A_356 [1, 2] : vector<1x1250x128xi32> to vector<1xi32>
      %reduce_sum3A_358 = vector.shape_cast %reduce_sum3A_357 : vector<1xi32> to vector<1x1x1xi32>
      %reduce_sum3A_359 = vector.extract %reduce_sum3A_358[0, 0, 0] : i32 from vector<1x1x1xi32>
      %swap3A_360 = arith.constant 27 : index
      %swap3A_361 = memref.load %arg8[%swap3A_360] : memref<48xi32, #tpu.memory_space<smem>>
      memref.store %reduce_sum3A_359, %arg8[%swap3A_360] : memref<48xi32, #tpu.memory_space<smem>>
      %lt3A_362 = arith.constant 8960 : i32
      %lt3A_363 = vector.broadcast %lt3A_362 : i32 to vector<1250x128xi32>
      %lt3A_364 = arith.cmpi slt, %get3A_55, %lt3A_363 : vector<1250x128xi32>
      %convert_element_type3A_365 = arith.extui %lt3A_364 : vector<1250x128xi1> to vector<1250x128xi32>
      %reduce_sum3A_366 = vector.shape_cast %convert_element_type3A_365 : vector<1250x128xi32> to vector<1x1250x128xi32>
      %reduce_sum3A_367 = arith.constant dense<0> : vector<1xi32>
      %reduce_sum3A_368 = vector.multi_reduction <add>, %reduce_sum3A_366, %reduce_sum3A_367 [1, 2] : vector<1x1250x128xi32> to vector<1xi32>
      %reduce_sum3A_369 = vector.shape_cast %reduce_sum3A_368 : vector<1xi32> to vector<1x1x1xi32>
      %reduce_sum3A_370 = vector.extract %reduce_sum3A_369[0, 0, 0] : i32 from vector<1x1x1xi32>
      %swap3A_371 = arith.constant 28 : index
      %swap3A_372 = memref.load %arg8[%swap3A_371] : memref<48xi32, #tpu.memory_space<smem>>
      memref.store %reduce_sum3A_370, %arg8[%swap3A_371] : memref<48xi32, #tpu.memory_space<smem>>
      %lt3A_373 = arith.constant 9280 : i32
      %lt3A_374 = vector.broadcast %lt3A_373 : i32 to vector<1250x128xi32>
      %lt3A_375 = arith.cmpi slt, %get3A_55, %lt3A_374 : vector<1250x128xi32>
      %convert_element_type3A_376 = arith.extui %lt3A_375 : vector<1250x128xi1> to vector<1250x128xi32>
      %reduce_sum3A_377 = vector.shape_cast %convert_element_type3A_376 : vector<1250x128xi32> to vector<1x1250x128xi32>
      %reduce_sum3A_378 = arith.constant dense<0> : vector<1xi32>
      %reduce_sum3A_379 = vector.multi_reduction <add>, %reduce_sum3A_377, %reduce_sum3A_378 [1, 2] : vector<1x1250x128xi32> to vector<1xi32>
      %reduce_sum3A_380 = vector.shape_cast %reduce_sum3A_379 : vector<1xi32> to vector<1x1x1xi32>
      %reduce_sum3A_381 = vector.extract %reduce_sum3A_380[0, 0, 0] : i32 from vector<1x1x1xi32>
      %swap3A_382 = arith.constant 29 : index
      %swap3A_383 = memref.load %arg8[%swap3A_382] : memref<48xi32, #tpu.memory_space<smem>>
      memref.store %reduce_sum3A_381, %arg8[%swap3A_382] : memref<48xi32, #tpu.memory_space<smem>>
      %lt3A_384 = arith.constant 9600 : i32
      %lt3A_385 = vector.broadcast %lt3A_384 : i32 to vector<1250x128xi32>
      %lt3A_386 = arith.cmpi slt, %get3A_55, %lt3A_385 : vector<1250x128xi32>
      %convert_element_type3A_387 = arith.extui %lt3A_386 : vector<1250x128xi1> to vector<1250x128xi32>
      %reduce_sum3A_388 = vector.shape_cast %convert_element_type3A_387 : vector<1250x128xi32> to vector<1x1250x128xi32>
      %reduce_sum3A_389 = arith.constant dense<0> : vector<1xi32>
      %reduce_sum3A_390 = vector.multi_reduction <add>, %reduce_sum3A_388, %reduce_sum3A_389 [1, 2] : vector<1x1250x128xi32> to vector<1xi32>
      %reduce_sum3A_391 = vector.shape_cast %reduce_sum3A_390 : vector<1xi32> to vector<1x1x1xi32>
      %reduce_sum3A_392 = vector.extract %reduce_sum3A_391[0, 0, 0] : i32 from vector<1x1x1xi32>
      %swap3A_393 = arith.constant 30 : index
      %swap3A_394 = memref.load %arg8[%swap3A_393] : memref<48xi32, #tpu.memory_space<smem>>
      memref.store %reduce_sum3A_392, %arg8[%swap3A_393] : memref<48xi32, #tpu.memory_space<smem>>
      %lt3A_395 = arith.constant 9920 : i32
      %lt3A_396 = vector.broadcast %lt3A_395 : i32 to vector<1250x128xi32>
      %lt3A_397 = arith.cmpi slt, %get3A_55, %lt3A_396 : vector<1250x128xi32>
      %convert_element_type3A_398 = arith.extui %lt3A_397 : vector<1250x128xi1> to vector<1250x128xi32>
      %reduce_sum3A_399 = vector.shape_cast %convert_element_type3A_398 : vector<1250x128xi32> to vector<1x1250x128xi32>
      %reduce_sum3A_400 = arith.constant dense<0> : vector<1xi32>
      %reduce_sum3A_401 = vector.multi_reduction <add>, %reduce_sum3A_399, %reduce_sum3A_400 [1, 2] : vector<1x1250x128xi32> to vector<1xi32>
      %reduce_sum3A_402 = vector.shape_cast %reduce_sum3A_401 : vector<1xi32> to vector<1x1x1xi32>
      %reduce_sum3A_403 = vector.extract %reduce_sum3A_402[0, 0, 0] : i32 from vector<1x1x1xi32>
      %swap3A_404 = arith.constant 31 : index
      %swap3A_405 = memref.load %arg8[%swap3A_404] : memref<48xi32, #tpu.memory_space<smem>>
      memref.store %reduce_sum3A_403, %arg8[%swap3A_404] : memref<48xi32, #tpu.memory_space<smem>>
      %lt3A_406 = arith.constant 10240 : i32
      %lt3A_407 = vector.broadcast %lt3A_406 : i32 to vector<1250x128xi32>
      %lt3A_408 = arith.cmpi slt, %get3A_55, %lt3A_407 : vector<1250x128xi32>
      %convert_element_type3A_409 = arith.extui %lt3A_408 : vector<1250x128xi1> to vector<1250x128xi32>
      %reduce_sum3A_410 = vector.shape_cast %convert_element_type3A_409 : vector<1250x128xi32> to vector<1x1250x128xi32>
      %reduce_sum3A_411 = arith.constant dense<0> : vector<1xi32>
      %reduce_sum3A_412 = vector.multi_reduction <add>, %reduce_sum3A_410, %reduce_sum3A_411 [1, 2] : vector<1x1250x128xi32> to vector<1xi32>
      %reduce_sum3A_413 = vector.shape_cast %reduce_sum3A_412 : vector<1xi32> to vector<1x1x1xi32>
      %reduce_sum3A_414 = vector.extract %reduce_sum3A_413[0, 0, 0] : i32 from vector<1x1x1xi32>
      %swap3A_415 = arith.constant 32 : index
      %swap3A_416 = memref.load %arg8[%swap3A_415] : memref<48xi32, #tpu.memory_space<smem>>
      memref.store %reduce_sum3A_414, %arg8[%swap3A_415] : memref<48xi32, #tpu.memory_space<smem>>
      %lt3A_417 = arith.constant 10560 : i32
      %lt3A_418 = vector.broadcast %lt3A_417 : i32 to vector<1250x128xi32>
      %lt3A_419 = arith.cmpi slt, %get3A_55, %lt3A_418 : vector<1250x128xi32>
      %convert_element_type3A_420 = arith.extui %lt3A_419 : vector<1250x128xi1> to vector<1250x128xi32>
      %reduce_sum3A_421 = vector.shape_cast %convert_element_type3A_420 : vector<1250x128xi32> to vector<1x1250x128xi32>
      %reduce_sum3A_422 = arith.constant dense<0> : vector<1xi32>
      %reduce_sum3A_423 = vector.multi_reduction <add>, %reduce_sum3A_421, %reduce_sum3A_422 [1, 2] : vector<1x1250x128xi32> to vector<1xi32>
      %reduce_sum3A_424 = vector.shape_cast %reduce_sum3A_423 : vector<1xi32> to vector<1x1x1xi32>
      %reduce_sum3A_425 = vector.extract %reduce_sum3A_424[0, 0, 0] : i32 from vector<1x1x1xi32>
      %swap3A_426 = arith.constant 33 : index
      %swap3A_427 = memref.load %arg8[%swap3A_426] : memref<48xi32, #tpu.memory_space<smem>>
      memref.store %reduce_sum3A_425, %arg8[%swap3A_426] : memref<48xi32, #tpu.memory_space<smem>>
      %lt3A_428 = arith.constant 10880 : i32
      %lt3A_429 = vector.broadcast %lt3A_428 : i32 to vector<1250x128xi32>
      %lt3A_430 = arith.cmpi slt, %get3A_55, %lt3A_429 : vector<1250x128xi32>
      %convert_element_type3A_431 = arith.extui %lt3A_430 : vector<1250x128xi1> to vector<1250x128xi32>
      %reduce_sum3A_432 = vector.shape_cast %convert_element_type3A_431 : vector<1250x128xi32> to vector<1x1250x128xi32>
      %reduce_sum3A_433 = arith.constant dense<0> : vector<1xi32>
      %reduce_sum3A_434 = vector.multi_reduction <add>, %reduce_sum3A_432, %reduce_sum3A_433 [1, 2] : vector<1x1250x128xi32> to vector<1xi32>
      %reduce_sum3A_435 = vector.shape_cast %reduce_sum3A_434 : vector<1xi32> to vector<1x1x1xi32>
      %reduce_sum3A_436 = vector.extract %reduce_sum3A_435[0, 0, 0] : i32 from vector<1x1x1xi32>
      %swap3A_437 = arith.constant 34 : index
      %swap3A_438 = memref.load %arg8[%swap3A_437] : memref<48xi32, #tpu.memory_space<smem>>
      memref.store %reduce_sum3A_436, %arg8[%swap3A_437] : memref<48xi32, #tpu.memory_space<smem>>
      %lt3A_439 = arith.constant 11200 : i32
      %lt3A_440 = vector.broadcast %lt3A_439 : i32 to vector<1250x128xi32>
      %lt3A_441 = arith.cmpi slt, %get3A_55, %lt3A_440 : vector<1250x128xi32>
      %convert_element_type3A_442 = arith.extui %lt3A_441 : vector<1250x128xi1> to vector<1250x128xi32>
      %reduce_sum3A_443 = vector.shape_cast %convert_element_type3A_442 : vector<1250x128xi32> to vector<1x1250x128xi32>
      %reduce_sum3A_444 = arith.constant dense<0> : vector<1xi32>
      %reduce_sum3A_445 = vector.multi_reduction <add>, %reduce_sum3A_443, %reduce_sum3A_444 [1, 2] : vector<1x1250x128xi32> to vector<1xi32>
      %reduce_sum3A_446 = vector.shape_cast %reduce_sum3A_445 : vector<1xi32> to vector<1x1x1xi32>
      %reduce_sum3A_447 = vector.extract %reduce_sum3A_446[0, 0, 0] : i32 from vector<1x1x1xi32>
      %swap3A_448 = arith.constant 35 : index
      %swap3A_449 = memref.load %arg8[%swap3A_448] : memref<48xi32, #tpu.memory_space<smem>>
      memref.store %reduce_sum3A_447, %arg8[%swap3A_448] : memref<48xi32, #tpu.memory_space<smem>>
      %lt3A_450 = arith.constant 11520 : i32
      %lt3A_451 = vector.broadcast %lt3A_450 : i32 to vector<1250x128xi32>
      %lt3A_452 = arith.cmpi slt, %get3A_55, %lt3A_451 : vector<1250x128xi32>
      %convert_element_type3A_453 = arith.extui %lt3A_452 : vector<1250x128xi1> to vector<1250x128xi32>
      %reduce_sum3A_454 = vector.shape_cast %convert_element_type3A_453 : vector<1250x128xi32> to vector<1x1250x128xi32>
      %reduce_sum3A_455 = arith.constant dense<0> : vector<1xi32>
      %reduce_sum3A_456 = vector.multi_reduction <add>, %reduce_sum3A_454, %reduce_sum3A_455 [1, 2] : vector<1x1250x128xi32> to vector<1xi32>
      %reduce_sum3A_457 = vector.shape_cast %reduce_sum3A_456 : vector<1xi32> to vector<1x1x1xi32>
      %reduce_sum3A_458 = vector.extract %reduce_sum3A_457[0, 0, 0] : i32 from vector<1x1x1xi32>
      %swap3A_459 = arith.constant 36 : index
      %swap3A_460 = memref.load %arg8[%swap3A_459] : memref<48xi32, #tpu.memory_space<smem>>
      memref.store %reduce_sum3A_458, %arg8[%swap3A_459] : memref<48xi32, #tpu.memory_space<smem>>
      %lt3A_461 = arith.constant 11840 : i32
      %lt3A_462 = vector.broadcast %lt3A_461 : i32 to vector<1250x128xi32>
      %lt3A_463 = arith.cmpi slt, %get3A_55, %lt3A_462 : vector<1250x128xi32>
      %convert_element_type3A_464 = arith.extui %lt3A_463 : vector<1250x128xi1> to vector<1250x128xi32>
      %reduce_sum3A_465 = vector.shape_cast %convert_element_type3A_464 : vector<1250x128xi32> to vector<1x1250x128xi32>
      %reduce_sum3A_466 = arith.constant dense<0> : vector<1xi32>
      %reduce_sum3A_467 = vector.multi_reduction <add>, %reduce_sum3A_465, %reduce_sum3A_466 [1, 2] : vector<1x1250x128xi32> to vector<1xi32>
      %reduce_sum3A_468 = vector.shape_cast %reduce_sum3A_467 : vector<1xi32> to vector<1x1x1xi32>
      %reduce_sum3A_469 = vector.extract %reduce_sum3A_468[0, 0, 0] : i32 from vector<1x1x1xi32>
      %swap3A_470 = arith.constant 37 : index
      %swap3A_471 = memref.load %arg8[%swap3A_470] : memref<48xi32, #tpu.memory_space<smem>>
      memref.store %reduce_sum3A_469, %arg8[%swap3A_470] : memref<48xi32, #tpu.memory_space<smem>>
      %lt3A_472 = arith.constant 12160 : i32
      %lt3A_473 = vector.broadcast %lt3A_472 : i32 to vector<1250x128xi32>
      %lt3A_474 = arith.cmpi slt, %get3A_55, %lt3A_473 : vector<1250x128xi32>
      %convert_element_type3A_475 = arith.extui %lt3A_474 : vector<1250x128xi1> to vector<1250x128xi32>
      %reduce_sum3A_476 = vector.shape_cast %convert_element_type3A_475 : vector<1250x128xi32> to vector<1x1250x128xi32>
      %reduce_sum3A_477 = arith.constant dense<0> : vector<1xi32>
      %reduce_sum3A_478 = vector.multi_reduction <add>, %reduce_sum3A_476, %reduce_sum3A_477 [1, 2] : vector<1x1250x128xi32> to vector<1xi32>
      %reduce_sum3A_479 = vector.shape_cast %reduce_sum3A_478 : vector<1xi32> to vector<1x1x1xi32>
      %reduce_sum3A_480 = vector.extract %reduce_sum3A_479[0, 0, 0] : i32 from vector<1x1x1xi32>
      %swap3A_481 = arith.constant 38 : index
      %swap3A_482 = memref.load %arg8[%swap3A_481] : memref<48xi32, #tpu.memory_space<smem>>
      memref.store %reduce_sum3A_480, %arg8[%swap3A_481] : memref<48xi32, #tpu.memory_space<smem>>
      %lt3A_483 = arith.constant 12480 : i32
      %lt3A_484 = vector.broadcast %lt3A_483 : i32 to vector<1250x128xi32>
      %lt3A_485 = arith.cmpi slt, %get3A_55, %lt3A_484 : vector<1250x128xi32>
      %convert_element_type3A_486 = arith.extui %lt3A_485 : vector<1250x128xi1> to vector<1250x128xi32>
      %reduce_sum3A_487 = vector.shape_cast %convert_element_type3A_486 : vector<1250x128xi32> to vector<1x1250x128xi32>
      %reduce_sum3A_488 = arith.constant dense<0> : vector<1xi32>
      %reduce_sum3A_489 = vector.multi_reduction <add>, %reduce_sum3A_487, %reduce_sum3A_488 [1, 2] : vector<1x1250x128xi32> to vector<1xi32>
      %reduce_sum3A_490 = vector.shape_cast %reduce_sum3A_489 : vector<1xi32> to vector<1x1x1xi32>
      %reduce_sum3A_491 = vector.extract %reduce_sum3A_490[0, 0, 0] : i32 from vector<1x1x1xi32>
      %swap3A_492 = arith.constant 39 : index
      %swap3A_493 = memref.load %arg8[%swap3A_492] : memref<48xi32, #tpu.memory_space<smem>>
      memref.store %reduce_sum3A_491, %arg8[%swap3A_492] : memref<48xi32, #tpu.memory_space<smem>>
      %lt3A_494 = arith.constant 12800 : i32
      %lt3A_495 = vector.broadcast %lt3A_494 : i32 to vector<1250x128xi32>
      %lt3A_496 = arith.cmpi slt, %get3A_55, %lt3A_495 : vector<1250x128xi32>
      %convert_element_type3A_497 = arith.extui %lt3A_496 : vector<1250x128xi1> to vector<1250x128xi32>
      %reduce_sum3A_498 = vector.shape_cast %convert_element_type3A_497 : vector<1250x128xi32> to vector<1x1250x128xi32>
      %reduce_sum3A_499 = arith.constant dense<0> : vector<1xi32>
      %reduce_sum3A_500 = vector.multi_reduction <add>, %reduce_sum3A_498, %reduce_sum3A_499 [1, 2] : vector<1x1250x128xi32> to vector<1xi32>
      %reduce_sum3A_501 = vector.shape_cast %reduce_sum3A_500 : vector<1xi32> to vector<1x1x1xi32>
      %reduce_sum3A_502 = vector.extract %reduce_sum3A_501[0, 0, 0] : i32 from vector<1x1x1xi32>
      %swap3A_503 = arith.constant 40 : index
      %swap3A_504 = memref.load %arg8[%swap3A_503] : memref<48xi32, #tpu.memory_space<smem>>
      memref.store %reduce_sum3A_502, %arg8[%swap3A_503] : memref<48xi32, #tpu.memory_space<smem>>
      %lt3A_505 = arith.constant 13120 : i32
      %lt3A_506 = vector.broadcast %lt3A_505 : i32 to vector<1250x128xi32>
      %lt3A_507 = arith.cmpi slt, %get3A_55, %lt3A_506 : vector<1250x128xi32>
      %convert_element_type3A_508 = arith.extui %lt3A_507 : vector<1250x128xi1> to vector<1250x128xi32>
      %reduce_sum3A_509 = vector.shape_cast %convert_element_type3A_508 : vector<1250x128xi32> to vector<1x1250x128xi32>
      %reduce_sum3A_510 = arith.constant dense<0> : vector<1xi32>
      %reduce_sum3A_511 = vector.multi_reduction <add>, %reduce_sum3A_509, %reduce_sum3A_510 [1, 2] : vector<1x1250x128xi32> to vector<1xi32>
      %reduce_sum3A_512 = vector.shape_cast %reduce_sum3A_511 : vector<1xi32> to vector<1x1x1xi32>
      %reduce_sum3A_513 = vector.extract %reduce_sum3A_512[0, 0, 0] : i32 from vector<1x1x1xi32>
      %swap3A_514 = arith.constant 41 : index
      %swap3A_515 = memref.load %arg8[%swap3A_514] : memref<48xi32, #tpu.memory_space<smem>>
      memref.store %reduce_sum3A_513, %arg8[%swap3A_514] : memref<48xi32, #tpu.memory_space<smem>>
      %lt3A_516 = arith.constant 13440 : i32
      %lt3A_517 = vector.broadcast %lt3A_516 : i32 to vector<1250x128xi32>
      %lt3A_518 = arith.cmpi slt, %get3A_55, %lt3A_517 : vector<1250x128xi32>
      %convert_element_type3A_519 = arith.extui %lt3A_518 : vector<1250x128xi1> to vector<1250x128xi32>
      %reduce_sum3A_520 = vector.shape_cast %convert_element_type3A_519 : vector<1250x128xi32> to vector<1x1250x128xi32>
      %reduce_sum3A_521 = arith.constant dense<0> : vector<1xi32>
      %reduce_sum3A_522 = vector.multi_reduction <add>, %reduce_sum3A_520, %reduce_sum3A_521 [1, 2] : vector<1x1250x128xi32> to vector<1xi32>
      %reduce_sum3A_523 = vector.shape_cast %reduce_sum3A_522 : vector<1xi32> to vector<1x1x1xi32>
      %reduce_sum3A_524 = vector.extract %reduce_sum3A_523[0, 0, 0] : i32 from vector<1x1x1xi32>
      %swap3A_525 = arith.constant 42 : index
      %swap3A_526 = memref.load %arg8[%swap3A_525] : memref<48xi32, #tpu.memory_space<smem>>
      memref.store %reduce_sum3A_524, %arg8[%swap3A_525] : memref<48xi32, #tpu.memory_space<smem>>
      %lt3A_527 = arith.constant 13760 : i32
      %lt3A_528 = vector.broadcast %lt3A_527 : i32 to vector<1250x128xi32>
      %lt3A_529 = arith.cmpi slt, %get3A_55, %lt3A_528 : vector<1250x128xi32>
      %convert_element_type3A_530 = arith.extui %lt3A_529 : vector<1250x128xi1> to vector<1250x128xi32>
      %reduce_sum3A_531 = vector.shape_cast %convert_element_type3A_530 : vector<1250x128xi32> to vector<1x1250x128xi32>
      %reduce_sum3A_532 = arith.constant dense<0> : vector<1xi32>
      %reduce_sum3A_533 = vector.multi_reduction <add>, %reduce_sum3A_531, %reduce_sum3A_532 [1, 2] : vector<1x1250x128xi32> to vector<1xi32>
      %reduce_sum3A_534 = vector.shape_cast %reduce_sum3A_533 : vector<1xi32> to vector<1x1x1xi32>
      %reduce_sum3A_535 = vector.extract %reduce_sum3A_534[0, 0, 0] : i32 from vector<1x1x1xi32>
      %swap3A_536 = arith.constant 43 : index
      %swap3A_537 = memref.load %arg8[%swap3A_536] : memref<48xi32, #tpu.memory_space<smem>>
      memref.store %reduce_sum3A_535, %arg8[%swap3A_536] : memref<48xi32, #tpu.memory_space<smem>>
      %lt3A_538 = arith.constant 14080 : i32
      %lt3A_539 = vector.broadcast %lt3A_538 : i32 to vector<1250x128xi32>
      %lt3A_540 = arith.cmpi slt, %get3A_55, %lt3A_539 : vector<1250x128xi32>
      %convert_element_type3A_541 = arith.extui %lt3A_540 : vector<1250x128xi1> to vector<1250x128xi32>
      %reduce_sum3A_542 = vector.shape_cast %convert_element_type3A_541 : vector<1250x128xi32> to vector<1x1250x128xi32>
      %reduce_sum3A_543 = arith.constant dense<0> : vector<1xi32>
      %reduce_sum3A_544 = vector.multi_reduction <add>, %reduce_sum3A_542, %reduce_sum3A_543 [1, 2] : vector<1x1250x128xi32> to vector<1xi32>
      %reduce_sum3A_545 = vector.shape_cast %reduce_sum3A_544 : vector<1xi32> to vector<1x1x1xi32>
      %reduce_sum3A_546 = vector.extract %reduce_sum3A_545[0, 0, 0] : i32 from vector<1x1x1xi32>
      %swap3A_547 = arith.constant 44 : index
      %swap3A_548 = memref.load %arg8[%swap3A_547] : memref<48xi32, #tpu.memory_space<smem>>
      memref.store %reduce_sum3A_546, %arg8[%swap3A_547] : memref<48xi32, #tpu.memory_space<smem>>
      %lt3A_549 = arith.constant 14400 : i32
      %lt3A_550 = vector.broadcast %lt3A_549 : i32 to vector<1250x128xi32>
      %lt3A_551 = arith.cmpi slt, %get3A_55, %lt3A_550 : vector<1250x128xi32>
      %convert_element_type3A_552 = arith.extui %lt3A_551 : vector<1250x128xi1> to vector<1250x128xi32>
      %reduce_sum3A_553 = vector.shape_cast %convert_element_type3A_552 : vector<1250x128xi32> to vector<1x1250x128xi32>
      %reduce_sum3A_554 = arith.constant dense<0> : vector<1xi32>
      %reduce_sum3A_555 = vector.multi_reduction <add>, %reduce_sum3A_553, %reduce_sum3A_554 [1, 2] : vector<1x1250x128xi32> to vector<1xi32>
      %reduce_sum3A_556 = vector.shape_cast %reduce_sum3A_555 : vector<1xi32> to vector<1x1x1xi32>
      %reduce_sum3A_557 = vector.extract %reduce_sum3A_556[0, 0, 0] : i32 from vector<1x1x1xi32>
      %swap3A_558 = arith.constant 45 : index
      %swap3A_559 = memref.load %arg8[%swap3A_558] : memref<48xi32, #tpu.memory_space<smem>>
      memref.store %reduce_sum3A_557, %arg8[%swap3A_558] : memref<48xi32, #tpu.memory_space<smem>>
      %lt3A_560 = arith.constant 14720 : i32
      %lt3A_561 = vector.broadcast %lt3A_560 : i32 to vector<1250x128xi32>
      %lt3A_562 = arith.cmpi slt, %get3A_55, %lt3A_561 : vector<1250x128xi32>
      %convert_element_type3A_563 = arith.extui %lt3A_562 : vector<1250x128xi1> to vector<1250x128xi32>
      %reduce_sum3A_564 = vector.shape_cast %convert_element_type3A_563 : vector<1250x128xi32> to vector<1x1250x128xi32>
      %reduce_sum3A_565 = arith.constant dense<0> : vector<1xi32>
      %reduce_sum3A_566 = vector.multi_reduction <add>, %reduce_sum3A_564, %reduce_sum3A_565 [1, 2] : vector<1x1250x128xi32> to vector<1xi32>
      %reduce_sum3A_567 = vector.shape_cast %reduce_sum3A_566 : vector<1xi32> to vector<1x1x1xi32>
      %reduce_sum3A_568 = vector.extract %reduce_sum3A_567[0, 0, 0] : i32 from vector<1x1x1xi32>
      %swap3A_569 = arith.constant 46 : index
      %swap3A_570 = memref.load %arg8[%swap3A_569] : memref<48xi32, #tpu.memory_space<smem>>
      memref.store %reduce_sum3A_568, %arg8[%swap3A_569] : memref<48xi32, #tpu.memory_space<smem>>
      %lt3A_571 = arith.constant 15040 : i32
      %lt3A_572 = vector.broadcast %lt3A_571 : i32 to vector<1250x128xi32>
      %lt3A_573 = arith.cmpi slt, %get3A_55, %lt3A_572 : vector<1250x128xi32>
      %convert_element_type3A_574 = arith.extui %lt3A_573 : vector<1250x128xi1> to vector<1250x128xi32>
      %reduce_sum3A_575 = vector.shape_cast %convert_element_type3A_574 : vector<1250x128xi32> to vector<1x1250x128xi32>
      %reduce_sum3A_576 = arith.constant dense<0> : vector<1xi32>
      %reduce_sum3A_577 = vector.multi_reduction <add>, %reduce_sum3A_575, %reduce_sum3A_576 [1, 2] : vector<1x1250x128xi32> to vector<1xi32>
      %reduce_sum3A_578 = vector.shape_cast %reduce_sum3A_577 : vector<1xi32> to vector<1x1x1xi32>
      %reduce_sum3A_579 = vector.extract %reduce_sum3A_578[0, 0, 0] : i32 from vector<1x1x1xi32>
      %swap3A_580 = arith.constant 47 : index
      %swap3A_581 = memref.load %arg8[%swap3A_580] : memref<48xi32, #tpu.memory_space<smem>>
      memref.store %reduce_sum3A_579, %arg8[%swap3A_580] : memref<48xi32, #tpu.memory_space<smem>>
    } else {
    }
    return
  }
  func.func @transform_0(%arg0: i32) -> (i32, i32) {
    %c0_i32 = arith.constant 0 : i32
    %c0_i32_0 = arith.constant 0 : i32
    %c0_i32_1 = arith.constant 0 : i32
    return %c0_i32, %c0_i32_0 : i32, i32
  }
  func.func @transform_1(%arg0: i32) -> (i32, i32) {
    %c0_i32 = arith.constant 0 : i32
    %c0_i32_0 = arith.constant 0 : i32
    return %arg0, %c0_i32 : i32, i32
  }
  func.func @transform_2(%arg0: i32) -> (i32, i32) {
    %c0_i32 = arith.constant 0 : i32
    %c0_i32_0 = arith.constant 0 : i32
    %c0_i32_1 = arith.constant 0 : i32
    return %c0_i32, %c0_i32_0 : i32, i32
  }
  func.func @transform_3(%arg0: i32) -> (i32, i32) {
    %c0_i32 = arith.constant 0 : i32
    %c0_i32_0 = arith.constant 0 : i32
    %c0_i32_1 = arith.constant 0 : i32
    return %c0_i32, %c0_i32_0 : i32, i32
  }
  func.func @transform_4(%arg0: i32) -> (i32, i32) {
    %c0_i32 = arith.constant 0 : i32
    %c0_i32_0 = arith.constant 0 : i32
    %c0_i32_1 = arith.constant 0 : i32
    return %c0_i32, %c0_i32_0 : i32, i32
  }
  func.func @transform_5(%arg0: i32) -> (i32, i32) {
    %c0_i32 = arith.constant 0 : i32
    %c0_i32_0 = arith.constant 0 : i32
    %c0_i32_1 = arith.constant 0 : i32
    return %c0_i32, %c0_i32_0 : i32, i32
  }
  func.func @transform_6(%arg0: i32) -> (i32, i32) {
    %c0_i32 = arith.constant 0 : i32
    %c0_i32_0 = arith.constant 0 : i32
    return %arg0, %c0_i32 : i32, i32
  }
  func.func @transform_7(%arg0: i32) -> i32 {
    %c0_i32 = arith.constant 0 : i32
    %c0_i32_0 = arith.constant 0 : i32
    return %c0_i32 : i32
  }
}

</mosaic_0001>

<sc_bundles>
// kernel: kernel.4.cloned.1.call-start
scs
__scs_entry_jumppad:
0x0: {  	(pc) =	sbr.rel $0x88, $3  }
0x1: {  	(tag) =	ssettag $0x0;
	lr =	simm.s32 $0x1  }
0x2: {  	[smem:$0x3F9B] =	sst lr;
	_ =	strace $0xD0000000  }
0x3: {  	_ = 	snop  }
0x4: {  	_ = 	snop  }
0x5: {  	_ = 	snop  }
0x6: {  	_ = 	snop  }
0x7: {  	_ = 	snop  }
__scs_overlays_trampoline_lowered:
0x8: {  	[smem:$0x3FAA] =	sst s0  }
0x9: {  	[smem:$0x3FAB] =	sst s1  }
0xa: {  	[smem:$0x3FAC] =	sst s2  }
0xb: {  	[smem:$0x3FAD] =	sst s3  }
0xc: {  	[smem:$0x3FAE] =	sst s4  }
0xd: {  	[smem:$0x3FAF] =	sst s5  }
0xe: {  	[smem:$0x3FB0] =	sst s6  }
0xf: {  	[smem:$0x3FB1] =	sst s7  }
0x10: {  	[smem:$0x3FB2] =	sst s8  }
0x11: {  	[smem:$0x3FB3] =	sst s9;
	s0 =	simm.s32 @!p0 $0x0  }
0x12: {  	s1 =	sld [smem:$0x3F99];
	s0 =	simm.s32 @p0 $0x1  }
0x13: {  	[smem:$0x3FB4] =	sst s0;
	s0 =	simm.s32 @!p1 $0x0  }
0x14: {  	s2 =	sld [smem:$0x3F98];
	s0 =	simm.s32 @p1 $0x1  }
0x15: {  	[smem:$0x3FB5] =	sst s0;
	s0 =	simm.s32 @!p2 $0x0  }
0x16: {  	s3 =	sld [smem:$0x3FDB];
	s0 =	simm.s32 @p2 $0x1  }
0x17: {  	s4 =	simm.s32 $0x1BF5;
	[smem:$0x3FB7] =	sst s0  }
0x18: {  	s0 =	sld [smem:$0x3F9A];
	_ =	swait.ge [sflag:s4], $0x0  }
0x19: {  	s7 =	sld [smem:$0x3F9B]  }
0x1a: {  	s8 =	sadd.s32 $0xFFFFE003, lr  }
0x1b: {  	s9 =	sadd.s32 $0xFFFFFEF7, lr;
	s5 =	simm.s32 $0xFFFFFFFF;
	p2 =	slt.u32 s8, $0xFFFFF086  }
0x1c: {  	p1 =	slt.u32 s9, $0xF7A;
	s5 =	simm.s32 @!p2 $0x0  }
0x1d: {  	s5 =	simm.s32 @p1 $0x1;
	p0 =	seq.s32 s7, s2  }
0x1e: {  	s7 =	smul.u32 @!p0 $0xF7A, s2;
	p2 =	seq.s32 @!p0 s5, $0x0  }
0x1f: {  	s9 =	smul.u32 $0xF7A, s1;
	s8 =	simm.s32 @!p0 $0x1BF5;
	p2 =	por !p2, p0  }
0x20: {  	[sflag:s8] =	ssyncset.s32 @!p0 $0xFFFFF086;
	s6 =	sadd.s32 @!p0 s3, s7;
	s7 =	simm.s32 @!p0 $0x108  }
0x21: {  	s3 =	sadd.s32 s3, s9;
	s6 =	sadd.s32 @!p0 $0x88, s6;
	s7 =	simm.s32 @p2 $0x1082  }
0x22: {  	[simem:s7], [sflag:s8] =	dma.local @!p0 [hbm:s6], $0xF7A  }
0x23: {  	s9 =	sor.u32 $0xD0000000, s2;
	s6 =	simm.s32 $0x108;
	_ =	swait.ge @!p0 [sflag:s8], $0x0  }
0x24: {  	s3 =	sadd.s32 $0x88, s3;
	s6 =	simm.s32 @!p1 $0x1082;
	[sflag:s4] =	ssyncset.s32 $0xFFFFF086  }
0x25: {  	[simem:s6], [sflag:s4] =	dma.local [hbm:s3], $0xF7A  }
0x26: {  	[smem:$0x3F9B] =	sst s1;
	(tag) =	ssettag s2;
	_ =	strace s9  }
0x27: {  	s1 =	sld [smem:$0x3FAB]  }
0x28: {  	s2 =	sld [smem:$0x3FAC]  }
0x29: {  	s4 =	sld [smem:$0x3FAE]  }
0x2a: {  	p0 =	seq.s32 s5, $0x0;
	s5 =	sld [smem:$0x3FAF]  }
0x2b: {  	s6 =	sld [smem:$0x3FB0]  }
0x2c: {  	s7 =	sld [smem:$0x3FB1]  }
0x2d: {  	s3 =	simm.s32 $0x108;
	s8 =	sld [smem:$0x3FB2]  }
0x2e: {  	s3 =	simm.s32 @!p0 $0x1082;
	s9 =	sld [smem:$0x3FB3]  }
0x2f: {  	lr =	sadd.s32 s0, s3;
	s0 =	sld [smem:$0x3FAA]  }
0x30: {  	s3 =	sld [smem:$0x3FAD]  }
0x31: {  	[smem:$0x3FB6] =	sst s10  }
0x32: {  	s10 =	sld [smem:$0x3FB4];
	_ =	sdelay $0x3  }
0x33: {  	p0 =	seq.s32 s10, $0x1;
	s10 =	sld [smem:$0x3FB6];
	_ =	sdelay $0x3  }
0x34: {  	[smem:$0x3FB6] =	sst s10  }
0x35: {  	s10 =	sld [smem:$0x3FB5];
	_ =	sdelay $0x3  }
0x36: {  	p1 =	seq.s32 s10, $0x1;
	s10 =	sld [smem:$0x3FB6];
	_ =	sdelay $0x3  }
0x37: {  	[smem:$0x3FB6] =	sst s10  }
0x38: {  	s10 =	sld [smem:$0x3FB7]  }
0x39: {  	_ = 	snop;
	(pc) =	sbr.ind lr, $3  }
0x3a: {  	_ = 	snop  }
0x3b: {  	_ = 	snop  }
0x3c: {  	p2 =	seq.s32 s10, $0x1;
	s10 =	sld [smem:$0x3FB6]  }
0x3d: {  	_ =	shalt  }
0x3e: {  	_ =	shalt  }
0x3f: {  	_ =	shalt  }
0x40: {  	_ =	shalt  }
0x41: {  	_ =	shalt  }
0x42: {  	_ =	shalt  }
0x43: {  	_ =	shalt  }
0x44: {  	_ =	shalt  }
0x45: {  	_ =	shalt  }
0x46: {  	_ =	shalt  }
0x47: {  	_ =	shalt  }
0x48: {  	_ =	shalt  }
0x49: {  	_ =	shalt  }
0x4a: {  	_ =	shalt  }
0x4b: {  	_ =	shalt  }
0x4c: {  	_ =	shalt  }
0x4d: {  	_ =	shalt  }
0x4e: {  	_ =	shalt  }
0x4f: {  	_ =	shalt  }
0x50: {  	_ =	shalt  }
0x51: {  	_ =	shalt  }
0x52: {  	_ =	shalt  }
0x53: {  	_ =	shalt  }
0x54: {  	_ =	shalt  }
0x55: {  	_ =	shalt  }
0x56: {  	_ =	shalt  }
0x57: {  	_ =	shalt  }
0x58: {  	_ =	shalt  }
0x59: {  	_ =	shalt  }
0x5a: {  	_ =	shalt  }
0x5b: {  	_ =	shalt  }
0x5c: {  	_ =	shalt  }
0x5d: {  	_ =	shalt  }
0x5e: {  	_ =	shalt  }
0x5f: {  	_ =	shalt  }
0x60: {  	_ =	shalt  }
0x61: {  	_ =	shalt  }
0x62: {  	_ =	shalt  }
0x63: {  	_ =	shalt  }
0x64: {  	_ =	shalt  }
0x65: {  	_ =	shalt  }
0x66: {  	_ =	shalt  }
0x67: {  	_ =	shalt  }
0x68: {  	_ =	shalt  }
0x69: {  	_ =	shalt  }
0x6a: {  	_ =	shalt  }
0x6b: {  	_ =	shalt  }
0x6c: {  	_ =	shalt  }
0x6d: {  	_ =	shalt  }
0x6e: {  	_ =	shalt  }
0x6f: {  	_ =	shalt  }
0x70: {  	_ =	shalt  }
0x71: {  	_ =	shalt  }
0x72: {  	_ =	shalt  }
0x73: {  	_ =	shalt  }
0x74: {  	_ =	shalt  }
0x75: {  	_ =	shalt  }
0x76: {  	_ =	shalt  }
0x77: {  	_ =	shalt  }
0x78: {  	_ =	shalt  }
0x79: {  	_ =	shalt  }
0x7a: {  	_ =	shalt  }
0x7b: {  	_ =	shalt  }
0x7c: {  	_ =	shalt  }
0x7d: {  	_ =	shalt  }
0x7e: {  	_ =	shalt  }
0x7f: {  	_ =	shalt  }
0x80: {  	_ =	shalt  }
0x81: {  	_ =	shalt  }
0x82: {  	_ =	shalt  }
0x83: {  	_ =	shalt  }
0x84: {  	_ =	shalt  }
0x85: {  	_ =	shalt  }
0x86: {  	_ =	shalt  }
0x87: {  	_ =	shalt  }
.Lfunc_end0:
.L_simem_size_0:
called_computation.1_lowered:
.L_overlay_start_0:
0x88: {  	s2 =	sld [smem:$0x3FD9]  }
0x89: {  	s3 =	sld [smem:$0x3FFE];
	_ =	sdelay $0x1  }
0x8a: {  	s1 =	srdreg.scid  }
0x8b: {  	s0 =	sand.u32 $0x1, s1  }
0x8c: {  	s17 =	sshll.u32 s0, $0xA;
	s2 =	sadd.s32 s3, s2  }
0x8d: {  	s2 =	sadd.s32 s2, s17  }
0x8e: {  	[smem:$0x3FC2] =	sst s2  }
0x8f: {  	_ = 	snop  }
0x90: {  	s2 =	sld [smem:$0x3FD0];
	(tm) =	ssettm $0x1  }
0x91: {  	s18 =	sld [smem:$0x3FFB];
	_ =	sdelay $0x3  }
0x92: {  	_ =	strace s18  }
0x93: {  	s3 =	sld [smem:$0x3FFC];
	_ =	sdelay $0x3  }
0x94: {  	_ =	strace s3  }
0x95: {  	s3 =	sld [smem:$0x3FFD];
	_ =	sdelay $0x3  }
0x96: {  	_ =	strace s3  }
0x97: {  	_ =	strace $0x8FFFFFFF  }
0x98: {  	s19 =	sld [smem:$0x3FDB];
	_ =	sdelay $0x1  }
0x99: {  	s4 =	simm.s32 $_scs_section_size  }
0x9a: {  	s5 =	simm.s32 $_size__tile_overlayer_lowered;
	s6 =	simm.s32 $_tile_overlayer_lowered  }
0x9b: {  	s22 =	simm.s32 $0x1BFF;
	s21 =	sshll.u32 s6, $0x1;
	s3 =	sadd.s32 s4, s19  }
0x9c: {  	s7 =	simm.s32 $0x0;
	s20 =	sshll.u32 s5, $0x1;
	s5 =	sadd.s32 s21, s3  }
0x9d: {  	[timem:s7], [sflag:s22] =	dma.local [hbm:s5], s20  }
0x9e: {  	_ =	swait.ge [sflag:s22], s20  }
0x9f: {  	s4 =	ssub.s32 $0x0, s20;
	[sflag:s22] =	ssyncset.done $0x0  }
0xa0: {  	[sflag:s22] =	ssyncadd.s32 s4;
	_ =	sdelay $0x1  }
0xa1: {  	s23 =	simm.s32 $0x1B8B  }
0xa2: {  	_ =	swait.ge [sflag:s23], $0x1  }
0xa3: {  	[sflag:s23] =	ssyncset.done $0x0  }
0xa4: {  	s25 =	simm.s32 $0x1B8E;
	s24 =	sld [smem:$0x3FFE];
	[sflag:s23] =	ssyncadd.s32 $0xFFFFFFFF  }
0xa5: {  	s26 =	simm.s32 $execute0_lowered;
	[smem:$0x3FD2] =	sst s25  }
0xa6: {  	s5 =	sshll.u32 s26, $0x1;
	_ =	strace $0x80000049;
	[dreg:$0x1] =	wrdreg $0xFFFFFFFF  }
0xa7: {  	s28 =	simm.s32 $_size_execute0_lowered;
	s3 =	sadd.s32 s3, s5;
	[dreg:$0x0] =	wrdreg $0x0  }
0xa8: {  	s5 =	sshll.u32 s28, $0x1;
	[dreg:$0x2] =	wrdreg s3  }
0xa9: {  	[dreg:$0x3] =	wrdreg s5  }
0xaa: {  	[dreg:$0x4] =	wrdreg $0xC0  }
0xab: {  	_ =	task [dreg:s7], $0x5FFFF  }
0xac: {  	[dreg:$0x1] =	wrdreg $0xFFFFFFFF  }
0xad: {  	[dreg:$0x0] =	wrdreg $0x60  }
0xae: {  	[dreg:$0x2] =	wrdreg s24  }
0xaf: {  	[dreg:$0x3] =	wrdreg s2  }
0xb0: {  	[dreg:$0x4] =	wrdreg $0x9  }
0xb1: {  	_ =	task.clear_ibuf [dreg:s7], $0x5FFFF;
	_ =	strace $0x90000049  }
0xb2: {  	s29 =	simm.s32 $0x9;
	_ =	strace $0x8000004B  }
0xb3: {  	_ =	swait.ge [sflag:s29], $0x1  }
0xb4: {  	[sflag:s29] =	ssyncadd.s32 $0xFFFFFFFF  }
0xb5: {  	_ =	strace $0x9000004B  }
0xb6: {  	_ =	sfence  }
0xb7: {  	s30 =	sld [smem:$0x0];
	_ =	sdelay $0x2  }
0xb8: {  	s31 =	sshll.u32 s1, $0xD;
	s1 =	sshrl.u32 s1, $0x2  }
0xb9: {  	s3 =	sand.u32 $0x4000, s31;
	s1 =	sadd.s32 s1, s30  }
0xba: {  	s0 =	sor.u32 s3, s0;
	s1 =	sshll.u32 s1, $0x11  }
0xbb: {  	s0 =	sor.u32 s1, s0  }
0xbc: {  	s0 =	sadd.s32 $0x8F2B, s0  }
0xbd: {  	[sflag:s0] =	ssyncadd.remote.s32 $0x1  }
0xbe: {  	_ =	sfence.sel $0xFFFF  }
0xbf: {  	[dreg:$0x0] =	wrdreg $0xFFFFFFFF;
	(pc) =	sbr.abs _section_cstart, $3  }
0xc0: {  	[dreg:$0x1] =	wrdreg $0xFFFFFFFF  }
0xc1: {  	_ =	task.clear_ibuf [dreg:s7], $0x2FFFF;
	_ =	strace $0x9FFFFFFF  }
0xc2: {  	(tm) =	ssettm $0x7FFFFFFF  }
0xc3: {  	_ =	shalt  }
tec
execute0_lowered:
.L_overlay_start_1:
0x0: {  	(tag) =	ssettag $0x1  }
0x1: {  	s8 =	rddreg [dreg:$0x0]  }
0x2: {  	s2 =	rddreg [dreg:$0x1]  }
0x3: {  	s0 =	rddreg [dreg:$0x2];
	s4 =	srdreg.scid  }
0x4: {  	s1 =	stileid.u32;
	s3 =	simm.s32 $0x0;
	s11 =	simm.s32 $0x1CA00  }
0x5: {  	s13 =	simm.s32 $0x1C800;
	s14 =	simm.s32 $0x0;
	s7 =	sand.u32 $0x1, s4  }
0x6: {  	s30 =	sshll.u32 s1, $0x1;
	[smem:$0x7FF] =	sst s3;
	s5 =	sadd.s32 $0x4E3A00, s8  }
.Ltmp0:
0x7: {  	s6 =	sadd.s32 $0x4E3800, s8;
	s4 =	sor.u32 s7, s30;
	(pc) =	sbr.rel .LBB2_1-.Ltmp0, $4  }
0x8: {  	_ =	strace $0x8000004A;
	s10 =	ssub.s32 $0x2, s7;
	s9 =	smul.u32 $0x2800, s4  }
0x9: {  	s7 =	sadd.s32 $0x1800, s8;
	s31 =	sshrl.u32 s10, $0x1;
	s12 =	smul.u32 $0x140, s4  }
0xa: {  	s8 =	sadd.s32 s9, s8;
	s9 =	ssub.s32 s10, s31;
	s10 =	simm.s32 $0x1  }
0xb: {  	v1 =	vlaneseq.u32;
	v0 =	vmov s12;
	s12 =	simm.s32 $0x14800;
	s8 =	sadd.s32 $0x4200, s8;
	s9 =	smax.u32 s9, $0x1  }
.LBB2_5:
0xc: {  	s14 =	sadd.s32 $0x1, s14  }
0xd: {  	p0 =	sne.s32 s14, s9  }
.Ltmp1:
0xe: {  	_ = 	snop;
	(pc) =	sbr.rel @!p0 .LBB2_6-.Ltmp1, $4  }
0xf: {  	[hbm4b:s8+s3] =	stream.linear.scatter [tilespmem:s3], [sflag:$0x1], $0x14000, $0x38;
	[tilespmem:$0x1CA80] =	vst v63  }
0x10: {  	_ =	swait.ge [sflag:s10], $0x14000  }
0x11: {  	[sflag:s10] =	ssyncset.done $0x0  }
0x12: {  	[sflag:s10] =	ssyncadd.s32 $0xFFFEC000  }
.LBB2_1:
0x13: {  	[tilespmem:s3], [sflag:$0x1] =	stream.linear.gather [hbm4b:s7+s3], $0x14800, $0x38;
	[tilespmem:$0x1CA80] =	vst v63  }
0x14: {  	_ =	swait.ge [sflag:s10], $0x14800  }
0x15: {  	[sflag:s10] =	ssyncset.done $0x0  }
0x16: {  	[sflag:s10] =	ssyncadd.s32 $0xFFFEB800  }
0x17: {  	[tilespmem:s11], [sflag:$0x1] =	stream.linear.gather [hbm4b:s6+s3], $0x80, $0x38;
	[tilespmem:$0x1CA80] =	vst v63  }
0x18: {  	_ =	swait.ge [sflag:s10], $0x80  }
0x19: {  	[sflag:s10] =	ssyncset.done $0x0  }
0x1a: {  	[sflag:s10] =	ssyncadd.s32 $0xFFFFFF80  }
0x1b: {  	v2 =	vld [tilespmem:s4+$0x1CA00];
	_ =	sdelay $0x4  }
0x1c: {  	(v2sf) =	vpush v2, $0x0;
	_ =	sdelay $0x1  }
0x1d: {  	(v2sf) =	vpush v2, $0x1;
	_ =	sdelay $0xc  }
0x1e: {  	s18 =	simm.s32 $0x1;
	s15 =	spop (v2sf)  }
0x1f: {  	s16 =	sand.u32 $0x7F, s15;
	s17 =	sshra.s32 s15, $0x1F;
	p0 =	slt.s32 s15, $0x1  }
0x20: {  	s25 =	spop (v2sf);
	p1 =	sne.s32 s16, $0x0;
	s17 =	sshrl.u32 s17, $0x19  }
0x21: {  	s16 =	sadd.s32 $0xF, s25;
	p0 =	por !p0, !p1;
	s15 =	sadd.s32 s17, s15  }
0x22: {  	s26 =	sand.u32 $0xF, s16;
	s28 =	sshra.s32 s16, $0x1F;
	p4 =	slt.s32 s16, $0x1  }
0x23: {  	p0 =	por !p0, !p0;
	p3 =	sne.s32 s26, $0x0;
	s15 =	sshra.s32 s15, $0x7  }
0x24: {  	s17 =	sshrl.u32 s28, $0x1C;
	s18 =	simm.s32 @!p0 $0x0;
	p0 =	por !p4, !p3  }
0x25: {  	s16 =	sadd.s32 s17, s16;
	s17 =	simm.s32 $0x1;
	p0 =	por !p0, !p0  }
0x26: {  	s15 =	ssub.s32 s15, s18;
	s16 =	sshra.s32 s16, $0x4;
	s17 =	simm.s32 @!p0 $0x0  }
0x27: {  	s29 =	sshll.u32 s15, $0x3;
	s16 =	ssub.s32 s16, s17  }
0x28: {  	s16 =	ssub.s32 s16, s29  }
0x29: {  	s17 =	sadd.s32 $0x7, s16  }
0x2a: {  	s30 =	sand.u32 $0x7, s17  }
0x2b: {  	p5 =	slt.s32 s16, $0xFFFFFFFA;
	s31 =	sshra.s32 s17, $0x1F;
	p6 =	sne.s32 s30, $0x0  }
0x2c: {  	s16 =	sshrl.u32 s31, $0x1D;
	p0 =	por !p5, !p6  }
0x2d: {  	s16 =	sadd.s32 s16, s17;
	s17 =	simm.s32 $0x1;
	p0 =	por !p0, !p0  }
0x2e: {  	s16 =	sshra.s32 s16, $0x3;
	s17 =	simm.s32 @!p0 $0x0  }
0x2f: {  	s16 =	ssub.s32 s16, s17  }
0x30: {  	p0 =	slt.s32 s16, $0x1  }
.Ltmp2:
0x31: {  	_ = 	snop;
	(pc) =	sbr.rel @p0 .LBB2_5-.Ltmp2, $2  }
0x32: {  	_ =	sdelay $0x2  }
0x33: {  	s19 =	simm.s32 $0x0;
	s17 =	simm.s32 $0x0  }
.LBB2_2:
0x34: {  	s18 =	sadd.s32 s15, s17  }
0x35: {  	s18 =	sshll.u32 s18, $0x3  }
0x36: {  	p0 =	slt.s32 s18, $0x2708  }
0x37: {  	s18 =	simm.s32 @!p0 $0x2708  }
0x38: {  	s20 =	sshll.u32 s18, $0x9  }
0x39: {  	s20 =	sand.u32 $0x1FFFF000, s20  }
0x3a: {  	s20 =	sadd.s32 s5, s20  }
0x3b: {  	[tilespmem:s12], [sflag:$0x1] =	stream.linear.gather [hbm4b:s20+s3], $0x8000, $0x38;
	[tilespmem:$0x1CA80] =	vst v63  }
0x3c: {  	s18 =	sshll.u32 s18, $0x4;
	_ =	swait.ge [sflag:s10], $0x8000  }
0x3d: {  	s21 =	sshrl.u32 s18, $0x3;
	[sflag:s10] =	ssyncset.done $0x0  }
0x3e: {  	s20 =	sadd.s32 s2, s21;
	[sflag:s10] =	ssyncadd.s32 $0xFFFF8000  }
0x3f: {  	[tilespmem:s13], [sflag:$0x1] =	stream.linear.gather [hbm4b:s20+s3], $0x90, $0x38;
	[tilespmem:$0x1CA80] =	vst v63  }
0x40: {  	_ =	swait.ge [sflag:s10], $0x90  }
0x41: {  	[sflag:s10] =	ssyncset.done $0x0  }
0x42: {  	[sflag:s10] =	ssyncadd.s32 $0xFFFFFF70  }
0x43: {  	v2 =	vld [tilespmem:$0x1C800]  }
0x44: {  	v3 =	vld [tilespmem:$0x1C810]  }
0x45: {  	v5 =	vor.u32 s18, v1;
	s22 =	sor.u32 $0x10, s18;
	v4 =	vld [tilespmem:$0x1C820]  }
0x46: {  	vm0 =	vlt.s32 v5, s19;
	v5 =	vor.u32 s22, v1;
	v6 =	vld [tilespmem:$0x1C830]  }
0x47: {  	vm9 =	vlt.s32 v5, s19;
	v5 =	vld [tilespmem:$0x1C840]  }
0x48: {  	s23 =	sor.u32 $0x20, s18;
	v8 =	vld [tilespmem:$0x1C850]  }
0x49: {  	s24 =	sor.u32 $0x30, s18;
	s25 =	sor.u32 $0x40, s18;
	v7 =	vor.u32 s23, v1  }
0x4a: {  	v9 =	vor.u32 s25, v1;
	vm10 =	vlt.s32 v7, s19;
	v7 =	vor.u32 s24, v1  }
0x4b: {  	vm12 =	vlt.s32 v9, s19;
	vm11 =	vlt.s32 v7, s19;
	v2 =	vsub.s32 v2, v0  }
0x4c: {  	v3 =	vsub.s32 v3, v0;
	v4 =	vsub.s32 v4, v0;
	v6 =	vsub.s32 v6, v0  }
0x4d: {  	v5 =	vsub.s32 v5, v0;
	v8 =	vsub.s32 v8, v0;
	v2 =	vmin.u32 v2, $0x140  }
0x4e: {  	v3 =	vmin.u32 v3, $0x140;
	v4 =	vmin.u32 v4, $0x140;
	v6 =	vmin.u32 v6, $0x140  }
0x4f: {  	v7 =	vld [tilespmem:$0x1C860];
	v5 =	vmin.u32 v5, $0x140;
	v8 =	vmin.u32 v8, $0x140;
	v2 =	vshll.u32 v2, $0x8  }
0x50: {  	v10 =	vld [tilespmem:$0x1C870];
	v3 =	vshll.u32 v3, $0x8;
	v4 =	vshll.u32 v4, $0x8;
	v2 =	vsel vm0, $0x14000, v2  }
0x51: {  	s26 =	sor.u32 $0x50, s18;
	v6 =	vshll.u32 v6, $0x8;
	v3 =	vsel vm9, $0x14000, v3;
	v4 =	vsel vm10, $0x14000, v4;
	[tilespmem:$0x1C900] =	vst v2  }
0x52: {  	s29 =	sor.u32 $0x60, s18;
	v6 =	vsel vm11, $0x14000, v6;
	v2 =	vshll.u32 v5, $0x8;
	v5 =	vor.u32 s26, v1;
	[tilespmem:$0x1C910] =	vst v3  }
0x53: {  	v3 =	vshll.u32 v8, $0x8;
	[tilespmem:$0x1C920] =	vst v4;
	v4 =	vor.u32 s29, v1;
	v2 =	vsel vm12, $0x14000, v2  }
0x54: {  	vm13 =	vlt.s32 v5, s19;
	v5 =	vsub.s32 v7, v0;
	vm14 =	vlt.s32 v4, s19  }
0x55: {  	s30 =	sor.u32 $0x70, s18;
	[tilespmem:$0x1C930] =	vst v6;
	v3 =	vsel vm13, $0x14000, v3;
	v4 =	vmin.u32 v5, $0x140;
	v5 =	vsub.s32 v10, v0  }
0x56: {  	[tilespmem:$0x1C940] =	vst v2;
	v2 =	vshll.u32 v4, $0x8;
	v4 =	vor.u32 s30, v1;
	v5 =	vmin.u32 v5, $0x140  }
0x57: {  	[tilespmem:$0x1C950] =	vst v3;
	v2 =	vsel vm14, $0x14000, v2;
	vm15 =	vlt.s32 v4, s19;
	v3 =	vshll.u32 v5, $0x8  }
0x58: {  	[tilespmem:$0x1C960] =	vst v2;
	v2 =	vsel vm15, $0x14000, v3  }
0x59: {  	s31 =	simm.s32 $0x1C902;
	[tilespmem:$0x1C970] =	vst v2  }
0x5a: {  	v2 =	vld [tilespmem:s31+$0x1];
	_ =	sdelay $0x1  }
0x5b: {  	v3 =	vld [tilespmem:s31+$0xFFFFFFFF]  }
0x5c: {  	v4 =	vld [tilespmem:s31+$0x0]  }
0x5d: {  	v5 =	vld [tilespmem:s31+$0xFFFFFFFE]  }
0x5e: {  	(v2sf) =	vpush v2, $0x0;
	_ =	sdelay $0x1  }
0x5f: {  	(v2sf) =	vpush v3, $0x0  }
0x60: {  	(v2sf) =	vpush v4, $0x0  }
0x61: {  	(v2sf) =	vpush v5, $0x0;
	_ =	sdelay $0x5  }
0x62: {  	s25 =	simm.s32 $0x14A00  }
0x63: {  	v2 =	vld [tilespmem:s25+$0x100];
	_ =	sdelay $0x1  }
0x64: {  	v3 =	vld [tilespmem:s25+$0xFFFFFF00]  }
0x65: {  	v5 =	vld [tilespmem:s25+$0x0]  }
0x66: {  	v4 =	vld [tilespmem:s25+$0xFFFFFE00];
	s21 =	spop (v2sf)  }
0x67: {  	[tilespmem:s21+$0x0] =	vst.add.f32.msk $0xffff, v2  }
0x68: {  	s19 =	spop (v2sf);
	v2 =	vld [tilespmem:s25+$0x110]  }
0x69: {  	s20 =	spop (v2sf);
	[tilespmem:s19+$0x0] =	vst.add.f32.msk $0xffff, v3  }
0x6a: {  	s26 =	spop (v2sf);
	[tilespmem:s20+$0x0] =	vst.add.f32.msk $0xffff, v5  }
0x6b: {  	[tilespmem:s26+$0x0] =	vst.add.f32.msk $0xffff, v4  }
0x6c: {  	v4 =	vld [tilespmem:s25+$0xFFFFFF10]  }
0x6d: {  	v5 =	vld [tilespmem:s25+$0x10]  }
0x6e: {  	v3 =	vld [tilespmem:s25+$0xFFFFFE10]  }
0x6f: {  	[tilespmem:s21+$0x10] =	vst.add.f32.msk $0xffff, v2  }
0x70: {  	v2 =	vld [tilespmem:s25+$0x120]  }
0x71: {  	[tilespmem:s19+$0x10] =	vst.add.f32.msk $0xffff, v4  }
0x72: {  	[tilespmem:s20+$0x10] =	vst.add.f32.msk $0xffff, v5  }
0x73: {  	[tilespmem:s26+$0x10] =	vst.add.f32.msk $0xffff, v3  }
0x74: {  	v4 =	vld [tilespmem:s25+$0xFFFFFF20]  }
0x75: {  	v5 =	vld [tilespmem:s25+$0x20]  }
0x76: {  	v3 =	vld [tilespmem:s25+$0xFFFFFE20]  }
0x77: {  	[tilespmem:s21+$0x20] =	vst.add.f32.msk $0xffff, v2  }
0x78: {  	v2 =	vld [tilespmem:s25+$0x130]  }
0x79: {  	[tilespmem:s19+$0x20] =	vst.add.f32.msk $0xffff, v4  }
0x7a: {  	[tilespmem:s20+$0x20] =	vst.add.f32.msk $0xffff, v5  }
0x7b: {  	[tilespmem:s26+$0x20] =	vst.add.f32.msk $0xffff, v3  }
0x7c: {  	v4 =	vld [tilespmem:s25+$0xFFFFFF30]  }
0x7d: {  	v5 =	vld [tilespmem:s25+$0x30]  }
0x7e: {  	v3 =	vld [tilespmem:s25+$0xFFFFFE30]  }
0x7f: {  	[tilespmem:s21+$0x30] =	vst.add.f32.msk $0xffff, v2  }
0x80: {  	v2 =	vld [tilespmem:s25+$0x140]  }
0x81: {  	[tilespmem:s19+$0x30] =	vst.add.f32.msk $0xffff, v4  }
0x82: {  	[tilespmem:s20+$0x30] =	vst.add.f32.msk $0xffff, v5  }
0x83: {  	[tilespmem:s26+$0x30] =	vst.add.f32.msk $0xffff, v3  }
0x84: {  	v4 =	vld [tilespmem:s25+$0xFFFFFF40]  }
0x85: {  	v5 =	vld [tilespmem:s25+$0x40]  }
0x86: {  	v3 =	vld [tilespmem:s25+$0xFFFFFE40]  }
0x87: {  	[tilespmem:s21+$0x40] =	vst.add.f32.msk $0xffff, v2  }
0x88: {  	v2 =	vld [tilespmem:s25+$0x150]  }
0x89: {  	[tilespmem:s19+$0x40] =	vst.add.f32.msk $0xffff, v4  }
0x8a: {  	[tilespmem:s20+$0x40] =	vst.add.f32.msk $0xffff, v5  }
0x8b: {  	[tilespmem:s26+$0x40] =	vst.add.f32.msk $0xffff, v3  }
0x8c: {  	v4 =	vld [tilespmem:s25+$0xFFFFFF50]  }
0x8d: {  	v5 =	vld [tilespmem:s25+$0x50]  }
0x8e: {  	v3 =	vld [tilespmem:s25+$0xFFFFFE50]  }
0x8f: {  	[tilespmem:s21+$0x50] =	vst.add.f32.msk $0xffff, v2  }
0x90: {  	v2 =	vld [tilespmem:s25+$0x160]  }
0x91: {  	[tilespmem:s19+$0x50] =	vst.add.f32.msk $0xffff, v4  }
0x92: {  	[tilespmem:s20+$0x50] =	vst.add.f32.msk $0xffff, v5  }
0x93: {  	[tilespmem:s26+$0x50] =	vst.add.f32.msk $0xffff, v3  }
0x94: {  	v4 =	vld [tilespmem:s25+$0xFFFFFF60]  }
0x95: {  	v5 =	vld [tilespmem:s25+$0x60]  }
0x96: {  	v3 =	vld [tilespmem:s25+$0xFFFFFE60]  }
0x97: {  	[tilespmem:s21+$0x60] =	vst.add.f32.msk $0xffff, v2  }
0x98: {  	v2 =	vld [tilespmem:s25+$0x170]  }
0x99: {  	[tilespmem:s19+$0x60] =	vst.add.f32.msk $0xffff, v4  }
0x9a: {  	[tilespmem:s20+$0x60] =	vst.add.f32.msk $0xffff, v5  }
0x9b: {  	[tilespmem:s26+$0x60] =	vst.add.f32.msk $0xffff, v3  }
0x9c: {  	v4 =	vld [tilespmem:s25+$0xFFFFFF70]  }
0x9d: {  	v5 =	vld [tilespmem:s25+$0x70]  }
0x9e: {  	v3 =	vld [tilespmem:s25+$0xFFFFFE70]  }
0x9f: {  	[tilespmem:s21+$0x70] =	vst.add.f32.msk $0xffff, v2  }
0xa0: {  	v2 =	vld [tilespmem:s25+$0x180]  }
0xa1: {  	[tilespmem:s19+$0x70] =	vst.add.f32.msk $0xffff, v4  }
0xa2: {  	[tilespmem:s20+$0x70] =	vst.add.f32.msk $0xffff, v5  }
0xa3: {  	[tilespmem:s26+$0x70] =	vst.add.f32.msk $0xffff, v3  }
0xa4: {  	v4 =	vld [tilespmem:s25+$0xFFFFFF80]  }
0xa5: {  	v3 =	vld [tilespmem:s25+$0xFFFFFE80]  }
0xa6: {  	[tilespmem:s21+$0x80] =	vst.add.f32.msk $0xffff, v2  }
0xa7: {  	v2 =	vld [tilespmem:s25+$0x190]  }
0xa8: {  	v5 =	vld [tilespmem:s25+$0x80]  }
0xa9: {  	[tilespmem:s19+$0x80] =	vst.add.f32.msk $0xffff, v4  }
0xaa: {  	[tilespmem:s26+$0x80] =	vst.add.f32.msk $0xffff, v3  }
0xab: {  	v3 =	vld [tilespmem:s25+$0xFFFFFF90]  }
0xac: {  	[tilespmem:s21+$0x90] =	vst.add.f32.msk $0xffff, v2  }
0xad: {  	v2 =	vld [tilespmem:s25+$0x1A0]  }
0xae: {  	[tilespmem:s20+$0x80] =	vst.add.f32.msk $0xffff, v5  }
0xaf: {  	v4 =	vld [tilespmem:s25+$0x90];
	_ =	sdelay $0x1  }
0xb0: {  	[tilespmem:s19+$0x90] =	vst.add.f32.msk $0xffff, v3  }
0xb1: {  	[tilespmem:s21+$0xA0] =	vst.add.f32.msk $0xffff, v2  }
0xb2: {  	v2 =	vld [tilespmem:s25+$0x1B0]  }
0xb3: {  	[tilespmem:s20+$0x90] =	vst.add.f32.msk $0xffff, v4  }
0xb4: {  	v3 =	vld [tilespmem:s25+$0xFFFFFFA0]  }
0xb5: {  	v4 =	vld [tilespmem:s25+$0xA0];
	_ =	sdelay $0x1  }
0xb6: {  	[tilespmem:s21+$0xB0] =	vst.add.f32.msk $0xffff, v2  }
0xb7: {  	v2 =	vld [tilespmem:s25+$0x1C0]  }
0xb8: {  	[tilespmem:s19+$0xA0] =	vst.add.f32.msk $0xffff, v3  }
0xb9: {  	[tilespmem:s20+$0xA0] =	vst.add.f32.msk $0xffff, v4  }
0xba: {  	v3 =	vld [tilespmem:s25+$0xFFFFFFB0]  }
0xbb: {  	v4 =	vld [tilespmem:s25+$0xB0]  }
0xbc: {  	[tilespmem:s21+$0xC0] =	vst.add.f32.msk $0xffff, v2  }
0xbd: {  	s22 =	simm.s32 $0x1C906;
	v2 =	vld [tilespmem:s25+$0xFFFFFE90]  }
0xbe: {  	v6 =	vld [tilespmem:s22+$0xFFFFFFFF]  }
0xbf: {  	[tilespmem:s19+$0xB0] =	vst.add.f32.msk $0xffff, v3  }
0xc0: {  	[tilespmem:s20+$0xB0] =	vst.add.f32.msk $0xffff, v4  }
0xc1: {  	v5 =	vld [tilespmem:s25+$0x1D0]  }
0xc2: {  	[tilespmem:s26+$0x90] =	vst.add.f32.msk $0xffff, v2  }
0xc3: {  	v2 =	vld [tilespmem:s25+$0xFFFFFEA0]  }
0xc4: {  	v3 =	vld [tilespmem:s25+$0xFFFFFFC0]  }
0xc5: {  	v4 =	vld [tilespmem:s25+$0xC0]  }
0xc6: {  	[tilespmem:s21+$0xD0] =	vst.add.f32.msk $0xffff, v5  }
0xc7: {  	v5 =	vld [tilespmem:s25+$0x1E0]  }
0xc8: {  	[tilespmem:s26+$0xA0] =	vst.add.f32.msk $0xffff, v2  }
0xc9: {  	v2 =	vld [tilespmem:s25+$0xFFFFFEB0]  }
0xca: {  	v7 =	vld [tilespmem:s22+$0x0]  }
0xcb: {  	[tilespmem:s19+$0xC0] =	vst.add.f32.msk $0xffff, v3  }
0xcc: {  	[tilespmem:s20+$0xC0] =	vst.add.f32.msk $0xffff, v4  }
0xcd: {  	[tilespmem:s21+$0xE0] =	vst.add.f32.msk $0xffff, v5  }
0xce: {  	[tilespmem:s26+$0xB0] =	vst.add.f32.msk $0xffff, v2  }
0xcf: {  	v2 =	vld [tilespmem:s25+$0xFFFFFEC0]  }
0xd0: {  	v5 =	vld [tilespmem:s22+$0x1]  }
0xd1: {  	v3 =	vld [tilespmem:s25+$0xFFFFFFD0]  }
0xd2: {  	v4 =	vld [tilespmem:s25+$0xD0]  }
0xd3: {  	v8 =	vld [tilespmem:s22+$0xFFFFFFFE]  }
0xd4: {  	[tilespmem:s26+$0xC0] =	vst.add.f32.msk $0xffff, v2  }
0xd5: {  	(v2sf) =	vpush v5, $0x0;
	v2 =	vld [tilespmem:s25+$0xFFFFFED0]  }
0xd6: {  	[tilespmem:s19+$0xD0] =	vst.add.f32.msk $0xffff, v3;
	(v2sf) =	vpush v6, $0x0  }
0xd7: {  	[tilespmem:s20+$0xD0] =	vst.add.f32.msk $0xffff, v4;
	(v2sf) =	vpush v7, $0x0  }
0xd8: {  	v4 =	vld [tilespmem:s25+$0xFFFFFFE0];
	(v2sf) =	vpush v8, $0x0  }
0xd9: {  	v5 =	vld [tilespmem:s25+$0xE0]  }
0xda: {  	[tilespmem:s26+$0xD0] =	vst.add.f32.msk $0xffff, v2  }
0xdb: {  	v2 =	vld [tilespmem:s25+$0x1F0];
	_ =	sdelay $0x1  }
0xdc: {  	[tilespmem:s19+$0xE0] =	vst.add.f32.msk $0xffff, v4  }
0xdd: {  	[tilespmem:s20+$0xE0] =	vst.add.f32.msk $0xffff, v5  }
0xde: {  	v3 =	vld [tilespmem:s25+$0xFFFFFEE0]  }
0xdf: {  	[tilespmem:s21+$0xF0] =	vst.add.f32.msk $0xffff, v2;
	s21 =	simm.s32 $0x14E00  }
0xe0: {  	v4 =	vld [tilespmem:s21+$0x100]  }
0xe1: {  	v6 =	vld [tilespmem:s21+$0xFFFFFF00]  }
0xe2: {  	v5 =	vld [tilespmem:s21+$0xFFFFFE00]  }
0xe3: {  	s28 =	spop (v2sf);
	[tilespmem:s26+$0xE0] =	vst.add.f32.msk $0xffff, v3  }
0xe4: {  	s23 =	spop (v2sf);
	v7 =	vld [tilespmem:s21+$0x0]  }
0xe5: {  	s24 =	spop (v2sf);
	[tilespmem:s28+$0x0] =	vst.add.f32.msk $0xffff, v4  }
0xe6: {  	s22 =	spop (v2sf);
	[tilespmem:s23+$0x0] =	vst.add.f32.msk $0xffff, v6  }
0xe7: {  	[tilespmem:s22+$0x0] =	vst.add.f32.msk $0xffff, v5  }
0xe8: {  	v4 =	vld [tilespmem:s21+$0x110]  }
0xe9: {  	v5 =	vld [tilespmem:s21+$0xFFFFFE10]  }
0xea: {  	v6 =	vld [tilespmem:s21+$0xFFFFFF10]  }
0xeb: {  	[tilespmem:s24+$0x0] =	vst.add.f32.msk $0xffff, v7  }
0xec: {  	v7 =	vld [tilespmem:s21+$0x10]  }
0xed: {  	[tilespmem:s28+$0x10] =	vst.add.f32.msk $0xffff, v4  }
0xee: {  	[tilespmem:s22+$0x10] =	vst.add.f32.msk $0xffff, v5  }
0xef: {  	[tilespmem:s23+$0x10] =	vst.add.f32.msk $0xffff, v6  }
0xf0: {  	v4 =	vld [tilespmem:s21+$0x120]  }
0xf1: {  	v5 =	vld [tilespmem:s21+$0xFFFFFE20]  }
0xf2: {  	v6 =	vld [tilespmem:s21+$0xFFFFFF20]  }
0xf3: {  	[tilespmem:s24+$0x10] =	vst.add.f32.msk $0xffff, v7  }
0xf4: {  	v7 =	vld [tilespmem:s21+$0x20]  }
0xf5: {  	[tilespmem:s28+$0x20] =	vst.add.f32.msk $0xffff, v4  }
0xf6: {  	[tilespmem:s22+$0x20] =	vst.add.f32.msk $0xffff, v5  }
0xf7: {  	[tilespmem:s23+$0x20] =	vst.add.f32.msk $0xffff, v6  }
0xf8: {  	v4 =	vld [tilespmem:s21+$0x130]  }
0xf9: {  	v5 =	vld [tilespmem:s21+$0xFFFFFE30]  }
0xfa: {  	v6 =	vld [tilespmem:s21+$0xFFFFFF30]  }
0xfb: {  	[tilespmem:s24+$0x20] =	vst.add.f32.msk $0xffff, v7  }
0xfc: {  	v7 =	vld [tilespmem:s21+$0x30]  }
0xfd: {  	[tilespmem:s28+$0x30] =	vst.add.f32.msk $0xffff, v4  }
0xfe: {  	[tilespmem:s22+$0x30] =	vst.add.f32.msk $0xffff, v5  }
0xff: {  	[tilespmem:s23+$0x30] =	vst.add.f32.msk $0xffff, v6  }
0x100: {  	v4 =	vld [tilespmem:s21+$0x140]  }
0x101: {  	v5 =	vld [tilespmem:s21+$0xFFFFFE40]  }
0x102: {  	[tilespmem:s24+$0x30] =	vst.add.f32.msk $0xffff, v7  }
0x103: {  	v6 =	vld [tilespmem:s21+$0xFFFFFF40]  }
0x104: {  	v7 =	vld [tilespmem:s21+$0x40]  }
0x105: {  	[tilespmem:s28+$0x40] =	vst.add.f32.msk $0xffff, v4  }
0x106: {  	[tilespmem:s22+$0x40] =	vst.add.f32.msk $0xffff, v5  }
0x107: {  	v4 =	vld [tilespmem:s21+$0x150]  }
0x108: {  	[tilespmem:s23+$0x40] =	vst.add.f32.msk $0xffff, v6  }
0x109: {  	[tilespmem:s24+$0x40] =	vst.add.f32.msk $0xffff, v7  }
0x10a: {  	v5 =	vld [tilespmem:s21+$0xFFFFFE50]  }
0x10b: {  	v6 =	vld [tilespmem:s21+$0xFFFFFF50]  }
0x10c: {  	[tilespmem:s28+$0x50] =	vst.add.f32.msk $0xffff, v4  }
0x10d: {  	v4 =	vld [tilespmem:s21+$0x160]  }
0x10e: {  	v7 =	vld [tilespmem:s21+$0x50]  }
0x10f: {  	[tilespmem:s22+$0x50] =	vst.add.f32.msk $0xffff, v5  }
0x110: {  	[tilespmem:s23+$0x50] =	vst.add.f32.msk $0xffff, v6  }
0x111: {  	v5 =	vld [tilespmem:s21+$0xFFFFFE60]  }
0x112: {  	[tilespmem:s28+$0x60] =	vst.add.f32.msk $0xffff, v4  }
0x113: {  	v4 =	vld [tilespmem:s21+$0x170]  }
0x114: {  	[tilespmem:s24+$0x50] =	vst.add.f32.msk $0xffff, v7  }
0x115: {  	v6 =	vld [tilespmem:s21+$0xFFFFFF60]  }
0x116: {  	v7 =	vld [tilespmem:s21+$0x60]  }
0x117: {  	[tilespmem:s22+$0x60] =	vst.add.f32.msk $0xffff, v5  }
0x118: {  	[tilespmem:s28+$0x70] =	vst.add.f32.msk $0xffff, v4  }
0x119: {  	v4 =	vld [tilespmem:s21+$0x180]  }
0x11a: {  	[tilespmem:s23+$0x60] =	vst.add.f32.msk $0xffff, v6  }
0x11b: {  	[tilespmem:s24+$0x60] =	vst.add.f32.msk $0xffff, v7  }
0x11c: {  	v5 =	vld [tilespmem:s21+$0xFFFFFE70]  }
0x11d: {  	v6 =	vld [tilespmem:s21+$0xFFFFFF70]  }
0x11e: {  	[tilespmem:s28+$0x80] =	vst.add.f32.msk $0xffff, v4  }
0x11f: {  	v4 =	vld [tilespmem:s21+$0x190]  }
0x120: {  	v7 =	vld [tilespmem:s21+$0x70]  }
0x121: {  	[tilespmem:s22+$0x70] =	vst.add.f32.msk $0xffff, v5  }
0x122: {  	[tilespmem:s23+$0x70] =	vst.add.f32.msk $0xffff, v6  }
0x123: {  	v5 =	vld [tilespmem:s21+$0xFFFFFE80]  }
0x124: {  	[tilespmem:s28+$0x90] =	vst.add.f32.msk $0xffff, v4  }
0x125: {  	v4 =	vld [tilespmem:s21+$0x1A0]  }
0x126: {  	[tilespmem:s24+$0x70] =	vst.add.f32.msk $0xffff, v7  }
0x127: {  	v6 =	vld [tilespmem:s21+$0xFFFFFF80]  }
0x128: {  	v7 =	vld [tilespmem:s21+$0x80]  }
0x129: {  	[tilespmem:s22+$0x80] =	vst.add.f32.msk $0xffff, v5  }
0x12a: {  	[tilespmem:s28+$0xA0] =	vst.add.f32.msk $0xffff, v4  }
0x12b: {  	v4 =	vld [tilespmem:s21+$0x1B0]  }
0x12c: {  	[tilespmem:s23+$0x80] =	vst.add.f32.msk $0xffff, v6  }
0x12d: {  	[tilespmem:s24+$0x80] =	vst.add.f32.msk $0xffff, v7  }
0x12e: {  	v5 =	vld [tilespmem:s21+$0xFFFFFE90]  }
0x12f: {  	v6 =	vld [tilespmem:s21+$0xFFFFFF90]  }
0x130: {  	[tilespmem:s28+$0xB0] =	vst.add.f32.msk $0xffff, v4  }
0x131: {  	v4 =	vld [tilespmem:s21+$0x1C0]  }
0x132: {  	v7 =	vld [tilespmem:s21+$0x90]  }
0x133: {  	[tilespmem:s22+$0x90] =	vst.add.f32.msk $0xffff, v5  }
0x134: {  	[tilespmem:s23+$0x90] =	vst.add.f32.msk $0xffff, v6  }
0x135: {  	v5 =	vld [tilespmem:s21+$0xFFFFFEA0]  }
0x136: {  	[tilespmem:s28+$0xC0] =	vst.add.f32.msk $0xffff, v4  }
0x137: {  	v4 =	vld [tilespmem:s21+$0x1D0]  }
0x138: {  	[tilespmem:s24+$0x90] =	vst.add.f32.msk $0xffff, v7  }
0x139: {  	v6 =	vld [tilespmem:s21+$0xFFFFFFA0]  }
0x13a: {  	v7 =	vld [tilespmem:s21+$0xA0]  }
0x13b: {  	[tilespmem:s22+$0xA0] =	vst.add.f32.msk $0xffff, v5  }
0x13c: {  	[tilespmem:s28+$0xD0] =	vst.add.f32.msk $0xffff, v4  }
0x13d: {  	v4 =	vld [tilespmem:s21+$0x1E0]  }
0x13e: {  	[tilespmem:s23+$0xA0] =	vst.add.f32.msk $0xffff, v6  }
0x13f: {  	[tilespmem:s24+$0xA0] =	vst.add.f32.msk $0xffff, v7  }
0x140: {  	v5 =	vld [tilespmem:s21+$0xFFFFFFB0]  }
0x141: {  	v6 =	vld [tilespmem:s21+$0xB0]  }
0x142: {  	[tilespmem:s28+$0xE0] =	vst.add.f32.msk $0xffff, v4  }
0x143: {  	v4 =	vld [tilespmem:s21+$0x1F0]  }
0x144: {  	v3 =	vld [tilespmem:s25+$0xFFFFFEF0]  }
0x145: {  	[tilespmem:s23+$0xB0] =	vst.add.f32.msk $0xffff, v5  }
0x146: {  	[tilespmem:s24+$0xB0] =	vst.add.f32.msk $0xffff, v6  }
0x147: {  	v6 =	vld [tilespmem:s21+$0xFFFFFFC0]  }
0x148: {  	[tilespmem:s28+$0xF0] =	vst.add.f32.msk $0xffff, v4  }
0x149: {  	v4 =	vld [tilespmem:s21+$0xFFFFFEB0]  }
0x14a: {  	v2 =	vld [tilespmem:s25+$0xFFFFFFF0]  }
0x14b: {  	v8 =	vld [tilespmem:s21+$0xC0]  }
0x14c: {  	[tilespmem:s26+$0xF0] =	vst.add.f32.msk $0xffff, v3  }
0x14d: {  	[tilespmem:s23+$0xC0] =	vst.add.f32.msk $0xffff, v6  }
0x14e: {  	[tilespmem:s22+$0xB0] =	vst.add.f32.msk $0xffff, v4  }
0x14f: {  	v7 =	vld [tilespmem:s21+$0xFFFFFEC0]  }
0x150: {  	[tilespmem:s24+$0xC0] =	vst.add.f32.msk $0xffff, v8  }
0x151: {  	v3 =	vld [tilespmem:s21+$0xFFFFFFD0]  }
0x152: {  	v6 =	vld [tilespmem:s21+$0xD0]  }
0x153: {  	v4 =	vld [tilespmem:s25+$0xF0]  }
0x154: {  	[tilespmem:s22+$0xC0] =	vst.add.f32.msk $0xffff, v7  }
0x155: {  	s26 =	simm.s32 $0x4;
	s28 =	simm.s32 $0x1C90A;
	s25 =	simm.s32 $0x14E00;
	v5 =	vld [tilespmem:s21+$0xFFFFFED0]  }
.LBB2_3:
0x156: {  	v7 =	vld [tilespmem:s28+$0x1];
	s26 =	sadd.s32 $0x4, s26  }
0x157: {  	v8 =	vld [tilespmem:s28+$0xFFFFFFFF];
	p0 =	slt.u32 s26, $0x7C  }
0x158: {  	v9 =	vld [tilespmem:s28+$0x0]  }
0x159: {  	v10 =	vld [tilespmem:s28+$0xFFFFFFFE]  }
0x15a: {  	[tilespmem:s22+$0xD0] =	vst.add.f32.msk $0xffff, v5  }
0x15b: {  	(v2sf) =	vpush v7, $0x0;
	[tilespmem:s23+$0xD0] =	vst.add.f32.msk $0xffff, v3  }
0x15c: {  	(v2sf) =	vpush v8, $0x0;
	[tilespmem:s24+$0xD0] =	vst.add.f32.msk $0xffff, v6  }
0x15d: {  	(v2sf) =	vpush v9, $0x0;
	v3 =	vld [tilespmem:s21+$0xFFFFFEE0]  }
0x15e: {  	(v2sf) =	vpush v10, $0x0;
	v5 =	vld [tilespmem:s21+$0xFFFFFFE0]  }
0x15f: {  	v6 =	vld [tilespmem:s21+$0xE0]  }
0x160: {  	[tilespmem:s19+$0xF0] =	vst.add.f32.msk $0xffff, v2;
	s19 =	smov.u32 s23  }
0x161: {  	[tilespmem:s20+$0xF0] =	vst.add.f32.msk $0xffff, v4;
	s20 =	smov.u32 s24  }
0x162: {  	[tilespmem:s22+$0xE0] =	vst.add.f32.msk $0xffff, v3  }
0x163: {  	[tilespmem:s19+$0xE0] =	vst.add.f32.msk $0xffff, v5  }
0x164: {  	[tilespmem:s20+$0xE0] =	vst.add.f32.msk $0xffff, v6  }
0x165: {  	s21 =	sadd.s32 $0x400, s21;
	v3 =	vld [tilespmem:s25+$0xFFFFFEF0]  }
0x166: {  	v4 =	vld [tilespmem:s21+$0x100]  }
0x167: {  	v5 =	vld [tilespmem:s21+$0xFFFFFE00]  }
0x168: {  	v6 =	vld [tilespmem:s21+$0xFFFFFF00]  }
0x169: {  	v7 =	vld [tilespmem:s21+$0x0]  }
0x16a: {  	s30 =	spop (v2sf);
	v2 =	vld [tilespmem:s25+$0xFFFFFFF0]  }
0x16b: {  	[tilespmem:s30+$0x0] =	vst.add.f32.msk $0xffff, v4;
	s23 =	spop (v2sf)  }
0x16c: {  	v4 =	vld [tilespmem:s21+$0x110];
	s24 =	spop (v2sf)  }
0x16d: {  	[tilespmem:s23+$0x0] =	vst.add.f32.msk $0xffff, v6;
	s29 =	spop (v2sf)  }
0x16e: {  	[tilespmem:s29+$0x0] =	vst.add.f32.msk $0xffff, v5  }
0x16f: {  	[tilespmem:s24+$0x0] =	vst.add.f32.msk $0xffff, v7  }
0x170: {  	v5 =	vld [tilespmem:s21+$0xFFFFFE10]  }
0x171: {  	[tilespmem:s30+$0x10] =	vst.add.f32.msk $0xffff, v4  }
0x172: {  	v4 =	vld [tilespmem:s21+$0x120]  }
0x173: {  	v6 =	vld [tilespmem:s21+$0xFFFFFF10]  }
0x174: {  	v7 =	vld [tilespmem:s21+$0x10]  }
0x175: {  	[tilespmem:s29+$0x10] =	vst.add.f32.msk $0xffff, v5  }
0x176: {  	v5 =	vld [tilespmem:s21+$0xFFFFFE20]  }
0x177: {  	[tilespmem:s30+$0x20] =	vst.add.f32.msk $0xffff, v4  }
0x178: {  	v4 =	vld [tilespmem:s21+$0x130]  }
0x179: {  	[tilespmem:s23+$0x10] =	vst.add.f32.msk $0xffff, v6  }
0x17a: {  	[tilespmem:s24+$0x10] =	vst.add.f32.msk $0xffff, v7  }
0x17b: {  	v6 =	vld [tilespmem:s21+$0xFFFFFF20]  }
0x17c: {  	v7 =	vld [tilespmem:s21+$0x20]  }
0x17d: {  	[tilespmem:s30+$0x30] =	vst.add.f32.msk $0xffff, v4  }
0x17e: {  	v4 =	vld [tilespmem:s21+$0x140]  }
0x17f: {  	[tilespmem:s29+$0x20] =	vst.add.f32.msk $0xffff, v5  }
0x180: {  	[tilespmem:s23+$0x20] =	vst.add.f32.msk $0xffff, v6  }
0x181: {  	[tilespmem:s24+$0x20] =	vst.add.f32.msk $0xffff, v7  }
0x182: {  	v5 =	vld [tilespmem:s21+$0xFFFFFE30]  }
0x183: {  	[tilespmem:s30+$0x40] =	vst.add.f32.msk $0xffff, v4  }
0x184: {  	v4 =	vld [tilespmem:s21+$0x150]  }
0x185: {  	v6 =	vld [tilespmem:s21+$0xFFFFFF30]  }
0x186: {  	v7 =	vld [tilespmem:s21+$0x30]  }
0x187: {  	[tilespmem:s29+$0x30] =	vst.add.f32.msk $0xffff, v5  }
0x188: {  	v5 =	vld [tilespmem:s21+$0xFFFFFE40]  }
0x189: {  	[tilespmem:s30+$0x50] =	vst.add.f32.msk $0xffff, v4  }
0x18a: {  	v4 =	vld [tilespmem:s21+$0x160]  }
0x18b: {  	[tilespmem:s23+$0x30] =	vst.add.f32.msk $0xffff, v6  }
0x18c: {  	[tilespmem:s24+$0x30] =	vst.add.f32.msk $0xffff, v7  }
0x18d: {  	v6 =	vld [tilespmem:s21+$0xFFFFFF40]  }
0x18e: {  	v7 =	vld [tilespmem:s21+$0x40]  }
0x18f: {  	[tilespmem:s30+$0x60] =	vst.add.f32.msk $0xffff, v4  }
0x190: {  	v4 =	vld [tilespmem:s21+$0x170]  }
0x191: {  	[tilespmem:s29+$0x40] =	vst.add.f32.msk $0xffff, v5  }
0x192: {  	[tilespmem:s23+$0x40] =	vst.add.f32.msk $0xffff, v6  }
0x193: {  	[tilespmem:s24+$0x40] =	vst.add.f32.msk $0xffff, v7  }
0x194: {  	v5 =	vld [tilespmem:s21+$0xFFFFFE50]  }
0x195: {  	[tilespmem:s30+$0x70] =	vst.add.f32.msk $0xffff, v4  }
0x196: {  	v4 =	vld [tilespmem:s21+$0x180]  }
0x197: {  	v6 =	vld [tilespmem:s21+$0xFFFFFF50]  }
0x198: {  	v7 =	vld [tilespmem:s21+$0x50]  }
0x199: {  	[tilespmem:s29+$0x50] =	vst.add.f32.msk $0xffff, v5  }
0x19a: {  	v5 =	vld [tilespmem:s21+$0xFFFFFE60]  }
0x19b: {  	[tilespmem:s30+$0x80] =	vst.add.f32.msk $0xffff, v4  }
0x19c: {  	v4 =	vld [tilespmem:s21+$0x190]  }
0x19d: {  	[tilespmem:s23+$0x50] =	vst.add.f32.msk $0xffff, v6  }
0x19e: {  	[tilespmem:s24+$0x50] =	vst.add.f32.msk $0xffff, v7  }
0x19f: {  	v6 =	vld [tilespmem:s21+$0xFFFFFF60]  }
0x1a0: {  	v7 =	vld [tilespmem:s21+$0x60]  }
0x1a1: {  	[tilespmem:s30+$0x90] =	vst.add.f32.msk $0xffff, v4  }
0x1a2: {  	v4 =	vld [tilespmem:s21+$0x1A0]  }
0x1a3: {  	[tilespmem:s29+$0x60] =	vst.add.f32.msk $0xffff, v5  }
0x1a4: {  	[tilespmem:s23+$0x60] =	vst.add.f32.msk $0xffff, v6  }
0x1a5: {  	[tilespmem:s24+$0x60] =	vst.add.f32.msk $0xffff, v7  }
0x1a6: {  	v5 =	vld [tilespmem:s21+$0xFFFFFE70]  }
0x1a7: {  	[tilespmem:s30+$0xA0] =	vst.add.f32.msk $0xffff, v4  }
0x1a8: {  	v4 =	vld [tilespmem:s21+$0x1B0]  }
0x1a9: {  	v6 =	vld [tilespmem:s21+$0xFFFFFF70]  }
0x1aa: {  	v7 =	vld [tilespmem:s21+$0x70]  }
0x1ab: {  	[tilespmem:s29+$0x70] =	vst.add.f32.msk $0xffff, v5  }
0x1ac: {  	v5 =	vld [tilespmem:s21+$0xFFFFFE80]  }
0x1ad: {  	[tilespmem:s30+$0xB0] =	vst.add.f32.msk $0xffff, v4  }
0x1ae: {  	v4 =	vld [tilespmem:s21+$0x1C0]  }
0x1af: {  	[tilespmem:s23+$0x70] =	vst.add.f32.msk $0xffff, v6  }
0x1b0: {  	[tilespmem:s24+$0x70] =	vst.add.f32.msk $0xffff, v7  }
0x1b1: {  	v6 =	vld [tilespmem:s21+$0xFFFFFF80]  }
0x1b2: {  	v7 =	vld [tilespmem:s21+$0x80]  }
0x1b3: {  	[tilespmem:s30+$0xC0] =	vst.add.f32.msk $0xffff, v4  }
0x1b4: {  	v4 =	vld [tilespmem:s21+$0x1D0]  }
0x1b5: {  	[tilespmem:s29+$0x80] =	vst.add.f32.msk $0xffff, v5  }
0x1b6: {  	[tilespmem:s23+$0x80] =	vst.add.f32.msk $0xffff, v6  }
0x1b7: {  	[tilespmem:s24+$0x80] =	vst.add.f32.msk $0xffff, v7  }
0x1b8: {  	v5 =	vld [tilespmem:s21+$0xFFFFFE90]  }
0x1b9: {  	[tilespmem:s30+$0xD0] =	vst.add.f32.msk $0xffff, v4  }
0x1ba: {  	v4 =	vld [tilespmem:s21+$0x1E0]  }
0x1bb: {  	v6 =	vld [tilespmem:s21+$0xFFFFFF90]  }
0x1bc: {  	v7 =	vld [tilespmem:s21+$0x90]  }
0x1bd: {  	[tilespmem:s29+$0x90] =	vst.add.f32.msk $0xffff, v5  }
0x1be: {  	v5 =	vld [tilespmem:s21+$0xFFFFFEA0]  }
0x1bf: {  	[tilespmem:s30+$0xE0] =	vst.add.f32.msk $0xffff, v4  }
0x1c0: {  	v4 =	vld [tilespmem:s21+$0x1F0]  }
0x1c1: {  	[tilespmem:s23+$0x90] =	vst.add.f32.msk $0xffff, v6  }
0x1c2: {  	[tilespmem:s24+$0x90] =	vst.add.f32.msk $0xffff, v7  }
0x1c3: {  	v6 =	vld [tilespmem:s21+$0xFFFFFFA0]  }
0x1c4: {  	v7 =	vld [tilespmem:s21+$0xA0]  }
0x1c5: {  	[tilespmem:s30+$0xF0] =	vst.add.f32.msk $0xffff, v4  }
0x1c6: {  	[tilespmem:s29+$0xA0] =	vst.add.f32.msk $0xffff, v5  }
0x1c7: {  	v4 =	vld [tilespmem:s21+$0xFFFFFEB0]  }
0x1c8: {  	[tilespmem:s23+$0xA0] =	vst.add.f32.msk $0xffff, v6  }
0x1c9: {  	[tilespmem:s24+$0xA0] =	vst.add.f32.msk $0xffff, v7  }
0x1ca: {  	v5 =	vld [tilespmem:s21+$0xFFFFFFB0]  }
0x1cb: {  	v6 =	vld [tilespmem:s21+$0xB0]  }
0x1cc: {  	[tilespmem:s29+$0xB0] =	vst.add.f32.msk $0xffff, v4  }
0x1cd: {  	v7 =	vld [tilespmem:s21+$0xFFFFFEC0]  }
0x1ce: {  	v4 =	vld [tilespmem:s25+$0xF0];
	s25 =	smov.u32 s21  }
0x1cf: {  	[tilespmem:s23+$0xB0] =	vst.add.f32.msk $0xffff, v5  }
0x1d0: {  	[tilespmem:s24+$0xB0] =	vst.add.f32.msk $0xffff, v6  }
0x1d1: {  	v6 =	vld [tilespmem:s21+$0xFFFFFFC0]  }
0x1d2: {  	v8 =	vld [tilespmem:s21+$0xC0]  }
0x1d3: {  	[tilespmem:s29+$0xC0] =	vst.add.f32.msk $0xffff, v7  }
0x1d4: {  	v5 =	vld [tilespmem:s21+$0xFFFFFED0]  }
.Ltmp3:
0x1d5: {  	[tilespmem:s22+$0xF0] =	vst.add.f32.msk $0xffff, v3;
	s22 =	smov.u32 s29;
	(pc) =	sbr.rel @p0 .LBB2_3-.Ltmp3, $4  }
0x1d6: {  	[tilespmem:s23+$0xC0] =	vst.add.f32.msk $0xffff, v6  }
0x1d7: {  	[tilespmem:s24+$0xC0] =	vst.add.f32.msk $0xffff, v8  }
0x1d8: {  	v3 =	vld [tilespmem:s21+$0xFFFFFFD0]  }
0x1d9: {  	s28 =	sadd.s32 $0x4, s28;
	v6 =	vld [tilespmem:s21+$0xD0]  }
0x1da: {  	_ =	sdelay $0x1  }
0x1db: {  	[tilespmem:s22+$0xD0] =	vst.add.f32.msk $0xffff, v5  }
0x1dc: {  	[tilespmem:s23+$0xD0] =	vst.add.f32.msk $0xffff, v3  }
0x1dd: {  	v3 =	vld [tilespmem:s21+$0xFFFFFEE0]  }
0x1de: {  	v63 =	vld [tilespmem:s21+$0xFFFFFFE0]  }
0x1df: {  	[tilespmem:s24+$0xD0] =	vst.add.f32.msk $0xffff, v6  }
0x1e0: {  	v6 =	vld [tilespmem:s21+$0xE0];
	_ =	sdelay $0x1  }
0x1e1: {  	[tilespmem:s22+$0xE0] =	vst.add.f32.msk $0xffff, v3  }
0x1e2: {  	[tilespmem:s23+$0xE0] =	vst.add.f32.msk $0xffff, v63  }
0x1e3: {  	v3 =	vld [tilespmem:s25+$0xFFFFFEF0]  }
0x1e4: {  	[tilespmem:s24+$0xE0] =	vst.add.f32.msk $0xffff, v6  }
0x1e5: {  	s17 =	sadd.s32 $0x1, s17;
	v5 =	vld [tilespmem:s25+$0xFFFFFFF0]  }
0x1e6: {  	p0 =	sne.s32 s17, s16;
	v6 =	vld [tilespmem:s25+$0xF0]  }
.Ltmp4:
0x1e7: {  	[tilespmem:s19+$0xF0] =	vst.add.f32.msk $0xffff, v2;
	(pc) =	sbr.rel @p0 .LBB2_2-.Ltmp4, $4  }
.Ltmp5:
0x1e8: {  	[tilespmem:s20+$0xF0] =	vst.add.f32.msk $0xffff, v4;
	(pc) =	sbr.rel @!p0 .LBB2_5-.Ltmp5, $4  }
0x1e9: {  	[tilespmem:s22+$0xF0] =	vst.add.f32.msk $0xffff, v3  }
0x1ea: {  	[tilespmem:s23+$0xF0] =	vst.add.f32.msk $0xffff, v5  }
0x1eb: {  	s19 =	sadd.s32 $0x80, s18;
	[tilespmem:s24+$0xF0] =	vst.add.f32.msk $0xffff, v6  }
0x1ec: {  	_ = 	snop  }
.LBB2_6:
0x1ed: {  	_ =	sfence.sel $0x180000  }
0x1ee: {  	[bflag:$0x0] =	sbarrier.arrive $0xFFFF  }
0x1ef: {  	p0 =	sne.s32 s1, $0x0;
	_ =	strace $0x9000004A  }
0x1f0: {  	s0 =	sadd.s32 @!p0 $0x100000, s0;
	[bflag:$0x2] =	sbarrier.arrive $0xFFFF  }
0x1f1: {  	[sflag:s0] =	ssyncadd.tile.s32 @!p0 $0x1;
	_ =	shalt  }
.Lfunc_end2:
_tile_overlayer_lowered:
.L_overlay_start_2:
0x1f2: {  	(tag) =	ssettag $0x2  }
0x1f3: {  	s0 =	rddreg [dreg:$0x0];
	s2 =	stileid.u32  }
0x1f4: {  	s1 =	rddreg [dreg:$0x1];
	p0 =	sne.s32 s2, $0x0  }
0x1f5: {  	s3 =	rddreg [dreg:$0x2];
	[bflag:$0x3] =	sbarrier.arrive $0xFFFF;
	s2 =	simm.s32 @!p0 $0x1C01  }
0x1f6: {  	[timem:s3], [sflag:s2] =	dma.local @!p0 [hbm:s0], s1  }
0x1f7: {  	s0 =	simm.s32 @!p0 $0x1  }
0x1f8: {  	_ =	swait.ge @!p0 [sflag:s0], s1  }
0x1f9: {  	s1 =	ssub.s32 @!p0 $0x0, s1;
	[sflag:s0] =	ssyncset.done @!p0 $0x0  }
0x1fa: {  	[sflag:s0] =	ssyncadd.s32 @!p0 s1  }
0x1fb: {  	[bflag:$0x3] =	sbarrier.arrive $0xFFFF  }
0x1fc: {  	_ =	shalt  }

// kernel: sparse-core-data-format-call.cloned.1.call-start
scs
called_computation_lowered:
.L_overlay_start_0:
0x0: {  	s1 =	sld [smem:$0x3FD9]  }
0x1: {  	s2 =	sld [smem:$0x3FFE];
	_ =	sdelay $0x1  }
0x2: {  	s3 =	srdreg.scid  }
0x3: {  	s0 =	sand.u32 $0x1, s3  }
0x4: {  	s17 =	sshll.u32 s0, $0xA;
	s1 =	sadd.s32 s2, s1  }
0x5: {  	s1 =	sadd.s32 s1, s17  }
0x6: {  	[smem:$0x3FC2] =	sst s1  }
0x7: {  	_ = 	snop  }
0x8: {  	(tm) =	ssettm $0x1  }
0x9: {  	s18 =	sld [smem:$0x3FFB];
	_ =	sdelay $0x3  }
0xa: {  	_ =	strace s18  }
0xb: {  	s1 =	sld [smem:$0x3FFC];
	_ =	sdelay $0x3  }
0xc: {  	_ =	strace s1  }
0xd: {  	s1 =	sld [smem:$0x3FFD];
	_ =	sdelay $0x3  }
0xe: {  	_ =	strace s1  }
0xf: {  	_ =	strace $0x8FFFFFFF  }
0x10: {  	s19 =	sld [smem:$0x3FDB];
	_ =	sdelay $0x1  }
0x11: {  	s20 =	simm.s32 $_scs_section_size  }
0x12: {  	s4 =	simm.s32 $_size__tile_overlayer_lowered;
	s5 =	simm.s32 $_tile_overlayer_lowered  }
0x13: {  	s23 =	simm.s32 $0x1BFF;
	s22 =	sshll.u32 s5, $0x1;
	s1 =	sadd.s32 s20, s19  }
0x14: {  	s6 =	simm.s32 $0x0;
	s21 =	sshll.u32 s4, $0x1;
	s4 =	sadd.s32 s22, s1  }
0x15: {  	[timem:s6], [sflag:s23] =	dma.local [hbm:s4], s21  }
0x16: {  	_ =	swait.ge [sflag:s23], s21  }
0x17: {  	s2 =	ssub.s32 $0x0, s21;
	[sflag:s23] =	ssyncset.done $0x0  }
0x18: {  	[sflag:s23] =	ssyncadd.s32 s2;
	_ =	sdelay $0x1  }
0x19: {  	s24 =	simm.s32 $0x1B8B  }
0x1a: {  	_ =	swait.ge [sflag:s24], $0x1  }
0x1b: {  	[sflag:s24] =	ssyncset.done $0x0  }
0x1c: {  	s26 =	simm.s32 $0x1B8E;
	s25 =	sld [smem:$0x3FFE];
	[sflag:s24] =	ssyncadd.s32 $0xFFFFFFFF  }
0x1d: {  	s27 =	simm.s32 $execute0_lowered;
	[smem:$0x3FD2] =	sst s26  }
0x1e: {  	s4 =	sshll.u32 s27, $0x1;
	_ =	strace $0x80000046;
	[dreg:$0x1] =	wrdreg $0xFFFFFFFF  }
0x1f: {  	s28 =	simm.s32 $_size_execute0_lowered;
	s1 =	sadd.s32 s1, s4;
	[dreg:$0x0] =	wrdreg $0x0  }
0x20: {  	s4 =	sshll.u32 s28, $0x1;
	[dreg:$0x2] =	wrdreg s1  }
0x21: {  	[dreg:$0x3] =	wrdreg s4  }
0x22: {  	[dreg:$0x4] =	wrdreg $0xC0  }
0x23: {  	_ =	task [dreg:s6], $0x5FFFF  }
0x24: {  	[dreg:$0x1] =	wrdreg $0xFFFFFFFF  }
0x25: {  	[dreg:$0x0] =	wrdreg $0x60  }
0x26: {  	[dreg:$0x2] =	wrdreg s25  }
0x27: {  	[dreg:$0x3] =	wrdreg $0x9  }
0x28: {  	_ =	task.clear_ibuf [dreg:s6], $0x4FFFF;
	_ =	strace $0x90000046  }
0x29: {  	s29 =	simm.s32 $0x9;
	_ =	strace $0x80000048  }
0x2a: {  	_ =	swait.ge [sflag:s29], $0x1  }
0x2b: {  	[sflag:s29] =	ssyncadd.s32 $0xFFFFFFFF  }
0x2c: {  	_ =	strace $0x90000048  }
0x2d: {  	_ =	sfence  }
0x2e: {  	s30 =	sld [smem:$0x0];
	_ =	sdelay $0x2  }
0x2f: {  	s31 =	sshll.u32 s3, $0xD;
	s3 =	sshrl.u32 s3, $0x2  }
0x30: {  	s2 =	sand.u32 $0x4000, s31;
	s1 =	sadd.s32 s3, s30  }
0x31: {  	s0 =	sor.u32 s2, s0;
	s1 =	sshll.u32 s1, $0x11  }
0x32: {  	s0 =	sor.u32 s1, s0  }
0x33: {  	s0 =	sadd.s32 $0x8F2B, s0  }
0x34: {  	[sflag:s0] =	ssyncadd.remote.s32 $0x1  }
0x35: {  	_ =	sfence.sel $0xFFFF  }
0x36: {  	[dreg:$0x0] =	wrdreg $0xFFFFFFFF;
	(pc) =	sbr.abs _section_cstart, $3  }
0x37: {  	[dreg:$0x1] =	wrdreg $0xFFFFFFFF  }
0x38: {  	_ =	task.clear_ibuf [dreg:s6], $0x2FFFF;
	_ =	strace $0x9FFFFFFF  }
0x39: {  	(tm) =	ssettm $0x7FFFFFFF  }
tec
execute0_lowered:
.L_overlay_start_1:
0x0: {  	(tag) =	ssettag $0x1  }
0x1: {  	s0 =	srdreg.scid  }
0x2: {  	s1 =	sshll.u32 s0, $0x4  }
0x3: {  	s4 =	rddreg [dreg:$0x0];
	s0 =	stileid.u32;
	s1 =	sand.u32 $0x10, s1  }
0x4: {  	s7 =	simm.s32 $0x1;
	s8 =	simm.s32 $0x2;
	s1 =	sor.u32 s0, s1  }
0x5: {  	s9 =	simm.s32 $0x0;
	s12 =	simm.s32 $0x0;
	s2 =	sshll.u32 s1, $0x3  }
0x6: {  	s11 =	simm.s32 $0x0;
	s3 =	sadd.s32 $0x1800, s4;
	s6 =	ssub.s32 $0x4E20, s2  }
.Ltmp0:
0x7: {  	s4 =	sadd.s32 $0x4E3A00, s4;
	s5 =	sand.u32 $0xF8, s6;
	(pc) =	sbr.rel .LBB1_1-.Ltmp0, $4  }
0x8: {  	s1 =	rddreg [dreg:$0x1];
	_ =	strace $0x80000047;
	p0 =	sne.s32 s5, $0x0  }
0x9: {  	s6 =	sshrl.u32 s6, $0x8;
	s5 =	simm.s32 $0x1;
	s7 =	simm.s32 @!p0 $0x0  }
0xa: {  	s10 =	smov.u32 s2;
	[sflag:s5] =	ssyncpa.u1 $0x0;
	s6 =	sadd.s32 s7, s6  }
0xb: {  	[sflag:s8] =	ssyncpa.u1 $0x0;
	s8 =	simm.s32 $0x0;
	s7 =	sadd.s32 $0x1, s6  }
.LBB1_9:
0xc: {  	s14 =	sadd.s32 $0x100, s10  }
0xd: {  	p1 =	sgt.s32 s14, $0x4E1F  }
0xe: {  	s14 =	smov.u32 @p1 s2;
	p1 =	sne.s32 s11, s7  }
.Ltmp1:
0xf: {  	p0 =	slt.u32 s11, $0x2;
	(pc) =	sbr.rel @!p1 .LBB1_10-.Ltmp1, $4  }
0x10: {  	s13 =	simm.s32 @!p0 $0x2  }
0x11: {  	s15 =	sadd.s32 $0x1, s11;
	_ =	swait.ge @!p0 [sflag:s13], $0x4000  }
0x12: {  	s12 =	smov.u32 s10;
	s9 =	sadd.s32 $0x4000, s9;
	[sflag:s13] =	ssyncset.done @!p0 $0x0  }
0x13: {  	s11 =	smov.u32 s15;
	s10 =	smov.u32 s14;
	[sflag:s13] =	ssyncadd.s32 @!p0 $0xFFFFC000  }
.LBB1_1:
0x14: {  	p0 =	sge.u32 s11, s6  }
0x15: {  	s13 =	sxor.u32 @!p0 $0xFFFFFFFF, s11  }
0x16: {  	s31 =	sadd.s32 $0xFFFFFFFF, s11;
	s14 =	sshll.u32 @!p0 s10, $0x8;
	s13 =	sshll.u32 @!p0 s13, $0xE  }
0x17: {  	s15 =	simm.s32 @!p0 $0x0;
	s14 =	sadd.s32 @!p0 s3, s14;
	s13 =	sand.u32 @!p0 $0x4000, s13  }
0x18: {  	[tilespmem:s13], [sflag:$0x1] =	stream.linear.gather @!p0 [hbm4b:s14+s15], $0x4000, $0x38;
	[tilespmem:$0x10000] =	vst v63  }
0x19: {  	p0 =	sge.u32 s31, s6  }
.Ltmp2:
0x1a: {  	_ = 	snop;
	(pc) =	sbr.rel @p0 .LBB1_9-.Ltmp2, $1  }
0x1b: {  	_ =	sdelay $0x3  }
0x1c: {  	s13 =	sshll.u32 s9, $0x2;
	_ =	swait.ge [sflag:s5], $0x4000;
	s14 =	sshll.u32 s11, $0xE  }
0x1d: {  	s16 =	simm.s32 $0x0;
	s17 =	simm.s32 $0x0;
	s15 =	sand.u32 $0x10000, s13  }
0x1e: {  	[sflag:s5] =	ssyncset.done $0x0;
	s31 =	sand.u32 $0x4000, s14;
	s14 =	sshrl.u32 s15, $0x2  }
0x1f: {  	[sflag:s5] =	ssyncadd.s32 $0xFFFFC000;
	s13 =	sor.u32 $0x8000, s31;
	s15 =	sor.u32 $0x8000, s14  }
.LBB1_3:
0x20: {  	s18 =	sshra.s32 s16, $0x2  }
0x21: {  	v0 =	vmov s18;
	_ =	sdelay $0x3  }
0x22: {  	p1 =	por $0x1, $0x1;
	s18 =	simm.s32 $0x0  }
.LBB1_4:
0x23: {  	_ = 	snop  }
0x24: {  	s19 =	sshll.u32 s18, $0xA  }
0x25: {  	s19 =	sand.u32 $0x3FFFFC00, s19  }
0x26: {  	s19 =	sadd.s32 s19, s14  }
0x27: {  	v5 =	vld.idx.msk [tilespmem:v0+s19+$0x70 ss:$0x1], $0xffff  }
0x28: {  	v6 =	vld.idx.msk [tilespmem:v0+s19+$0x10 ss:$0x1], $0xffff  }
0x29: {  	v7 =	vld.idx.msk [tilespmem:v0+s19+$0x20 ss:$0x1], $0xffff  }
0x2a: {  	s31 =	sshll.u32 s18, $0x7;
	v1 =	vld.idx.msk [tilespmem:v0+s19+$0x30 ss:$0x1], $0xffff  }
0x2b: {  	s18 =	sand.u32 $0x3FFFFF80, s31;
	v2 =	vld.idx.msk [tilespmem:v0+s19+$0x40 ss:$0x1], $0xffff  }
0x2c: {  	s18 =	sadd.s32 s18, s15;
	v3 =	vld.idx.msk [tilespmem:v0+s19+$0x50 ss:$0x1], $0xffff  }
0x2d: {  	v4 =	vld.idx.msk [tilespmem:v0+s19+$0x60 ss:$0x1], $0xffff;
	[tilespmem:v0+s18+$0x70 ss:$0x1] =	vst.idx.msk $0xffff, v5  }
0x2e: {  	v5 =	vld.idx.msk [tilespmem:v0+s19+$0x0 ss:$0x1], $0xffff;
	[tilespmem:v0+s18+$0x10 ss:$0x1] =	vst.idx.msk $0xffff, v6;
	s19 =	sadd.s32 $0x80, s19  }
0x2f: {  	p0 =	por p1, p1;
	s20 =	simm.s32 $0x6;
	[tilespmem:v0+s18+$0x20 ss:$0x1] =	vst.idx.msk $0xffff, v7;
	v6 =	vld.idx.msk [tilespmem:v0+s19+$0x70 ss:$0x1], $0xffff  }
.LBB1_5:
0x30: {  	p1 =	sne.s32 s20, $0x1;
	v7 =	vld.idx.msk [tilespmem:v0+s19+$0x10 ss:$0x1], $0xffff;
	[tilespmem:v0+s18+$0x30 ss:$0x1] =	vst.idx.msk $0xffff, v1  }
0x31: {  	v8 =	vld.idx.msk [tilespmem:v0+s19+$0x20 ss:$0x1], $0xffff;
	[tilespmem:v0+s18+$0x40 ss:$0x1] =	vst.idx.msk $0xffff, v2  }
0x32: {  	v1 =	vld.idx.msk [tilespmem:v0+s19+$0x30 ss:$0x1], $0xffff;
	[tilespmem:v0+s18+$0x50 ss:$0x1] =	vst.idx.msk $0xffff, v3  }
.Ltmp3:
0x33: {  	v2 =	vld.idx.msk [tilespmem:v0+s19+$0x40 ss:$0x1], $0xffff;
	[tilespmem:v0+s18+$0x60 ss:$0x1] =	vst.idx.msk $0xffff, v4;
	(pc) =	sbr.rel @p1 .LBB1_5-.Ltmp3, $4  }
0x34: {  	v3 =	vld.idx.msk [tilespmem:v0+s19+$0x50 ss:$0x1], $0xffff;
	[tilespmem:v0+s18+$0x0 ss:$0x1] =	vst.idx.msk $0xffff, v5;
	s18 =	sadd.s32 $0x100, s18  }
0x35: {  	v4 =	vld.idx.msk [tilespmem:v0+s19+$0x60 ss:$0x1], $0xffff;
	[tilespmem:v0+s18+$0x70 ss:$0x1] =	vst.idx.msk $0xffff, v6  }
0x36: {  	v5 =	vld.idx.msk [tilespmem:v0+s19+$0x0 ss:$0x1], $0xffff;
	[tilespmem:v0+s18+$0x10 ss:$0x1] =	vst.idx.msk $0xffff, v7;
	s19 =	sadd.s32 $0x80, s19  }
0x37: {  	s20 =	sadd.s32 $0xFFFFFFFF, s20;
	v6 =	vld.idx.msk [tilespmem:v0+s19+$0x70 ss:$0x1], $0xffff;
	[tilespmem:v0+s18+$0x20 ss:$0x1] =	vst.idx.msk $0xffff, v8  }
0x38: {  	_ =	sdelay $0x3  }
0x39: {  	[tilespmem:v0+s18+$0x30 ss:$0x1] =	vst.idx.msk $0xffff, v1  }
0x3a: {  	v1 =	vld.idx.msk [tilespmem:v0+s19+$0x10 ss:$0x1], $0xffff;
	[tilespmem:v0+s18+$0x40 ss:$0x1] =	vst.idx.msk $0xffff, v2  }
0x3b: {  	v2 =	vld.idx.msk [tilespmem:v0+s19+$0x20 ss:$0x1], $0xffff;
	[tilespmem:v0+s18+$0x50 ss:$0x1] =	vst.idx.msk $0xffff, v3  }
0x3c: {  	v61 =	vld.idx.msk [tilespmem:v0+s19+$0x40 ss:$0x1], $0xffff;
	[tilespmem:v0+s18+$0x60 ss:$0x1] =	vst.idx.msk $0xffff, v4  }
0x3d: {  	s31 =	sadd.s32 $0x100, s18;
	v62 =	vld.idx.msk [tilespmem:v0+s19+$0x50 ss:$0x1], $0xffff;
	[tilespmem:v0+s18+$0x0 ss:$0x1] =	vst.idx.msk $0xffff, v5  }
0x3e: {  	v63 =	vld.idx.msk [tilespmem:v0+s19+$0x60 ss:$0x1], $0xffff;
	[tilespmem:v0+s31+$0x70 ss:$0x1] =	vst.idx.msk $0xffff, v6  }
0x3f: {  	v3 =	vld.idx.msk [tilespmem:v0+s19+$0x30 ss:$0x1], $0xffff;
	[tilespmem:v0+s31+$0x10 ss:$0x1] =	vst.idx.msk $0xffff, v1  }
0x40: {  	v1 =	vld.idx.msk [tilespmem:v0+s19+$0x0 ss:$0x1], $0xffff;
	[tilespmem:v0+s31+$0x20 ss:$0x1] =	vst.idx.msk $0xffff, v2  }
.Ltmp4:
0x41: {  	[tilespmem:v0+s31+$0x40 ss:$0x1] =	vst.idx.msk $0xffff, v61;
	(pc) =	sbr.rel @p0 .LBB1_4-.Ltmp4, $4  }
0x42: {  	[tilespmem:v0+s31+$0x50 ss:$0x1] =	vst.idx.msk $0xffff, v62  }
0x43: {  	[tilespmem:v0+s31+$0x60 ss:$0x1] =	vst.idx.msk $0xffff, v63  }
0x44: {  	[tilespmem:v0+s31+$0x30 ss:$0x1] =	vst.idx.msk $0xffff, v3  }
0x45: {  	p1 =	por $0x0, $0x0;
	s18 =	simm.s32 $0x1;
	[tilespmem:v0+s31+$0x0 ss:$0x1] =	vst.idx.msk $0xffff, v1  }
0x46: {  	s17 =	sadd.s32 $0x1, s17  }
0x47: {  	p0 =	sne.s32 s17, $0x8  }
.Ltmp5:
0x48: {  	_ = 	snop;
	(pc) =	sbr.rel @p0 .LBB1_3-.Ltmp5, $2  }
0x49: {  	_ =	sdelay $0x2  }
0x4a: {  	s16 =	sadd.s32 $0x2000, s16  }
.Ltmp6:
0x4b: {  	(pc) =	sbr.rel .LBB1_9-.Ltmp6, $4  }
0x4c: {  	_ = 	snop  }
0x4d: {  	s12 =	sshll.u32 s12, $0x8  }
0x4e: {  	s12 =	sadd.s32 s4, s12  }
0x4f: {  	[hbm4b:s12+s8] =	stream.linear.scatter [tilespmem:s13], [sflag:$0x2], $0x4000, $0x38;
	[tilespmem:$0x10000] =	vst v63  }
.LBB1_10:
0x50: {  	_ =	sfence.sel $0x180000  }
0x51: {  	s2 =	simm.s32 $0x1;
	[bflag:$0x0] =	sbarrier.arrive $0xFFFF  }
0x52: {  	s31 =	simm.s32 $0x2;
	[sflag:s2] =	ssyncpa.u1 $0x1  }
0x53: {  	[sflag:s31] =	ssyncpa.u1 $0x1  }
0x54: {  	p0 =	sne.s32 s0, $0x0;
	_ =	strace $0x90000047  }
0x55: {  	s0 =	sadd.s32 @!p0 $0x100000, s1;
	[bflag:$0x2] =	sbarrier.arrive $0xFFFF  }
0x56: {  	[sflag:s0] =	ssyncadd.tile.s32 @!p0 $0x1;
	_ =	shalt  }
.Lfunc_end1:
_tile_overlayer_lowered:
.L_overlay_start_2:
0x57: {  	(tag) =	ssettag $0x2  }
0x58: {  	s0 =	rddreg [dreg:$0x0];
	s2 =	stileid.u32  }
0x59: {  	s1 =	rddreg [dreg:$0x1];
	p0 =	sne.s32 s2, $0x0  }
0x5a: {  	s3 =	rddreg [dreg:$0x2];
	[bflag:$0x3] =	sbarrier.arrive $0xFFFF;
	s2 =	simm.s32 @!p0 $0x1C01  }
0x5b: {  	[timem:s3], [sflag:s2] =	dma.local @!p0 [hbm:s0], s1  }
0x5c: {  	s0 =	simm.s32 @!p0 $0x1  }
0x5d: {  	_ =	swait.ge @!p0 [sflag:s0], s1  }
0x5e: {  	s1 =	ssub.s32 @!p0 $0x0, s1;
	[sflag:s0] =	ssyncset.done @!p0 $0x0  }
0x5f: {  	[sflag:s0] =	ssyncadd.s32 @!p0 s1  }
0x60: {  	[bflag:$0x3] =	sbarrier.arrive $0xFFFF  }
0x61: {  	_ =	shalt  }

</sc_bundles>
